<compile_context>
chip_gen: v7x
topology: tpu7x:2x2x1
jax: 0.10.2.dev20260603
libtpu: 0.0.44.dev20260713+nightly
codegen_flags: <defaults>
</compile_context>

<pallas_src>
import functools

import jax
import jax.numpy as jnp
from jax import lax
from jax.experimental import pallas as pl
from jax.experimental.pallas import tpu as pltpu
from jax.experimental.pallas import tpu_sc as plsc

B = 16384
D = 10
N = 1000000
L = 16
NC = 2
NS = 16
NW = NC * NS
BPW = B // NW
NB = 24


def _rsqrt(x):
    i = lax.bitcast_convert_type(x, jnp.int32)
    i = jnp.int32(0x5F3759DF) - lax.shift_right_arithmetic(i, jnp.int32(1))
    y = lax.bitcast_convert_type(i, jnp.float32)
    for _ in range(3):
        y = y * (jnp.float32(1.5) - jnp.float32(0.5) * x * y * y)
    return y


_mesh = plsc.VectorSubcoreMesh(core_axis_name="c", subcore_axis_name="s")


@functools.partial(
    pl.kernel,
    mesh=_mesh,
    out_type=jax.ShapeDtypeStruct((B,), jnp.float32),
    compiler_params=pltpu.CompilerParams(needs_layout_passes=False),
    scratch_types=[
        pltpu.VMEM((BPW,), jnp.int32),
        pltpu.VMEM((BPW,), jnp.int32),
        pltpu.VMEM((BPW,), jnp.int32),
        pltpu.VMEM((BPW,), jnp.int32),
        pltpu.VMEM((NB, D, 128), jnp.float32),
        pltpu.VMEM((NB, D, 128), jnp.float32),
        pltpu.VMEM((D, BPW), jnp.float32),
        pltpu.VMEM((D, BPW), jnp.float32),
        pltpu.VMEM((BPW,), jnp.float32),
        pltpu.SemaphoreType.DMA,
        pltpu.SemaphoreType.DMA,
    ],
)
def _cosine_kernel(o_id_hbm, e_id_hbm, mentors_t_hbm, mentees_t_hbm, out_hbm,
                   oidx_v, eidx_v, omod_v, emod_v, oring_v, ering_v,
                   ocols_v, ecols_v, res_v, semo, seme):
    wid = lax.axis_index("s") * NC + lax.axis_index("c")
    base = wid * BPW

    pltpu.sync_copy(o_id_hbm.at[pl.ds(base, BPW)], oidx_v)
    pltpu.sync_copy(e_id_hbm.at[pl.ds(base, BPW)], eidx_v)

    lanes = lax.iota(jnp.int32, L)
    dmask = lanes < D

    def mod_body(g, _):
        sl = pl.ds(g * L, L)
        omod_v[sl] = oidx_v[sl] & 127
        emod_v[sl] = eidx_v[sl] & 127
        return 0

    lax.fori_loop(0, BPW // L, mod_body, 0)

    def _scalar_at(vref, j):
        gb = pl.multiple_of(lax.shift_left(lax.shift_right_logical(j, 4), 4),
                            L)
        vec = vref[pl.ds(gb, L)]
        lane = j & 15
        return jnp.sum(jnp.where(lanes == lane, vec, 0))

    def fire(j, b):
        ro = _scalar_at(oidx_v, j)
        re = _scalar_at(eidx_v, j)
        co = pl.multiple_of(lax.shift_left(lax.shift_right_logical(ro, 7), 7),
                            128)
        ce = pl.multiple_of(lax.shift_left(lax.shift_right_logical(re, 7), 7),
                            128)
        pltpu.async_copy(mentors_t_hbm.at[:, pl.ds(co, 128)], oring_v.at[b],
                         semo)
        pltpu.async_copy(mentees_t_hbm.at[:, pl.ds(ce, 128)], ering_v.at[b],
                         seme)

    def drain_and_extract(j, b):
        pltpu.make_async_copy(mentors_t_hbm.at[:, pl.ds(0, 128)],
                              oring_v.at[b], semo).wait()
        pltpu.make_async_copy(mentees_t_hbm.at[:, pl.ds(0, 128)],
                              ering_v.at[b], seme).wait()
        gb = pl.multiple_of(lax.shift_left(lax.shift_right_logical(j, 4), 4),
                            L)
        lane = jnp.full((L,), j & 15, jnp.int32)
        mo = jnp.take(omod_v[pl.ds(gb, L)], lane)
        me = jnp.take(emod_v[pl.ds(gb, L)], lane)
        jv = jnp.full((L,), j, jnp.int32)
        ov = plsc.load_gather(oring_v.at[b], [lanes, mo], mask=dmask)
        ev = plsc.load_gather(ering_v.at[b], [lanes, me], mask=dmask)
        plsc.store_scatter(ocols_v, [lanes, jv], ov, mask=dmask)
        plsc.store_scatter(ecols_v, [lanes, jv], ev, mask=dmask)

    for j in range(NB):
        fire(j, j)

    def main_body(j, _):
        b = lax.rem(j, NB)
        drain_and_extract(j, b)
        fire(j + NB, b)
        return 0

    lax.fori_loop(0, BPW - NB, main_body, 0)

    def tail_body(j, _):
        drain_and_extract(j, lax.rem(j, NB))
        return 0

    lax.fori_loop(BPW - NB, BPW, tail_body, 0)

    zero = jnp.zeros((L,), jnp.float32)

    def cos_body(g, _):
        rbase = pl.multiple_of(g * L, L)
        sl = pl.ds(rbase, L)
        dot = zero
        on2 = zero
        en2 = zero
        for d in range(D):
            o = ocols_v[d, sl]
            e = ecols_v[d, sl]
            dot = dot + o * e
            on2 = on2 + o * o
            en2 = en2 + e * e
        res_v[sl] = dot * _rsqrt(on2 * en2)
        return 0

    lax.fori_loop(0, BPW // L, cos_body, 0)

    pltpu.sync_copy(res_v, out_hbm.at[pl.ds(base, BPW)])


def kernel(o_id, e_id, mentors, mentees):
    return _cosine_kernel(o_id.astype(jnp.int32), e_id.astype(jnp.int32),
                          mentors.T, mentees.T)

# --- scband reference (transcript-rebuilt; emitter-appended) ---
"""Pipeline reference for scband-model-2430951490020 (READ-ONLY COPY).

The authoritative reference and input builder live on the scoring server;
editing this copy changes nothing except your own understanding.
"""

import jax, jax.numpy as jnp
import numpy as np

NUM_MENTORS = 1000000
NUM_MENTEES = 1000000
EMBED_DIM = 10
BATCH = 16384

def setup_inputs(seed: int = 0) -> dict:
    key = jax.random.key(seed)
    k1, k2, k3, k4 = jax.random.split(key, 4)
    o_id = jax.random.randint(k1, (BATCH,), 0, NUM_MENTORS, dtype=jnp.int64 if jax.config.jax_enable_x64 else jnp.int32)
    e_id = jax.random.randint(k2, (BATCH,), 0, NUM_MENTEES, dtype=jnp.int64 if jax.config.jax_enable_x64 else jnp.int32)
    mentors = jax.random.normal(k3, (NUM_MENTORS, EMBED_DIM), dtype=jnp.float32)
    mentees = jax.random.normal(k4, (NUM_MENTEES, EMBED_DIM), dtype=jnp.float32)
    return {"o_id": o_id, "e_id": e_id, "mentors": mentors, "mentees": mentees}

def reference(o_id, e_id, mentors, mentees):
    o_vec = jnp.take(mentors, o_id, axis=0)
    e_vec = jnp.take(mentees, e_id, axis=0)
    o_norm = jnp.linalg.norm(o_vec, axis=1)
    e_norm = jnp.linalg.norm(e_vec, axis=1)
    return jnp.sum(o_vec * e_vec, axis=1) / (o_norm * e_norm)

if __name__ == "__main__":
    import jax
    _d = setup_inputs()
    print(jax.jit(kernel)(*tuple(_d.values())))

</pallas_src>

<mosaic_0001>
#map = affine_map<(d0, d1) -> (0)>
#map1 = affine_map<(d0, d1) -> (0, 0)>
module attributes {stable_mosaic.version = 14 : i64} {
  func.func @_cosine_kernel(%arg0: i32, %arg1: i32, %arg2: memref<16384xi32, #tpu.memory_space<hbm>>, %arg3: memref<16384xi32, #tpu.memory_space<hbm>>, %arg4: memref<10x1000000xf32, #tpu.memory_space<hbm>>, %arg5: memref<10x1000000xf32, #tpu.memory_space<hbm>>, %arg6: memref<16384xf32, #tpu.memory_space<hbm>>, %arg7: memref<512xi32, #tpu.memory_space<vmem>>, %arg8: memref<512xi32, #tpu.memory_space<vmem>>, %arg9: memref<512xi32, #tpu.memory_space<vmem>>, %arg10: memref<512xi32, #tpu.memory_space<vmem>>, %arg11: memref<24x10x128xf32, #tpu.memory_space<vmem>>, %arg12: memref<24x10x128xf32, #tpu.memory_space<vmem>>, %arg13: memref<10x512xf32, #tpu.memory_space<vmem>>, %arg14: memref<10x512xf32, #tpu.memory_space<vmem>>, %arg15: memref<512xf32, #tpu.memory_space<vmem>>, %arg16: memref<!tpu.dma_semaphore, #tpu.memory_space<semaphore_mem>>, %arg17: memref<!tpu.dma_semaphore, #tpu.memory_space<semaphore_mem>>) attributes {dimension_semantics = [#tpu.dimension_semantics<core_parallel>, #tpu.dimension_semantics<subcore_parallel>], iteration_bounds = array<i64: 2, 16>, scalar_prefetch = 0 : i64, scratch_operands = 11 : i64, tpu.core_type = #tpu.core_type<sc_vector_subcore>, window_params = [{transform_indices = #map}, {transform_indices = #map}, {transform_indices = #map1}, {transform_indices = #map1}, {transform_indices = #map}]} {
    %mul3A = arith.constant 2 : i32
    %mul3A_0 = arith.muli %arg1, %mul3A : i32
    %add3A = arith.addi %mul3A_0, %arg0 : i32
    %mul3A_1 = arith.constant 512 : i32
    %mul3A_2 = arith.muli %add3A, %mul3A_1 : i32
    "tpu.region"() ({
      %run_scoped3A = tpu.sem_alloc : memref<!tpu.dma_semaphore, #tpu.memory_space<semaphore_mem>>
      %dma_start3A_1752 = tpu.memref_slice %arg2[%mul3A_2] : memref<16384xi32, #tpu.memory_space<hbm>> -> memref<512xi32, #tpu.memory_space<hbm>>
      %dma_start3A_1753 = tpu.memref_slice %arg2[%mul3A_2] : memref<16384xi32, #tpu.memory_space<hbm>> -> memref<512xi32, #tpu.memory_space<hbm>>
      tpu.enqueue_dma source(%dma_start3A_1753 : memref<512xi32, #tpu.memory_space<hbm>>) target(%arg7 : memref<512xi32, #tpu.memory_space<vmem>>) target_semaphore(%run_scoped3A : memref<!tpu.dma_semaphore, #tpu.memory_space<semaphore_mem>>)
      %dma_wait3A = tpu.memref_slice %arg2[%mul3A_2] : memref<16384xi32, #tpu.memory_space<hbm>> -> memref<512xi32, #tpu.memory_space<hbm>>
      %dma_wait3A_1754 = tpu.memref_slice %arg2[%mul3A_2] : memref<16384xi32, #tpu.memory_space<hbm>> -> memref<512xi32, #tpu.memory_space<hbm>>
      tpu.wait_dma2 semaphore(%run_scoped3A : memref<!tpu.dma_semaphore, #tpu.memory_space<semaphore_mem>>) src(%dma_wait3A_1754 : memref<512xi32, #tpu.memory_space<hbm>>) dst(%arg7 : memref<512xi32, #tpu.memory_space<vmem>>)
      tpu.yield
    }) : () -> ()
    "tpu.region"() ({
      %run_scoped3A = tpu.sem_alloc : memref<!tpu.dma_semaphore, #tpu.memory_space<semaphore_mem>>
      %dma_start3A_1752 = tpu.memref_slice %arg3[%mul3A_2] : memref<16384xi32, #tpu.memory_space<hbm>> -> memref<512xi32, #tpu.memory_space<hbm>>
      %dma_start3A_1753 = tpu.memref_slice %arg3[%mul3A_2] : memref<16384xi32, #tpu.memory_space<hbm>> -> memref<512xi32, #tpu.memory_space<hbm>>
      tpu.enqueue_dma source(%dma_start3A_1753 : memref<512xi32, #tpu.memory_space<hbm>>) target(%arg8 : memref<512xi32, #tpu.memory_space<vmem>>) target_semaphore(%run_scoped3A : memref<!tpu.dma_semaphore, #tpu.memory_space<semaphore_mem>>)
      %dma_wait3A = tpu.memref_slice %arg3[%mul3A_2] : memref<16384xi32, #tpu.memory_space<hbm>> -> memref<512xi32, #tpu.memory_space<hbm>>
      %dma_wait3A_1754 = tpu.memref_slice %arg3[%mul3A_2] : memref<16384xi32, #tpu.memory_space<hbm>> -> memref<512xi32, #tpu.memory_space<hbm>>
      tpu.wait_dma2 semaphore(%run_scoped3A : memref<!tpu.dma_semaphore, #tpu.memory_space<semaphore_mem>>) src(%dma_wait3A_1754 : memref<512xi32, #tpu.memory_space<hbm>>) dst(%arg8 : memref<512xi32, #tpu.memory_space<vmem>>)
      tpu.yield
    }) : () -> ()
    %iota3A = tpu.iota {dimensions = array<i32: 0>} : vector<16xi32>
    %lt3A = arith.constant 10 : i32
    %lt3A_3 = vector.broadcast %lt3A : i32 to vector<16xi32>
    %lt3A_4 = arith.cmpi slt, %iota3A, %lt3A_3 : vector<16xi32>
    %scan3A = arith.constant 0 : i32
    %scan3A_5 = arith.constant 0 : i32
    %scan3A_6 = arith.constant 32 : i32
    %scan3A_7 = arith.addi %scan3A_5, %scan3A_6 : i32
    %scan3A_8 = arith.constant 1 : i32
    %scan3A_9 = scf.for %scan3A_1752 = %scan3A_5 to %scan3A_7 step %scan3A_8 iter_args(%scan3A_1753 = %scan3A) -> (i32)  : i32 {
      %mul3A_1754 = arith.constant 16 : i32
      %mul3A_1755 = arith.muli %scan3A_1752, %mul3A_1754 : i32
      %get3A_1756 = arith.index_cast %mul3A_1755 : i32 to index
      %get3A_1757 = tpu.vector_load %arg7[%get3A_1756] {strides = array<i32>} : memref<512xi32, #tpu.memory_space<vmem>>, vector<16xi32>,
      %and3A = arith.constant 127 : i32
      %and3A_1758 = vector.broadcast %and3A : i32 to vector<16xi32>
      %and3A_1759 = arith.andi %get3A_1757, %and3A_1758 : vector<16xi32>
      %swap3A = arith.index_cast %mul3A_1755 : i32 to index
      %swap3A_1760 = tpu.vector_load %arg9[%swap3A] {strides = array<i32>} : memref<512xi32, #tpu.memory_space<vmem>>, vector<16xi32>,
      tpu.vector_store %arg9[%swap3A], %and3A_1759 {strides = array<i32>} : memref<512xi32, #tpu.memory_space<vmem>>, vector<16xi32>,
      %get3A_1761 = arith.index_cast %mul3A_1755 : i32 to index
      %get3A_1762 = tpu.vector_load %arg8[%get3A_1761] {strides = array<i32>} : memref<512xi32, #tpu.memory_space<vmem>>, vector<16xi32>,
      %and3A_1763 = arith.constant 127 : i32
      %and3A_1764 = vector.broadcast %and3A_1763 : i32 to vector<16xi32>
      %and3A_1765 = arith.andi %get3A_1762, %and3A_1764 : vector<16xi32>
      %swap3A_1766 = arith.index_cast %mul3A_1755 : i32 to index
      %swap3A_1767 = tpu.vector_load %arg10[%swap3A_1766] {strides = array<i32>} : memref<512xi32, #tpu.memory_space<vmem>>, vector<16xi32>,
      tpu.vector_store %arg10[%swap3A_1766], %and3A_1765 {strides = array<i32>} : memref<512xi32, #tpu.memory_space<vmem>>, vector<16xi32>,
      %scan3A_1768 = arith.constant 0 : i32
      scf.yield %scan3A_1768 : i32
    }
    %scan3A_10 = arith.constant 32 : i32
    %shift_right_logical3A = arith.constant 0 : i32
    %shift_right_logical3A_11 = arith.constant 4 : i32
    %shift_right_logical3A_12 = arith.shrui %shift_right_logical3A, %shift_right_logical3A_11 : i32
    %shift_left3A = arith.constant 4 : i32
    %shift_left3A_13 = arith.shli %shift_right_logical3A_12, %shift_left3A : i32
    %multiple_of3A = tpu.assume_multiple %shift_left3A_13, 16 : i32
    %get3A = arith.index_cast %multiple_of3A : i32 to index
    %get3A_14 = tpu.vector_load %arg7[%get3A] {strides = array<i32>} : memref<512xi32, #tpu.memory_space<vmem>>, vector<16xi32>,
    %eq3A = arith.constant 0 : i32
    %eq3A_15 = vector.broadcast %eq3A : i32 to vector<16xi32>
    %eq3A_16 = arith.cmpi eq, %iota3A, %eq3A_15 : vector<16xi32>
    %jit3A = arith.constant 0 : i32
    %broadcast_in_dim3A = vector.broadcast %jit3A : i32 to vector<16xi32>
    %select_n3A = arith.select %eq3A_16, %get3A_14, %broadcast_in_dim3A : vector<16xi1>, vector<16xi32>
    %reduce_sum3A = arith.constant true
    %reduce_sum3A_17 = vector.broadcast %reduce_sum3A : i1 to vector<16xi1>
    %reduce_sum3A_18 = tpu.scan <sum>, %select_n3A masked %reduce_sum3A_17 : vector<16xi32>, vector<16xi1> -> vector<16xi32>
    %reduce_sum3A_19 = vector.extract %reduce_sum3A_18[15] : i32 from vector<16xi32>
    %shift_right_logical3A_20 = arith.constant 0 : i32
    %shift_right_logical3A_21 = arith.constant 4 : i32
    %shift_right_logical3A_22 = arith.shrui %shift_right_logical3A_20, %shift_right_logical3A_21 : i32
    %shift_left3A_23 = arith.constant 4 : i32
    %shift_left3A_24 = arith.shli %shift_right_logical3A_22, %shift_left3A_23 : i32
    %multiple_of3A_25 = tpu.assume_multiple %shift_left3A_24, 16 : i32
    %get3A_26 = arith.index_cast %multiple_of3A_25 : i32 to index
    %get3A_27 = tpu.vector_load %arg8[%get3A_26] {strides = array<i32>} : memref<512xi32, #tpu.memory_space<vmem>>, vector<16xi32>,
    %eq3A_28 = arith.constant 0 : i32
    %eq3A_29 = vector.broadcast %eq3A_28 : i32 to vector<16xi32>
    %eq3A_30 = arith.cmpi eq, %iota3A, %eq3A_29 : vector<16xi32>
    %jit3A_31 = arith.constant 0 : i32
    %broadcast_in_dim3A_32 = vector.broadcast %jit3A_31 : i32 to vector<16xi32>
    %select_n3A_33 = arith.select %eq3A_30, %get3A_27, %broadcast_in_dim3A_32 : vector<16xi1>, vector<16xi32>
    %reduce_sum3A_34 = arith.constant true
    %reduce_sum3A_35 = vector.broadcast %reduce_sum3A_34 : i1 to vector<16xi1>
    %reduce_sum3A_36 = tpu.scan <sum>, %select_n3A_33 masked %reduce_sum3A_35 : vector<16xi32>, vector<16xi1> -> vector<16xi32>
    %reduce_sum3A_37 = vector.extract %reduce_sum3A_36[15] : i32 from vector<16xi32>
    %shift_right_logical3A_38 = arith.constant 7 : i32
    %shift_right_logical3A_39 = arith.shrui %reduce_sum3A_19, %shift_right_logical3A_38 : i32
    %shift_left3A_40 = arith.constant 7 : i32
    %shift_left3A_41 = arith.shli %shift_right_logical3A_39, %shift_left3A_40 : i32
    %multiple_of3A_42 = tpu.assume_multiple %shift_left3A_41, 128 : i32
    %shift_right_logical3A_43 = arith.constant 7 : i32
    %shift_right_logical3A_44 = arith.shrui %reduce_sum3A_37, %shift_right_logical3A_43 : i32
    %shift_left3A_45 = arith.constant 7 : i32
    %shift_left3A_46 = arith.shli %shift_right_logical3A_44, %shift_left3A_45 : i32
    %multiple_of3A_47 = tpu.assume_multiple %shift_left3A_46, 128 : i32
    %dma_start3A = arith.constant 0 : i32
    %dma_start3A_48 = arith.constant 0 : i32
    %dma_start3A_49 = arith.constant 0 : i32
    %dma_start3A_50 = tpu.memref_slice %arg11[%dma_start3A, %dma_start3A_48, %dma_start3A_49] : memref<24x10x128xf32, #tpu.memory_space<vmem>> -> memref<1x10x128xf32, #tpu.memory_space<vmem>>
    %dma_start3A_51 = tpu.memref_squeeze %dma_start3A_50 : memref<1x10x128xf32, #tpu.memory_space<vmem>> -> memref<10x128xf32, #tpu.memory_space<vmem>>
    %dma_start3A_52 = arith.constant 0 : i32
    %dma_start3A_53 = tpu.memref_slice %arg4[%dma_start3A_52, %multiple_of3A_42] : memref<10x1000000xf32, #tpu.memory_space<hbm>> -> memref<10x128xf32, #tpu.memory_space<hbm>>
    %dma_start3A_54 = arith.constant 0 : i32
    %dma_start3A_55 = arith.constant 0 : i32
    %dma_start3A_56 = tpu.memref_slice %arg11[%dma_start3A, %dma_start3A_54, %dma_start3A_55] : memref<24x10x128xf32, #tpu.memory_space<vmem>> -> memref<1x10x128xf32, #tpu.memory_space<vmem>>
    %dma_start3A_57 = tpu.memref_squeeze %dma_start3A_56 : memref<1x10x128xf32, #tpu.memory_space<vmem>> -> memref<10x128xf32, #tpu.memory_space<vmem>>
    %dma_start3A_58 = arith.constant 0 : i32
    %dma_start3A_59 = tpu.memref_slice %arg4[%dma_start3A_58, %multiple_of3A_42] : memref<10x1000000xf32, #tpu.memory_space<hbm>> -> memref<10x128xf32, #tpu.memory_space<hbm>>
    tpu.enqueue_dma source(%dma_start3A_59 : memref<10x128xf32, #tpu.memory_space<hbm>>) target(%dma_start3A_57 : memref<10x128xf32, #tpu.memory_space<vmem>>) target_semaphore(%arg16 : memref<!tpu.dma_semaphore, #tpu.memory_space<semaphore_mem>>)
    %dma_start3A_60 = arith.constant 0 : i32
    %dma_start3A_61 = arith.constant 0 : i32
    %dma_start3A_62 = arith.constant 0 : i32
    %dma_start3A_63 = tpu.memref_slice %arg12[%dma_start3A_60, %dma_start3A_61, %dma_start3A_62] : memref<24x10x128xf32, #tpu.memory_space<vmem>> -> memref<1x10x128xf32, #tpu.memory_space<vmem>>
    %dma_start3A_64 = tpu.memref_squeeze %dma_start3A_63 : memref<1x10x128xf32, #tpu.memory_space<vmem>> -> memref<10x128xf32, #tpu.memory_space<vmem>>
    %dma_start3A_65 = arith.constant 0 : i32
    %dma_start3A_66 = tpu.memref_slice %arg5[%dma_start3A_65, %multiple_of3A_47] : memref<10x1000000xf32, #tpu.memory_space<hbm>> -> memref<10x128xf32, #tpu.memory_space<hbm>>
    %dma_start3A_67 = arith.constant 0 : i32
    %dma_start3A_68 = arith.constant 0 : i32
    %dma_start3A_69 = tpu.memref_slice %arg12[%dma_start3A_60, %dma_start3A_67, %dma_start3A_68] : memref<24x10x128xf32, #tpu.memory_space<vmem>> -> memref<1x10x128xf32, #tpu.memory_space<vmem>>
    %dma_start3A_70 = tpu.memref_squeeze %dma_start3A_69 : memref<1x10x128xf32, #tpu.memory_space<vmem>> -> memref<10x128xf32, #tpu.memory_space<vmem>>
    %dma_start3A_71 = arith.constant 0 : i32
    %dma_start3A_72 = tpu.memref_slice %arg5[%dma_start3A_71, %multiple_of3A_47] : memref<10x1000000xf32, #tpu.memory_space<hbm>> -> memref<10x128xf32, #tpu.memory_space<hbm>>
    tpu.enqueue_dma source(%dma_start3A_72 : memref<10x128xf32, #tpu.memory_space<hbm>>) target(%dma_start3A_70 : memref<10x128xf32, #tpu.memory_space<vmem>>) target_semaphore(%arg17 : memref<!tpu.dma_semaphore, #tpu.memory_space<semaphore_mem>>)
    %shift_right_logical3A_73 = arith.constant 1 : i32
    %shift_right_logical3A_74 = arith.constant 4 : i32
    %shift_right_logical3A_75 = arith.shrui %shift_right_logical3A_73, %shift_right_logical3A_74 : i32
    %shift_left3A_76 = arith.constant 4 : i32
    %shift_left3A_77 = arith.shli %shift_right_logical3A_75, %shift_left3A_76 : i32
    %multiple_of3A_78 = tpu.assume_multiple %shift_left3A_77, 16 : i32
    %get3A_79 = arith.index_cast %multiple_of3A_78 : i32 to index
    %get3A_80 = tpu.vector_load %arg7[%get3A_79] {strides = array<i32>} : memref<512xi32, #tpu.memory_space<vmem>>, vector<16xi32>,
    %eq3A_81 = arith.constant 1 : i32
    %eq3A_82 = vector.broadcast %eq3A_81 : i32 to vector<16xi32>
    %eq3A_83 = arith.cmpi eq, %iota3A, %eq3A_82 : vector<16xi32>
    %jit3A_84 = arith.constant 0 : i32
    %broadcast_in_dim3A_85 = vector.broadcast %jit3A_84 : i32 to vector<16xi32>
    %select_n3A_86 = arith.select %eq3A_83, %get3A_80, %broadcast_in_dim3A_85 : vector<16xi1>, vector<16xi32>
    %reduce_sum3A_87 = arith.constant true
    %reduce_sum3A_88 = vector.broadcast %reduce_sum3A_87 : i1 to vector<16xi1>
    %reduce_sum3A_89 = tpu.scan <sum>, %select_n3A_86 masked %reduce_sum3A_88 : vector<16xi32>, vector<16xi1> -> vector<16xi32>
    %reduce_sum3A_90 = vector.extract %reduce_sum3A_89[15] : i32 from vector<16xi32>
    %shift_right_logical3A_91 = arith.constant 1 : i32
    %shift_right_logical3A_92 = arith.constant 4 : i32
    %shift_right_logical3A_93 = arith.shrui %shift_right_logical3A_91, %shift_right_logical3A_92 : i32
    %shift_left3A_94 = arith.constant 4 : i32
    %shift_left3A_95 = arith.shli %shift_right_logical3A_93, %shift_left3A_94 : i32
    %multiple_of3A_96 = tpu.assume_multiple %shift_left3A_95, 16 : i32
    %get3A_97 = arith.index_cast %multiple_of3A_96 : i32 to index
    %get3A_98 = tpu.vector_load %arg8[%get3A_97] {strides = array<i32>} : memref<512xi32, #tpu.memory_space<vmem>>, vector<16xi32>,
    %eq3A_99 = arith.constant 1 : i32
    %eq3A_100 = vector.broadcast %eq3A_99 : i32 to vector<16xi32>
    %eq3A_101 = arith.cmpi eq, %iota3A, %eq3A_100 : vector<16xi32>
    %jit3A_102 = arith.constant 0 : i32
    %broadcast_in_dim3A_103 = vector.broadcast %jit3A_102 : i32 to vector<16xi32>
    %select_n3A_104 = arith.select %eq3A_101, %get3A_98, %broadcast_in_dim3A_103 : vector<16xi1>, vector<16xi32>
    %reduce_sum3A_105 = arith.constant true
    %reduce_sum3A_106 = vector.broadcast %reduce_sum3A_105 : i1 to vector<16xi1>
    %reduce_sum3A_107 = tpu.scan <sum>, %select_n3A_104 masked %reduce_sum3A_106 : vector<16xi32>, vector<16xi1> -> vector<16xi32>
    %reduce_sum3A_108 = vector.extract %reduce_sum3A_107[15] : i32 from vector<16xi32>
    %shift_right_logical3A_109 = arith.constant 7 : i32
    %shift_right_logical3A_110 = arith.shrui %reduce_sum3A_90, %shift_right_logical3A_109 : i32
    %shift_left3A_111 = arith.constant 7 : i32
    %shift_left3A_112 = arith.shli %shift_right_logical3A_110, %shift_left3A_111 : i32
    %multiple_of3A_113 = tpu.assume_multiple %shift_left3A_112, 128 : i32
    %shift_right_logical3A_114 = arith.constant 7 : i32
    %shift_right_logical3A_115 = arith.shrui %reduce_sum3A_108, %shift_right_logical3A_114 : i32
    %shift_left3A_116 = arith.constant 7 : i32
    %shift_left3A_117 = arith.shli %shift_right_logical3A_115, %shift_left3A_116 : i32
    %multiple_of3A_118 = tpu.assume_multiple %shift_left3A_117, 128 : i32
    %dma_start3A_119 = arith.constant 1 : i32
    %dma_start3A_120 = arith.constant 0 : i32
    %dma_start3A_121 = arith.constant 0 : i32
    %dma_start3A_122 = tpu.memref_slice %arg11[%dma_start3A_119, %dma_start3A_120, %dma_start3A_121] : memref<24x10x128xf32, #tpu.memory_space<vmem>> -> memref<1x10x128xf32, #tpu.memory_space<vmem>>
    %dma_start3A_123 = tpu.memref_squeeze %dma_start3A_122 : memref<1x10x128xf32, #tpu.memory_space<vmem>> -> memref<10x128xf32, #tpu.memory_space<vmem>>
    %dma_start3A_124 = arith.constant 0 : i32
    %dma_start3A_125 = tpu.memref_slice %arg4[%dma_start3A_124, %multiple_of3A_113] : memref<10x1000000xf32, #tpu.memory_space<hbm>> -> memref<10x128xf32, #tpu.memory_space<hbm>>
    %dma_start3A_126 = arith.constant 0 : i32
    %dma_start3A_127 = arith.constant 0 : i32
    %dma_start3A_128 = tpu.memref_slice %arg11[%dma_start3A_119, %dma_start3A_126, %dma_start3A_127] : memref<24x10x128xf32, #tpu.memory_space<vmem>> -> memref<1x10x128xf32, #tpu.memory_space<vmem>>
    %dma_start3A_129 = tpu.memref_squeeze %dma_start3A_128 : memref<1x10x128xf32, #tpu.memory_space<vmem>> -> memref<10x128xf32, #tpu.memory_space<vmem>>
    %dma_start3A_130 = arith.constant 0 : i32
    %dma_start3A_131 = tpu.memref_slice %arg4[%dma_start3A_130, %multiple_of3A_113] : memref<10x1000000xf32, #tpu.memory_space<hbm>> -> memref<10x128xf32, #tpu.memory_space<hbm>>
    tpu.enqueue_dma source(%dma_start3A_131 : memref<10x128xf32, #tpu.memory_space<hbm>>) target(%dma_start3A_129 : memref<10x128xf32, #tpu.memory_space<vmem>>) target_semaphore(%arg16 : memref<!tpu.dma_semaphore, #tpu.memory_space<semaphore_mem>>)
    %dma_start3A_132 = arith.constant 1 : i32
    %dma_start3A_133 = arith.constant 0 : i32
    %dma_start3A_134 = arith.constant 0 : i32
    %dma_start3A_135 = tpu.memref_slice %arg12[%dma_start3A_132, %dma_start3A_133, %dma_start3A_134] : memref<24x10x128xf32, #tpu.memory_space<vmem>> -> memref<1x10x128xf32, #tpu.memory_space<vmem>>
    %dma_start3A_136 = tpu.memref_squeeze %dma_start3A_135 : memref<1x10x128xf32, #tpu.memory_space<vmem>> -> memref<10x128xf32, #tpu.memory_space<vmem>>
    %dma_start3A_137 = arith.constant 0 : i32
    %dma_start3A_138 = tpu.memref_slice %arg5[%dma_start3A_137, %multiple_of3A_118] : memref<10x1000000xf32, #tpu.memory_space<hbm>> -> memref<10x128xf32, #tpu.memory_space<hbm>>
    %dma_start3A_139 = arith.constant 0 : i32
    %dma_start3A_140 = arith.constant 0 : i32
    %dma_start3A_141 = tpu.memref_slice %arg12[%dma_start3A_132, %dma_start3A_139, %dma_start3A_140] : memref<24x10x128xf32, #tpu.memory_space<vmem>> -> memref<1x10x128xf32, #tpu.memory_space<vmem>>
    %dma_start3A_142 = tpu.memref_squeeze %dma_start3A_141 : memref<1x10x128xf32, #tpu.memory_space<vmem>> -> memref<10x128xf32, #tpu.memory_space<vmem>>
    %dma_start3A_143 = arith.constant 0 : i32
    %dma_start3A_144 = tpu.memref_slice %arg5[%dma_start3A_143, %multiple_of3A_118] : memref<10x1000000xf32, #tpu.memory_space<hbm>> -> memref<10x128xf32, #tpu.memory_space<hbm>>
    tpu.enqueue_dma source(%dma_start3A_144 : memref<10x128xf32, #tpu.memory_space<hbm>>) target(%dma_start3A_142 : memref<10x128xf32, #tpu.memory_space<vmem>>) target_semaphore(%arg17 : memref<!tpu.dma_semaphore, #tpu.memory_space<semaphore_mem>>)
    %shift_right_logical3A_145 = arith.constant 2 : i32
    %shift_right_logical3A_146 = arith.constant 4 : i32
    %shift_right_logical3A_147 = arith.shrui %shift_right_logical3A_145, %shift_right_logical3A_146 : i32
    %shift_left3A_148 = arith.constant 4 : i32
    %shift_left3A_149 = arith.shli %shift_right_logical3A_147, %shift_left3A_148 : i32
    %multiple_of3A_150 = tpu.assume_multiple %shift_left3A_149, 16 : i32
    %get3A_151 = arith.index_cast %multiple_of3A_150 : i32 to index
    %get3A_152 = tpu.vector_load %arg7[%get3A_151] {strides = array<i32>} : memref<512xi32, #tpu.memory_space<vmem>>, vector<16xi32>,
    %eq3A_153 = arith.constant 2 : i32
    %eq3A_154 = vector.broadcast %eq3A_153 : i32 to vector<16xi32>
    %eq3A_155 = arith.cmpi eq, %iota3A, %eq3A_154 : vector<16xi32>
    %jit3A_156 = arith.constant 0 : i32
    %broadcast_in_dim3A_157 = vector.broadcast %jit3A_156 : i32 to vector<16xi32>
    %select_n3A_158 = arith.select %eq3A_155, %get3A_152, %broadcast_in_dim3A_157 : vector<16xi1>, vector<16xi32>
    %reduce_sum3A_159 = arith.constant true
    %reduce_sum3A_160 = vector.broadcast %reduce_sum3A_159 : i1 to vector<16xi1>
    %reduce_sum3A_161 = tpu.scan <sum>, %select_n3A_158 masked %reduce_sum3A_160 : vector<16xi32>, vector<16xi1> -> vector<16xi32>
    %reduce_sum3A_162 = vector.extract %reduce_sum3A_161[15] : i32 from vector<16xi32>
    %shift_right_logical3A_163 = arith.constant 2 : i32
    %shift_right_logical3A_164 = arith.constant 4 : i32
    %shift_right_logical3A_165 = arith.shrui %shift_right_logical3A_163, %shift_right_logical3A_164 : i32
    %shift_left3A_166 = arith.constant 4 : i32
    %shift_left3A_167 = arith.shli %shift_right_logical3A_165, %shift_left3A_166 : i32
    %multiple_of3A_168 = tpu.assume_multiple %shift_left3A_167, 16 : i32
    %get3A_169 = arith.index_cast %multiple_of3A_168 : i32 to index
    %get3A_170 = tpu.vector_load %arg8[%get3A_169] {strides = array<i32>} : memref<512xi32, #tpu.memory_space<vmem>>, vector<16xi32>,
    %eq3A_171 = arith.constant 2 : i32
    %eq3A_172 = vector.broadcast %eq3A_171 : i32 to vector<16xi32>
    %eq3A_173 = arith.cmpi eq, %iota3A, %eq3A_172 : vector<16xi32>
    %jit3A_174 = arith.constant 0 : i32
    %broadcast_in_dim3A_175 = vector.broadcast %jit3A_174 : i32 to vector<16xi32>
    %select_n3A_176 = arith.select %eq3A_173, %get3A_170, %broadcast_in_dim3A_175 : vector<16xi1>, vector<16xi32>
    %reduce_sum3A_177 = arith.constant true
    %reduce_sum3A_178 = vector.broadcast %reduce_sum3A_177 : i1 to vector<16xi1>
    %reduce_sum3A_179 = tpu.scan <sum>, %select_n3A_176 masked %reduce_sum3A_178 : vector<16xi32>, vector<16xi1> -> vector<16xi32>
    %reduce_sum3A_180 = vector.extract %reduce_sum3A_179[15] : i32 from vector<16xi32>
    %shift_right_logical3A_181 = arith.constant 7 : i32
    %shift_right_logical3A_182 = arith.shrui %reduce_sum3A_162, %shift_right_logical3A_181 : i32
    %shift_left3A_183 = arith.constant 7 : i32
    %shift_left3A_184 = arith.shli %shift_right_logical3A_182, %shift_left3A_183 : i32
    %multiple_of3A_185 = tpu.assume_multiple %shift_left3A_184, 128 : i32
    %shift_right_logical3A_186 = arith.constant 7 : i32
    %shift_right_logical3A_187 = arith.shrui %reduce_sum3A_180, %shift_right_logical3A_186 : i32
    %shift_left3A_188 = arith.constant 7 : i32
    %shift_left3A_189 = arith.shli %shift_right_logical3A_187, %shift_left3A_188 : i32
    %multiple_of3A_190 = tpu.assume_multiple %shift_left3A_189, 128 : i32
    %dma_start3A_191 = arith.constant 2 : i32
    %dma_start3A_192 = arith.constant 0 : i32
    %dma_start3A_193 = arith.constant 0 : i32
    %dma_start3A_194 = tpu.memref_slice %arg11[%dma_start3A_191, %dma_start3A_192, %dma_start3A_193] : memref<24x10x128xf32, #tpu.memory_space<vmem>> -> memref<1x10x128xf32, #tpu.memory_space<vmem>>
    %dma_start3A_195 = tpu.memref_squeeze %dma_start3A_194 : memref<1x10x128xf32, #tpu.memory_space<vmem>> -> memref<10x128xf32, #tpu.memory_space<vmem>>
    %dma_start3A_196 = arith.constant 0 : i32
    %dma_start3A_197 = tpu.memref_slice %arg4[%dma_start3A_196, %multiple_of3A_185] : memref<10x1000000xf32, #tpu.memory_space<hbm>> -> memref<10x128xf32, #tpu.memory_space<hbm>>
    %dma_start3A_198 = arith.constant 0 : i32
    %dma_start3A_199 = arith.constant 0 : i32
    %dma_start3A_200 = tpu.memref_slice %arg11[%dma_start3A_191, %dma_start3A_198, %dma_start3A_199] : memref<24x10x128xf32, #tpu.memory_space<vmem>> -> memref<1x10x128xf32, #tpu.memory_space<vmem>>
    %dma_start3A_201 = tpu.memref_squeeze %dma_start3A_200 : memref<1x10x128xf32, #tpu.memory_space<vmem>> -> memref<10x128xf32, #tpu.memory_space<vmem>>
    %dma_start3A_202 = arith.constant 0 : i32
    %dma_start3A_203 = tpu.memref_slice %arg4[%dma_start3A_202, %multiple_of3A_185] : memref<10x1000000xf32, #tpu.memory_space<hbm>> -> memref<10x128xf32, #tpu.memory_space<hbm>>
    tpu.enqueue_dma source(%dma_start3A_203 : memref<10x128xf32, #tpu.memory_space<hbm>>) target(%dma_start3A_201 : memref<10x128xf32, #tpu.memory_space<vmem>>) target_semaphore(%arg16 : memref<!tpu.dma_semaphore, #tpu.memory_space<semaphore_mem>>)
    %dma_start3A_204 = arith.constant 2 : i32
    %dma_start3A_205 = arith.constant 0 : i32
    %dma_start3A_206 = arith.constant 0 : i32
    %dma_start3A_207 = tpu.memref_slice %arg12[%dma_start3A_204, %dma_start3A_205, %dma_start3A_206] : memref<24x10x128xf32, #tpu.memory_space<vmem>> -> memref<1x10x128xf32, #tpu.memory_space<vmem>>
    %dma_start3A_208 = tpu.memref_squeeze %dma_start3A_207 : memref<1x10x128xf32, #tpu.memory_space<vmem>> -> memref<10x128xf32, #tpu.memory_space<vmem>>
    %dma_start3A_209 = arith.constant 0 : i32
    %dma_start3A_210 = tpu.memref_slice %arg5[%dma_start3A_209, %multiple_of3A_190] : memref<10x1000000xf32, #tpu.memory_space<hbm>> -> memref<10x128xf32, #tpu.memory_space<hbm>>
    %dma_start3A_211 = arith.constant 0 : i32
    %dma_start3A_212 = arith.constant 0 : i32
    %dma_start3A_213 = tpu.memref_slice %arg12[%dma_start3A_204, %dma_start3A_211, %dma_start3A_212] : memref<24x10x128xf32, #tpu.memory_space<vmem>> -> memref<1x10x128xf32, #tpu.memory_space<vmem>>
    %dma_start3A_214 = tpu.memref_squeeze %dma_start3A_213 : memref<1x10x128xf32, #tpu.memory_space<vmem>> -> memref<10x128xf32, #tpu.memory_space<vmem>>
    %dma_start3A_215 = arith.constant 0 : i32
    %dma_start3A_216 = tpu.memref_slice %arg5[%dma_start3A_215, %multiple_of3A_190] : memref<10x1000000xf32, #tpu.memory_space<hbm>> -> memref<10x128xf32, #tpu.memory_space<hbm>>
    tpu.enqueue_dma source(%dma_start3A_216 : memref<10x128xf32, #tpu.memory_space<hbm>>) target(%dma_start3A_214 : memref<10x128xf32, #tpu.memory_space<vmem>>) target_semaphore(%arg17 : memref<!tpu.dma_semaphore, #tpu.memory_space<semaphore_mem>>)
    %shift_right_logical3A_217 = arith.constant 3 : i32
    %shift_right_logical3A_218 = arith.constant 4 : i32
    %shift_right_logical3A_219 = arith.shrui %shift_right_logical3A_217, %shift_right_logical3A_218 : i32
    %shift_left3A_220 = arith.constant 4 : i32
    %shift_left3A_221 = arith.shli %shift_right_logical3A_219, %shift_left3A_220 : i32
    %multiple_of3A_222 = tpu.assume_multiple %shift_left3A_221, 16 : i32
    %get3A_223 = arith.index_cast %multiple_of3A_222 : i32 to index
    %get3A_224 = tpu.vector_load %arg7[%get3A_223] {strides = array<i32>} : memref<512xi32, #tpu.memory_space<vmem>>, vector<16xi32>,
    %eq3A_225 = arith.constant 3 : i32
    %eq3A_226 = vector.broadcast %eq3A_225 : i32 to vector<16xi32>
    %eq3A_227 = arith.cmpi eq, %iota3A, %eq3A_226 : vector<16xi32>
    %jit3A_228 = arith.constant 0 : i32
    %broadcast_in_dim3A_229 = vector.broadcast %jit3A_228 : i32 to vector<16xi32>
    %select_n3A_230 = arith.select %eq3A_227, %get3A_224, %broadcast_in_dim3A_229 : vector<16xi1>, vector<16xi32>
    %reduce_sum3A_231 = arith.constant true
    %reduce_sum3A_232 = vector.broadcast %reduce_sum3A_231 : i1 to vector<16xi1>
    %reduce_sum3A_233 = tpu.scan <sum>, %select_n3A_230 masked %reduce_sum3A_232 : vector<16xi32>, vector<16xi1> -> vector<16xi32>
    %reduce_sum3A_234 = vector.extract %reduce_sum3A_233[15] : i32 from vector<16xi32>
    %shift_right_logical3A_235 = arith.constant 3 : i32
    %shift_right_logical3A_236 = arith.constant 4 : i32
    %shift_right_logical3A_237 = arith.shrui %shift_right_logical3A_235, %shift_right_logical3A_236 : i32
    %shift_left3A_238 = arith.constant 4 : i32
    %shift_left3A_239 = arith.shli %shift_right_logical3A_237, %shift_left3A_238 : i32
    %multiple_of3A_240 = tpu.assume_multiple %shift_left3A_239, 16 : i32
    %get3A_241 = arith.index_cast %multiple_of3A_240 : i32 to index
    %get3A_242 = tpu.vector_load %arg8[%get3A_241] {strides = array<i32>} : memref<512xi32, #tpu.memory_space<vmem>>, vector<16xi32>,
    %eq3A_243 = arith.constant 3 : i32
    %eq3A_244 = vector.broadcast %eq3A_243 : i32 to vector<16xi32>
    %eq3A_245 = arith.cmpi eq, %iota3A, %eq3A_244 : vector<16xi32>
    %jit3A_246 = arith.constant 0 : i32
    %broadcast_in_dim3A_247 = vector.broadcast %jit3A_246 : i32 to vector<16xi32>
    %select_n3A_248 = arith.select %eq3A_245, %get3A_242, %broadcast_in_dim3A_247 : vector<16xi1>, vector<16xi32>
    %reduce_sum3A_249 = arith.constant true
    %reduce_sum3A_250 = vector.broadcast %reduce_sum3A_249 : i1 to vector<16xi1>
    %reduce_sum3A_251 = tpu.scan <sum>, %select_n3A_248 masked %reduce_sum3A_250 : vector<16xi32>, vector<16xi1> -> vector<16xi32>
    %reduce_sum3A_252 = vector.extract %reduce_sum3A_251[15] : i32 from vector<16xi32>
    %shift_right_logical3A_253 = arith.constant 7 : i32
    %shift_right_logical3A_254 = arith.shrui %reduce_sum3A_234, %shift_right_logical3A_253 : i32
    %shift_left3A_255 = arith.constant 7 : i32
    %shift_left3A_256 = arith.shli %shift_right_logical3A_254, %shift_left3A_255 : i32
    %multiple_of3A_257 = tpu.assume_multiple %shift_left3A_256, 128 : i32
    %shift_right_logical3A_258 = arith.constant 7 : i32
    %shift_right_logical3A_259 = arith.shrui %reduce_sum3A_252, %shift_right_logical3A_258 : i32
    %shift_left3A_260 = arith.constant 7 : i32
    %shift_left3A_261 = arith.shli %shift_right_logical3A_259, %shift_left3A_260 : i32
    %multiple_of3A_262 = tpu.assume_multiple %shift_left3A_261, 128 : i32
    %dma_start3A_263 = arith.constant 3 : i32
    %dma_start3A_264 = arith.constant 0 : i32
    %dma_start3A_265 = arith.constant 0 : i32
    %dma_start3A_266 = tpu.memref_slice %arg11[%dma_start3A_263, %dma_start3A_264, %dma_start3A_265] : memref<24x10x128xf32, #tpu.memory_space<vmem>> -> memref<1x10x128xf32, #tpu.memory_space<vmem>>
    %dma_start3A_267 = tpu.memref_squeeze %dma_start3A_266 : memref<1x10x128xf32, #tpu.memory_space<vmem>> -> memref<10x128xf32, #tpu.memory_space<vmem>>
    %dma_start3A_268 = arith.constant 0 : i32
    %dma_start3A_269 = tpu.memref_slice %arg4[%dma_start3A_268, %multiple_of3A_257] : memref<10x1000000xf32, #tpu.memory_space<hbm>> -> memref<10x128xf32, #tpu.memory_space<hbm>>
    %dma_start3A_270 = arith.constant 0 : i32
    %dma_start3A_271 = arith.constant 0 : i32
    %dma_start3A_272 = tpu.memref_slice %arg11[%dma_start3A_263, %dma_start3A_270, %dma_start3A_271] : memref<24x10x128xf32, #tpu.memory_space<vmem>> -> memref<1x10x128xf32, #tpu.memory_space<vmem>>
    %dma_start3A_273 = tpu.memref_squeeze %dma_start3A_272 : memref<1x10x128xf32, #tpu.memory_space<vmem>> -> memref<10x128xf32, #tpu.memory_space<vmem>>
    %dma_start3A_274 = arith.constant 0 : i32
    %dma_start3A_275 = tpu.memref_slice %arg4[%dma_start3A_274, %multiple_of3A_257] : memref<10x1000000xf32, #tpu.memory_space<hbm>> -> memref<10x128xf32, #tpu.memory_space<hbm>>
    tpu.enqueue_dma source(%dma_start3A_275 : memref<10x128xf32, #tpu.memory_space<hbm>>) target(%dma_start3A_273 : memref<10x128xf32, #tpu.memory_space<vmem>>) target_semaphore(%arg16 : memref<!tpu.dma_semaphore, #tpu.memory_space<semaphore_mem>>)
    %dma_start3A_276 = arith.constant 3 : i32
    %dma_start3A_277 = arith.constant 0 : i32
    %dma_start3A_278 = arith.constant 0 : i32
    %dma_start3A_279 = tpu.memref_slice %arg12[%dma_start3A_276, %dma_start3A_277, %dma_start3A_278] : memref<24x10x128xf32, #tpu.memory_space<vmem>> -> memref<1x10x128xf32, #tpu.memory_space<vmem>>
    %dma_start3A_280 = tpu.memref_squeeze %dma_start3A_279 : memref<1x10x128xf32, #tpu.memory_space<vmem>> -> memref<10x128xf32, #tpu.memory_space<vmem>>
    %dma_start3A_281 = arith.constant 0 : i32
    %dma_start3A_282 = tpu.memref_slice %arg5[%dma_start3A_281, %multiple_of3A_262] : memref<10x1000000xf32, #tpu.memory_space<hbm>> -> memref<10x128xf32, #tpu.memory_space<hbm>>
    %dma_start3A_283 = arith.constant 0 : i32
    %dma_start3A_284 = arith.constant 0 : i32
    %dma_start3A_285 = tpu.memref_slice %arg12[%dma_start3A_276, %dma_start3A_283, %dma_start3A_284] : memref<24x10x128xf32, #tpu.memory_space<vmem>> -> memref<1x10x128xf32, #tpu.memory_space<vmem>>
    %dma_start3A_286 = tpu.memref_squeeze %dma_start3A_285 : memref<1x10x128xf32, #tpu.memory_space<vmem>> -> memref<10x128xf32, #tpu.memory_space<vmem>>
    %dma_start3A_287 = arith.constant 0 : i32
    %dma_start3A_288 = tpu.memref_slice %arg5[%dma_start3A_287, %multiple_of3A_262] : memref<10x1000000xf32, #tpu.memory_space<hbm>> -> memref<10x128xf32, #tpu.memory_space<hbm>>
    tpu.enqueue_dma source(%dma_start3A_288 : memref<10x128xf32, #tpu.memory_space<hbm>>) target(%dma_start3A_286 : memref<10x128xf32, #tpu.memory_space<vmem>>) target_semaphore(%arg17 : memref<!tpu.dma_semaphore, #tpu.memory_space<semaphore_mem>>)
    %shift_right_logical3A_289 = arith.constant 4 : i32
    %shift_right_logical3A_290 = arith.constant 4 : i32
    %shift_right_logical3A_291 = arith.shrui %shift_right_logical3A_289, %shift_right_logical3A_290 : i32
    %shift_left3A_292 = arith.constant 4 : i32
    %shift_left3A_293 = arith.shli %shift_right_logical3A_291, %shift_left3A_292 : i32
    %multiple_of3A_294 = tpu.assume_multiple %shift_left3A_293, 16 : i32
    %get3A_295 = arith.index_cast %multiple_of3A_294 : i32 to index
    %get3A_296 = tpu.vector_load %arg7[%get3A_295] {strides = array<i32>} : memref<512xi32, #tpu.memory_space<vmem>>, vector<16xi32>,
    %eq3A_297 = arith.constant 4 : i32
    %eq3A_298 = vector.broadcast %eq3A_297 : i32 to vector<16xi32>
    %eq3A_299 = arith.cmpi eq, %iota3A, %eq3A_298 : vector<16xi32>
    %jit3A_300 = arith.constant 0 : i32
    %broadcast_in_dim3A_301 = vector.broadcast %jit3A_300 : i32 to vector<16xi32>
    %select_n3A_302 = arith.select %eq3A_299, %get3A_296, %broadcast_in_dim3A_301 : vector<16xi1>, vector<16xi32>
    %reduce_sum3A_303 = arith.constant true
    %reduce_sum3A_304 = vector.broadcast %reduce_sum3A_303 : i1 to vector<16xi1>
    %reduce_sum3A_305 = tpu.scan <sum>, %select_n3A_302 masked %reduce_sum3A_304 : vector<16xi32>, vector<16xi1> -> vector<16xi32>
    %reduce_sum3A_306 = vector.extract %reduce_sum3A_305[15] : i32 from vector<16xi32>
    %shift_right_logical3A_307 = arith.constant 4 : i32
    %shift_right_logical3A_308 = arith.constant 4 : i32
    %shift_right_logical3A_309 = arith.shrui %shift_right_logical3A_307, %shift_right_logical3A_308 : i32
    %shift_left3A_310 = arith.constant 4 : i32
    %shift_left3A_311 = arith.shli %shift_right_logical3A_309, %shift_left3A_310 : i32
    %multiple_of3A_312 = tpu.assume_multiple %shift_left3A_311, 16 : i32
    %get3A_313 = arith.index_cast %multiple_of3A_312 : i32 to index
    %get3A_314 = tpu.vector_load %arg8[%get3A_313] {strides = array<i32>} : memref<512xi32, #tpu.memory_space<vmem>>, vector<16xi32>,
    %eq3A_315 = arith.constant 4 : i32
    %eq3A_316 = vector.broadcast %eq3A_315 : i32 to vector<16xi32>
    %eq3A_317 = arith.cmpi eq, %iota3A, %eq3A_316 : vector<16xi32>
    %jit3A_318 = arith.constant 0 : i32
    %broadcast_in_dim3A_319 = vector.broadcast %jit3A_318 : i32 to vector<16xi32>
    %select_n3A_320 = arith.select %eq3A_317, %get3A_314, %broadcast_in_dim3A_319 : vector<16xi1>, vector<16xi32>
    %reduce_sum3A_321 = arith.constant true
    %reduce_sum3A_322 = vector.broadcast %reduce_sum3A_321 : i1 to vector<16xi1>
    %reduce_sum3A_323 = tpu.scan <sum>, %select_n3A_320 masked %reduce_sum3A_322 : vector<16xi32>, vector<16xi1> -> vector<16xi32>
    %reduce_sum3A_324 = vector.extract %reduce_sum3A_323[15] : i32 from vector<16xi32>
    %shift_right_logical3A_325 = arith.constant 7 : i32
    %shift_right_logical3A_326 = arith.shrui %reduce_sum3A_306, %shift_right_logical3A_325 : i32
    %shift_left3A_327 = arith.constant 7 : i32
    %shift_left3A_328 = arith.shli %shift_right_logical3A_326, %shift_left3A_327 : i32
    %multiple_of3A_329 = tpu.assume_multiple %shift_left3A_328, 128 : i32
    %shift_right_logical3A_330 = arith.constant 7 : i32
    %shift_right_logical3A_331 = arith.shrui %reduce_sum3A_324, %shift_right_logical3A_330 : i32
    %shift_left3A_332 = arith.constant 7 : i32
    %shift_left3A_333 = arith.shli %shift_right_logical3A_331, %shift_left3A_332 : i32
    %multiple_of3A_334 = tpu.assume_multiple %shift_left3A_333, 128 : i32
    %dma_start3A_335 = arith.constant 4 : i32
    %dma_start3A_336 = arith.constant 0 : i32
    %dma_start3A_337 = arith.constant 0 : i32
    %dma_start3A_338 = tpu.memref_slice %arg11[%dma_start3A_335, %dma_start3A_336, %dma_start3A_337] : memref<24x10x128xf32, #tpu.memory_space<vmem>> -> memref<1x10x128xf32, #tpu.memory_space<vmem>>
    %dma_start3A_339 = tpu.memref_squeeze %dma_start3A_338 : memref<1x10x128xf32, #tpu.memory_space<vmem>> -> memref<10x128xf32, #tpu.memory_space<vmem>>
    %dma_start3A_340 = arith.constant 0 : i32
    %dma_start3A_341 = tpu.memref_slice %arg4[%dma_start3A_340, %multiple_of3A_329] : memref<10x1000000xf32, #tpu.memory_space<hbm>> -> memref<10x128xf32, #tpu.memory_space<hbm>>
    %dma_start3A_342 = arith.constant 0 : i32
    %dma_start3A_343 = arith.constant 0 : i32
    %dma_start3A_344 = tpu.memref_slice %arg11[%dma_start3A_335, %dma_start3A_342, %dma_start3A_343] : memref<24x10x128xf32, #tpu.memory_space<vmem>> -> memref<1x10x128xf32, #tpu.memory_space<vmem>>
    %dma_start3A_345 = tpu.memref_squeeze %dma_start3A_344 : memref<1x10x128xf32, #tpu.memory_space<vmem>> -> memref<10x128xf32, #tpu.memory_space<vmem>>
    %dma_start3A_346 = arith.constant 0 : i32
    %dma_start3A_347 = tpu.memref_slice %arg4[%dma_start3A_346, %multiple_of3A_329] : memref<10x1000000xf32, #tpu.memory_space<hbm>> -> memref<10x128xf32, #tpu.memory_space<hbm>>
    tpu.enqueue_dma source(%dma_start3A_347 : memref<10x128xf32, #tpu.memory_space<hbm>>) target(%dma_start3A_345 : memref<10x128xf32, #tpu.memory_space<vmem>>) target_semaphore(%arg16 : memref<!tpu.dma_semaphore, #tpu.memory_space<semaphore_mem>>)
    %dma_start3A_348 = arith.constant 4 : i32
    %dma_start3A_349 = arith.constant 0 : i32
    %dma_start3A_350 = arith.constant 0 : i32
    %dma_start3A_351 = tpu.memref_slice %arg12[%dma_start3A_348, %dma_start3A_349, %dma_start3A_350] : memref<24x10x128xf32, #tpu.memory_space<vmem>> -> memref<1x10x128xf32, #tpu.memory_space<vmem>>
    %dma_start3A_352 = tpu.memref_squeeze %dma_start3A_351 : memref<1x10x128xf32, #tpu.memory_space<vmem>> -> memref<10x128xf32, #tpu.memory_space<vmem>>
    %dma_start3A_353 = arith.constant 0 : i32
    %dma_start3A_354 = tpu.memref_slice %arg5[%dma_start3A_353, %multiple_of3A_334] : memref<10x1000000xf32, #tpu.memory_space<hbm>> -> memref<10x128xf32, #tpu.memory_space<hbm>>
    %dma_start3A_355 = arith.constant 0 : i32
    %dma_start3A_356 = arith.constant 0 : i32
    %dma_start3A_357 = tpu.memref_slice %arg12[%dma_start3A_348, %dma_start3A_355, %dma_start3A_356] : memref<24x10x128xf32, #tpu.memory_space<vmem>> -> memref<1x10x128xf32, #tpu.memory_space<vmem>>
    %dma_start3A_358 = tpu.memref_squeeze %dma_start3A_357 : memref<1x10x128xf32, #tpu.memory_space<vmem>> -> memref<10x128xf32, #tpu.memory_space<vmem>>
    %dma_start3A_359 = arith.constant 0 : i32
    %dma_start3A_360 = tpu.memref_slice %arg5[%dma_start3A_359, %multiple_of3A_334] : memref<10x1000000xf32, #tpu.memory_space<hbm>> -> memref<10x128xf32, #tpu.memory_space<hbm>>
    tpu.enqueue_dma source(%dma_start3A_360 : memref<10x128xf32, #tpu.memory_space<hbm>>) target(%dma_start3A_358 : memref<10x128xf32, #tpu.memory_space<vmem>>) target_semaphore(%arg17 : memref<!tpu.dma_semaphore, #tpu.memory_space<semaphore_mem>>)
    %shift_right_logical3A_361 = arith.constant 5 : i32
    %shift_right_logical3A_362 = arith.constant 4 : i32
    %shift_right_logical3A_363 = arith.shrui %shift_right_logical3A_361, %shift_right_logical3A_362 : i32
    %shift_left3A_364 = arith.constant 4 : i32
    %shift_left3A_365 = arith.shli %shift_right_logical3A_363, %shift_left3A_364 : i32
    %multiple_of3A_366 = tpu.assume_multiple %shift_left3A_365, 16 : i32
    %get3A_367 = arith.index_cast %multiple_of3A_366 : i32 to index
    %get3A_368 = tpu.vector_load %arg7[%get3A_367] {strides = array<i32>} : memref<512xi32, #tpu.memory_space<vmem>>, vector<16xi32>,
    %eq3A_369 = arith.constant 5 : i32
    %eq3A_370 = vector.broadcast %eq3A_369 : i32 to vector<16xi32>
    %eq3A_371 = arith.cmpi eq, %iota3A, %eq3A_370 : vector<16xi32>
    %jit3A_372 = arith.constant 0 : i32
    %broadcast_in_dim3A_373 = vector.broadcast %jit3A_372 : i32 to vector<16xi32>
    %select_n3A_374 = arith.select %eq3A_371, %get3A_368, %broadcast_in_dim3A_373 : vector<16xi1>, vector<16xi32>
    %reduce_sum3A_375 = arith.constant true
    %reduce_sum3A_376 = vector.broadcast %reduce_sum3A_375 : i1 to vector<16xi1>
    %reduce_sum3A_377 = tpu.scan <sum>, %select_n3A_374 masked %reduce_sum3A_376 : vector<16xi32>, vector<16xi1> -> vector<16xi32>
    %reduce_sum3A_378 = vector.extract %reduce_sum3A_377[15] : i32 from vector<16xi32>
    %shift_right_logical3A_379 = arith.constant 5 : i32
    %shift_right_logical3A_380 = arith.constant 4 : i32
    %shift_right_logical3A_381 = arith.shrui %shift_right_logical3A_379, %shift_right_logical3A_380 : i32
    %shift_left3A_382 = arith.constant 4 : i32
    %shift_left3A_383 = arith.shli %shift_right_logical3A_381, %shift_left3A_382 : i32
    %multiple_of3A_384 = tpu.assume_multiple %shift_left3A_383, 16 : i32
    %get3A_385 = arith.index_cast %multiple_of3A_384 : i32 to index
    %get3A_386 = tpu.vector_load %arg8[%get3A_385] {strides = array<i32>} : memref<512xi32, #tpu.memory_space<vmem>>, vector<16xi32>,
    %eq3A_387 = arith.constant 5 : i32
    %eq3A_388 = vector.broadcast %eq3A_387 : i32 to vector<16xi32>
    %eq3A_389 = arith.cmpi eq, %iota3A, %eq3A_388 : vector<16xi32>
    %jit3A_390 = arith.constant 0 : i32
    %broadcast_in_dim3A_391 = vector.broadcast %jit3A_390 : i32 to vector<16xi32>
    %select_n3A_392 = arith.select %eq3A_389, %get3A_386, %broadcast_in_dim3A_391 : vector<16xi1>, vector<16xi32>
    %reduce_sum3A_393 = arith.constant true
    %reduce_sum3A_394 = vector.broadcast %reduce_sum3A_393 : i1 to vector<16xi1>
    %reduce_sum3A_395 = tpu.scan <sum>, %select_n3A_392 masked %reduce_sum3A_394 : vector<16xi32>, vector<16xi1> -> vector<16xi32>
    %reduce_sum3A_396 = vector.extract %reduce_sum3A_395[15] : i32 from vector<16xi32>
    %shift_right_logical3A_397 = arith.constant 7 : i32
    %shift_right_logical3A_398 = arith.shrui %reduce_sum3A_378, %shift_right_logical3A_397 : i32
    %shift_left3A_399 = arith.constant 7 : i32
    %shift_left3A_400 = arith.shli %shift_right_logical3A_398, %shift_left3A_399 : i32
    %multiple_of3A_401 = tpu.assume_multiple %shift_left3A_400, 128 : i32
    %shift_right_logical3A_402 = arith.constant 7 : i32
    %shift_right_logical3A_403 = arith.shrui %reduce_sum3A_396, %shift_right_logical3A_402 : i32
    %shift_left3A_404 = arith.constant 7 : i32
    %shift_left3A_405 = arith.shli %shift_right_logical3A_403, %shift_left3A_404 : i32
    %multiple_of3A_406 = tpu.assume_multiple %shift_left3A_405, 128 : i32
    %dma_start3A_407 = arith.constant 5 : i32
    %dma_start3A_408 = arith.constant 0 : i32
    %dma_start3A_409 = arith.constant 0 : i32
    %dma_start3A_410 = tpu.memref_slice %arg11[%dma_start3A_407, %dma_start3A_408, %dma_start3A_409] : memref<24x10x128xf32, #tpu.memory_space<vmem>> -> memref<1x10x128xf32, #tpu.memory_space<vmem>>
    %dma_start3A_411 = tpu.memref_squeeze %dma_start3A_410 : memref<1x10x128xf32, #tpu.memory_space<vmem>> -> memref<10x128xf32, #tpu.memory_space<vmem>>
    %dma_start3A_412 = arith.constant 0 : i32
    %dma_start3A_413 = tpu.memref_slice %arg4[%dma_start3A_412, %multiple_of3A_401] : memref<10x1000000xf32, #tpu.memory_space<hbm>> -> memref<10x128xf32, #tpu.memory_space<hbm>>
    %dma_start3A_414 = arith.constant 0 : i32
    %dma_start3A_415 = arith.constant 0 : i32
    %dma_start3A_416 = tpu.memref_slice %arg11[%dma_start3A_407, %dma_start3A_414, %dma_start3A_415] : memref<24x10x128xf32, #tpu.memory_space<vmem>> -> memref<1x10x128xf32, #tpu.memory_space<vmem>>
    %dma_start3A_417 = tpu.memref_squeeze %dma_start3A_416 : memref<1x10x128xf32, #tpu.memory_space<vmem>> -> memref<10x128xf32, #tpu.memory_space<vmem>>
    %dma_start3A_418 = arith.constant 0 : i32
    %dma_start3A_419 = tpu.memref_slice %arg4[%dma_start3A_418, %multiple_of3A_401] : memref<10x1000000xf32, #tpu.memory_space<hbm>> -> memref<10x128xf32, #tpu.memory_space<hbm>>
    tpu.enqueue_dma source(%dma_start3A_419 : memref<10x128xf32, #tpu.memory_space<hbm>>) target(%dma_start3A_417 : memref<10x128xf32, #tpu.memory_space<vmem>>) target_semaphore(%arg16 : memref<!tpu.dma_semaphore, #tpu.memory_space<semaphore_mem>>)
    %dma_start3A_420 = arith.constant 5 : i32
    %dma_start3A_421 = arith.constant 0 : i32
    %dma_start3A_422 = arith.constant 0 : i32
    %dma_start3A_423 = tpu.memref_slice %arg12[%dma_start3A_420, %dma_start3A_421, %dma_start3A_422] : memref<24x10x128xf32, #tpu.memory_space<vmem>> -> memref<1x10x128xf32, #tpu.memory_space<vmem>>
    %dma_start3A_424 = tpu.memref_squeeze %dma_start3A_423 : memref<1x10x128xf32, #tpu.memory_space<vmem>> -> memref<10x128xf32, #tpu.memory_space<vmem>>
    %dma_start3A_425 = arith.constant 0 : i32
    %dma_start3A_426 = tpu.memref_slice %arg5[%dma_start3A_425, %multiple_of3A_406] : memref<10x1000000xf32, #tpu.memory_space<hbm>> -> memref<10x128xf32, #tpu.memory_space<hbm>>
    %dma_start3A_427 = arith.constant 0 : i32
    %dma_start3A_428 = arith.constant 0 : i32
    %dma_start3A_429 = tpu.memref_slice %arg12[%dma_start3A_420, %dma_start3A_427, %dma_start3A_428] : memref<24x10x128xf32, #tpu.memory_space<vmem>> -> memref<1x10x128xf32, #tpu.memory_space<vmem>>
    %dma_start3A_430 = tpu.memref_squeeze %dma_start3A_429 : memref<1x10x128xf32, #tpu.memory_space<vmem>> -> memref<10x128xf32, #tpu.memory_space<vmem>>
    %dma_start3A_431 = arith.constant 0 : i32
    %dma_start3A_432 = tpu.memref_slice %arg5[%dma_start3A_431, %multiple_of3A_406] : memref<10x1000000xf32, #tpu.memory_space<hbm>> -> memref<10x128xf32, #tpu.memory_space<hbm>>
    tpu.enqueue_dma source(%dma_start3A_432 : memref<10x128xf32, #tpu.memory_space<hbm>>) target(%dma_start3A_430 : memref<10x128xf32, #tpu.memory_space<vmem>>) target_semaphore(%arg17 : memref<!tpu.dma_semaphore, #tpu.memory_space<semaphore_mem>>)
    %shift_right_logical3A_433 = arith.constant 6 : i32
    %shift_right_logical3A_434 = arith.constant 4 : i32
    %shift_right_logical3A_435 = arith.shrui %shift_right_logical3A_433, %shift_right_logical3A_434 : i32
    %shift_left3A_436 = arith.constant 4 : i32
    %shift_left3A_437 = arith.shli %shift_right_logical3A_435, %shift_left3A_436 : i32
    %multiple_of3A_438 = tpu.assume_multiple %shift_left3A_437, 16 : i32
    %get3A_439 = arith.index_cast %multiple_of3A_438 : i32 to index
    %get3A_440 = tpu.vector_load %arg7[%get3A_439] {strides = array<i32>} : memref<512xi32, #tpu.memory_space<vmem>>, vector<16xi32>,
    %eq3A_441 = arith.constant 6 : i32
    %eq3A_442 = vector.broadcast %eq3A_441 : i32 to vector<16xi32>
    %eq3A_443 = arith.cmpi eq, %iota3A, %eq3A_442 : vector<16xi32>
    %jit3A_444 = arith.constant 0 : i32
    %broadcast_in_dim3A_445 = vector.broadcast %jit3A_444 : i32 to vector<16xi32>
    %select_n3A_446 = arith.select %eq3A_443, %get3A_440, %broadcast_in_dim3A_445 : vector<16xi1>, vector<16xi32>
    %reduce_sum3A_447 = arith.constant true
    %reduce_sum3A_448 = vector.broadcast %reduce_sum3A_447 : i1 to vector<16xi1>
    %reduce_sum3A_449 = tpu.scan <sum>, %select_n3A_446 masked %reduce_sum3A_448 : vector<16xi32>, vector<16xi1> -> vector<16xi32>
    %reduce_sum3A_450 = vector.extract %reduce_sum3A_449[15] : i32 from vector<16xi32>
    %shift_right_logical3A_451 = arith.constant 6 : i32
    %shift_right_logical3A_452 = arith.constant 4 : i32
    %shift_right_logical3A_453 = arith.shrui %shift_right_logical3A_451, %shift_right_logical3A_452 : i32
    %shift_left3A_454 = arith.constant 4 : i32
    %shift_left3A_455 = arith.shli %shift_right_logical3A_453, %shift_left3A_454 : i32
    %multiple_of3A_456 = tpu.assume_multiple %shift_left3A_455, 16 : i32
    %get3A_457 = arith.index_cast %multiple_of3A_456 : i32 to index
    %get3A_458 = tpu.vector_load %arg8[%get3A_457] {strides = array<i32>} : memref<512xi32, #tpu.memory_space<vmem>>, vector<16xi32>,
    %eq3A_459 = arith.constant 6 : i32
    %eq3A_460 = vector.broadcast %eq3A_459 : i32 to vector<16xi32>
    %eq3A_461 = arith.cmpi eq, %iota3A, %eq3A_460 : vector<16xi32>
    %jit3A_462 = arith.constant 0 : i32
    %broadcast_in_dim3A_463 = vector.broadcast %jit3A_462 : i32 to vector<16xi32>
    %select_n3A_464 = arith.select %eq3A_461, %get3A_458, %broadcast_in_dim3A_463 : vector<16xi1>, vector<16xi32>
    %reduce_sum3A_465 = arith.constant true
    %reduce_sum3A_466 = vector.broadcast %reduce_sum3A_465 : i1 to vector<16xi1>
    %reduce_sum3A_467 = tpu.scan <sum>, %select_n3A_464 masked %reduce_sum3A_466 : vector<16xi32>, vector<16xi1> -> vector<16xi32>
    %reduce_sum3A_468 = vector.extract %reduce_sum3A_467[15] : i32 from vector<16xi32>
    %shift_right_logical3A_469 = arith.constant 7 : i32
    %shift_right_logical3A_470 = arith.shrui %reduce_sum3A_450, %shift_right_logical3A_469 : i32
    %shift_left3A_471 = arith.constant 7 : i32
    %shift_left3A_472 = arith.shli %shift_right_logical3A_470, %shift_left3A_471 : i32
    %multiple_of3A_473 = tpu.assume_multiple %shift_left3A_472, 128 : i32
    %shift_right_logical3A_474 = arith.constant 7 : i32
    %shift_right_logical3A_475 = arith.shrui %reduce_sum3A_468, %shift_right_logical3A_474 : i32
    %shift_left3A_476 = arith.constant 7 : i32
    %shift_left3A_477 = arith.shli %shift_right_logical3A_475, %shift_left3A_476 : i32
    %multiple_of3A_478 = tpu.assume_multiple %shift_left3A_477, 128 : i32
    %dma_start3A_479 = arith.constant 6 : i32
    %dma_start3A_480 = arith.constant 0 : i32
    %dma_start3A_481 = arith.constant 0 : i32
    %dma_start3A_482 = tpu.memref_slice %arg11[%dma_start3A_479, %dma_start3A_480, %dma_start3A_481] : memref<24x10x128xf32, #tpu.memory_space<vmem>> -> memref<1x10x128xf32, #tpu.memory_space<vmem>>
    %dma_start3A_483 = tpu.memref_squeeze %dma_start3A_482 : memref<1x10x128xf32, #tpu.memory_space<vmem>> -> memref<10x128xf32, #tpu.memory_space<vmem>>
    %dma_start3A_484 = arith.constant 0 : i32
    %dma_start3A_485 = tpu.memref_slice %arg4[%dma_start3A_484, %multiple_of3A_473] : memref<10x1000000xf32, #tpu.memory_space<hbm>> -> memref<10x128xf32, #tpu.memory_space<hbm>>
    %dma_start3A_486 = arith.constant 0 : i32
    %dma_start3A_487 = arith.constant 0 : i32
    %dma_start3A_488 = tpu.memref_slice %arg11[%dma_start3A_479, %dma_start3A_486, %dma_start3A_487] : memref<24x10x128xf32, #tpu.memory_space<vmem>> -> memref<1x10x128xf32, #tpu.memory_space<vmem>>
    %dma_start3A_489 = tpu.memref_squeeze %dma_start3A_488 : memref<1x10x128xf32, #tpu.memory_space<vmem>> -> memref<10x128xf32, #tpu.memory_space<vmem>>
    %dma_start3A_490 = arith.constant 0 : i32
    %dma_start3A_491 = tpu.memref_slice %arg4[%dma_start3A_490, %multiple_of3A_473] : memref<10x1000000xf32, #tpu.memory_space<hbm>> -> memref<10x128xf32, #tpu.memory_space<hbm>>
    tpu.enqueue_dma source(%dma_start3A_491 : memref<10x128xf32, #tpu.memory_space<hbm>>) target(%dma_start3A_489 : memref<10x128xf32, #tpu.memory_space<vmem>>) target_semaphore(%arg16 : memref<!tpu.dma_semaphore, #tpu.memory_space<semaphore_mem>>)
    %dma_start3A_492 = arith.constant 6 : i32
    %dma_start3A_493 = arith.constant 0 : i32
    %dma_start3A_494 = arith.constant 0 : i32
    %dma_start3A_495 = tpu.memref_slice %arg12[%dma_start3A_492, %dma_start3A_493, %dma_start3A_494] : memref<24x10x128xf32, #tpu.memory_space<vmem>> -> memref<1x10x128xf32, #tpu.memory_space<vmem>>
    %dma_start3A_496 = tpu.memref_squeeze %dma_start3A_495 : memref<1x10x128xf32, #tpu.memory_space<vmem>> -> memref<10x128xf32, #tpu.memory_space<vmem>>
    %dma_start3A_497 = arith.constant 0 : i32
    %dma_start3A_498 = tpu.memref_slice %arg5[%dma_start3A_497, %multiple_of3A_478] : memref<10x1000000xf32, #tpu.memory_space<hbm>> -> memref<10x128xf32, #tpu.memory_space<hbm>>
    %dma_start3A_499 = arith.constant 0 : i32
    %dma_start3A_500 = arith.constant 0 : i32
    %dma_start3A_501 = tpu.memref_slice %arg12[%dma_start3A_492, %dma_start3A_499, %dma_start3A_500] : memref<24x10x128xf32, #tpu.memory_space<vmem>> -> memref<1x10x128xf32, #tpu.memory_space<vmem>>
    %dma_start3A_502 = tpu.memref_squeeze %dma_start3A_501 : memref<1x10x128xf32, #tpu.memory_space<vmem>> -> memref<10x128xf32, #tpu.memory_space<vmem>>
    %dma_start3A_503 = arith.constant 0 : i32
    %dma_start3A_504 = tpu.memref_slice %arg5[%dma_start3A_503, %multiple_of3A_478] : memref<10x1000000xf32, #tpu.memory_space<hbm>> -> memref<10x128xf32, #tpu.memory_space<hbm>>
    tpu.enqueue_dma source(%dma_start3A_504 : memref<10x128xf32, #tpu.memory_space<hbm>>) target(%dma_start3A_502 : memref<10x128xf32, #tpu.memory_space<vmem>>) target_semaphore(%arg17 : memref<!tpu.dma_semaphore, #tpu.memory_space<semaphore_mem>>)
    %shift_right_logical3A_505 = arith.constant 7 : i32
    %shift_right_logical3A_506 = arith.constant 4 : i32
    %shift_right_logical3A_507 = arith.shrui %shift_right_logical3A_505, %shift_right_logical3A_506 : i32
    %shift_left3A_508 = arith.constant 4 : i32
    %shift_left3A_509 = arith.shli %shift_right_logical3A_507, %shift_left3A_508 : i32
    %multiple_of3A_510 = tpu.assume_multiple %shift_left3A_509, 16 : i32
    %get3A_511 = arith.index_cast %multiple_of3A_510 : i32 to index
    %get3A_512 = tpu.vector_load %arg7[%get3A_511] {strides = array<i32>} : memref<512xi32, #tpu.memory_space<vmem>>, vector<16xi32>,
    %eq3A_513 = arith.constant 7 : i32
    %eq3A_514 = vector.broadcast %eq3A_513 : i32 to vector<16xi32>
    %eq3A_515 = arith.cmpi eq, %iota3A, %eq3A_514 : vector<16xi32>
    %jit3A_516 = arith.constant 0 : i32
    %broadcast_in_dim3A_517 = vector.broadcast %jit3A_516 : i32 to vector<16xi32>
    %select_n3A_518 = arith.select %eq3A_515, %get3A_512, %broadcast_in_dim3A_517 : vector<16xi1>, vector<16xi32>
    %reduce_sum3A_519 = arith.constant true
    %reduce_sum3A_520 = vector.broadcast %reduce_sum3A_519 : i1 to vector<16xi1>
    %reduce_sum3A_521 = tpu.scan <sum>, %select_n3A_518 masked %reduce_sum3A_520 : vector<16xi32>, vector<16xi1> -> vector<16xi32>
    %reduce_sum3A_522 = vector.extract %reduce_sum3A_521[15] : i32 from vector<16xi32>
    %shift_right_logical3A_523 = arith.constant 7 : i32
    %shift_right_logical3A_524 = arith.constant 4 : i32
    %shift_right_logical3A_525 = arith.shrui %shift_right_logical3A_523, %shift_right_logical3A_524 : i32
    %shift_left3A_526 = arith.constant 4 : i32
    %shift_left3A_527 = arith.shli %shift_right_logical3A_525, %shift_left3A_526 : i32
    %multiple_of3A_528 = tpu.assume_multiple %shift_left3A_527, 16 : i32
    %get3A_529 = arith.index_cast %multiple_of3A_528 : i32 to index
    %get3A_530 = tpu.vector_load %arg8[%get3A_529] {strides = array<i32>} : memref<512xi32, #tpu.memory_space<vmem>>, vector<16xi32>,
    %eq3A_531 = arith.constant 7 : i32
    %eq3A_532 = vector.broadcast %eq3A_531 : i32 to vector<16xi32>
    %eq3A_533 = arith.cmpi eq, %iota3A, %eq3A_532 : vector<16xi32>
    %jit3A_534 = arith.constant 0 : i32
    %broadcast_in_dim3A_535 = vector.broadcast %jit3A_534 : i32 to vector<16xi32>
    %select_n3A_536 = arith.select %eq3A_533, %get3A_530, %broadcast_in_dim3A_535 : vector<16xi1>, vector<16xi32>
    %reduce_sum3A_537 = arith.constant true
    %reduce_sum3A_538 = vector.broadcast %reduce_sum3A_537 : i1 to vector<16xi1>
    %reduce_sum3A_539 = tpu.scan <sum>, %select_n3A_536 masked %reduce_sum3A_538 : vector<16xi32>, vector<16xi1> -> vector<16xi32>
    %reduce_sum3A_540 = vector.extract %reduce_sum3A_539[15] : i32 from vector<16xi32>
    %shift_right_logical3A_541 = arith.constant 7 : i32
    %shift_right_logical3A_542 = arith.shrui %reduce_sum3A_522, %shift_right_logical3A_541 : i32
    %shift_left3A_543 = arith.constant 7 : i32
    %shift_left3A_544 = arith.shli %shift_right_logical3A_542, %shift_left3A_543 : i32
    %multiple_of3A_545 = tpu.assume_multiple %shift_left3A_544, 128 : i32
    %shift_right_logical3A_546 = arith.constant 7 : i32
    %shift_right_logical3A_547 = arith.shrui %reduce_sum3A_540, %shift_right_logical3A_546 : i32
    %shift_left3A_548 = arith.constant 7 : i32
    %shift_left3A_549 = arith.shli %shift_right_logical3A_547, %shift_left3A_548 : i32
    %multiple_of3A_550 = tpu.assume_multiple %shift_left3A_549, 128 : i32
    %dma_start3A_551 = arith.constant 7 : i32
    %dma_start3A_552 = arith.constant 0 : i32
    %dma_start3A_553 = arith.constant 0 : i32
    %dma_start3A_554 = tpu.memref_slice %arg11[%dma_start3A_551, %dma_start3A_552, %dma_start3A_553] : memref<24x10x128xf32, #tpu.memory_space<vmem>> -> memref<1x10x128xf32, #tpu.memory_space<vmem>>
    %dma_start3A_555 = tpu.memref_squeeze %dma_start3A_554 : memref<1x10x128xf32, #tpu.memory_space<vmem>> -> memref<10x128xf32, #tpu.memory_space<vmem>>
    %dma_start3A_556 = arith.constant 0 : i32
    %dma_start3A_557 = tpu.memref_slice %arg4[%dma_start3A_556, %multiple_of3A_545] : memref<10x1000000xf32, #tpu.memory_space<hbm>> -> memref<10x128xf32, #tpu.memory_space<hbm>>
    %dma_start3A_558 = arith.constant 0 : i32
    %dma_start3A_559 = arith.constant 0 : i32
    %dma_start3A_560 = tpu.memref_slice %arg11[%dma_start3A_551, %dma_start3A_558, %dma_start3A_559] : memref<24x10x128xf32, #tpu.memory_space<vmem>> -> memref<1x10x128xf32, #tpu.memory_space<vmem>>
    %dma_start3A_561 = tpu.memref_squeeze %dma_start3A_560 : memref<1x10x128xf32, #tpu.memory_space<vmem>> -> memref<10x128xf32, #tpu.memory_space<vmem>>
    %dma_start3A_562 = arith.constant 0 : i32
    %dma_start3A_563 = tpu.memref_slice %arg4[%dma_start3A_562, %multiple_of3A_545] : memref<10x1000000xf32, #tpu.memory_space<hbm>> -> memref<10x128xf32, #tpu.memory_space<hbm>>
    tpu.enqueue_dma source(%dma_start3A_563 : memref<10x128xf32, #tpu.memory_space<hbm>>) target(%dma_start3A_561 : memref<10x128xf32, #tpu.memory_space<vmem>>) target_semaphore(%arg16 : memref<!tpu.dma_semaphore, #tpu.memory_space<semaphore_mem>>)
    %dma_start3A_564 = arith.constant 7 : i32
    %dma_start3A_565 = arith.constant 0 : i32
    %dma_start3A_566 = arith.constant 0 : i32
    %dma_start3A_567 = tpu.memref_slice %arg12[%dma_start3A_564, %dma_start3A_565, %dma_start3A_566] : memref<24x10x128xf32, #tpu.memory_space<vmem>> -> memref<1x10x128xf32, #tpu.memory_space<vmem>>
    %dma_start3A_568 = tpu.memref_squeeze %dma_start3A_567 : memref<1x10x128xf32, #tpu.memory_space<vmem>> -> memref<10x128xf32, #tpu.memory_space<vmem>>
    %dma_start3A_569 = arith.constant 0 : i32
    %dma_start3A_570 = tpu.memref_slice %arg5[%dma_start3A_569, %multiple_of3A_550] : memref<10x1000000xf32, #tpu.memory_space<hbm>> -> memref<10x128xf32, #tpu.memory_space<hbm>>
    %dma_start3A_571 = arith.constant 0 : i32
    %dma_start3A_572 = arith.constant 0 : i32
    %dma_start3A_573 = tpu.memref_slice %arg12[%dma_start3A_564, %dma_start3A_571, %dma_start3A_572] : memref<24x10x128xf32, #tpu.memory_space<vmem>> -> memref<1x10x128xf32, #tpu.memory_space<vmem>>
    %dma_start3A_574 = tpu.memref_squeeze %dma_start3A_573 : memref<1x10x128xf32, #tpu.memory_space<vmem>> -> memref<10x128xf32, #tpu.memory_space<vmem>>
    %dma_start3A_575 = arith.constant 0 : i32
    %dma_start3A_576 = tpu.memref_slice %arg5[%dma_start3A_575, %multiple_of3A_550] : memref<10x1000000xf32, #tpu.memory_space<hbm>> -> memref<10x128xf32, #tpu.memory_space<hbm>>
    tpu.enqueue_dma source(%dma_start3A_576 : memref<10x128xf32, #tpu.memory_space<hbm>>) target(%dma_start3A_574 : memref<10x128xf32, #tpu.memory_space<vmem>>) target_semaphore(%arg17 : memref<!tpu.dma_semaphore, #tpu.memory_space<semaphore_mem>>)
    %shift_right_logical3A_577 = arith.constant 8 : i32
    %shift_right_logical3A_578 = arith.constant 4 : i32
    %shift_right_logical3A_579 = arith.shrui %shift_right_logical3A_577, %shift_right_logical3A_578 : i32
    %shift_left3A_580 = arith.constant 4 : i32
    %shift_left3A_581 = arith.shli %shift_right_logical3A_579, %shift_left3A_580 : i32
    %multiple_of3A_582 = tpu.assume_multiple %shift_left3A_581, 16 : i32
    %get3A_583 = arith.index_cast %multiple_of3A_582 : i32 to index
    %get3A_584 = tpu.vector_load %arg7[%get3A_583] {strides = array<i32>} : memref<512xi32, #tpu.memory_space<vmem>>, vector<16xi32>,
    %eq3A_585 = arith.constant 8 : i32
    %eq3A_586 = vector.broadcast %eq3A_585 : i32 to vector<16xi32>
    %eq3A_587 = arith.cmpi eq, %iota3A, %eq3A_586 : vector<16xi32>
    %jit3A_588 = arith.constant 0 : i32
    %broadcast_in_dim3A_589 = vector.broadcast %jit3A_588 : i32 to vector<16xi32>
    %select_n3A_590 = arith.select %eq3A_587, %get3A_584, %broadcast_in_dim3A_589 : vector<16xi1>, vector<16xi32>
    %reduce_sum3A_591 = arith.constant true
    %reduce_sum3A_592 = vector.broadcast %reduce_sum3A_591 : i1 to vector<16xi1>
    %reduce_sum3A_593 = tpu.scan <sum>, %select_n3A_590 masked %reduce_sum3A_592 : vector<16xi32>, vector<16xi1> -> vector<16xi32>
    %reduce_sum3A_594 = vector.extract %reduce_sum3A_593[15] : i32 from vector<16xi32>
    %shift_right_logical3A_595 = arith.constant 8 : i32
    %shift_right_logical3A_596 = arith.constant 4 : i32
    %shift_right_logical3A_597 = arith.shrui %shift_right_logical3A_595, %shift_right_logical3A_596 : i32
    %shift_left3A_598 = arith.constant 4 : i32
    %shift_left3A_599 = arith.shli %shift_right_logical3A_597, %shift_left3A_598 : i32
    %multiple_of3A_600 = tpu.assume_multiple %shift_left3A_599, 16 : i32
    %get3A_601 = arith.index_cast %multiple_of3A_600 : i32 to index
    %get3A_602 = tpu.vector_load %arg8[%get3A_601] {strides = array<i32>} : memref<512xi32, #tpu.memory_space<vmem>>, vector<16xi32>,
    %eq3A_603 = arith.constant 8 : i32
    %eq3A_604 = vector.broadcast %eq3A_603 : i32 to vector<16xi32>
    %eq3A_605 = arith.cmpi eq, %iota3A, %eq3A_604 : vector<16xi32>
    %jit3A_606 = arith.constant 0 : i32
    %broadcast_in_dim3A_607 = vector.broadcast %jit3A_606 : i32 to vector<16xi32>
    %select_n3A_608 = arith.select %eq3A_605, %get3A_602, %broadcast_in_dim3A_607 : vector<16xi1>, vector<16xi32>
    %reduce_sum3A_609 = arith.constant true
    %reduce_sum3A_610 = vector.broadcast %reduce_sum3A_609 : i1 to vector<16xi1>
    %reduce_sum3A_611 = tpu.scan <sum>, %select_n3A_608 masked %reduce_sum3A_610 : vector<16xi32>, vector<16xi1> -> vector<16xi32>
    %reduce_sum3A_612 = vector.extract %reduce_sum3A_611[15] : i32 from vector<16xi32>
    %shift_right_logical3A_613 = arith.constant 7 : i32
    %shift_right_logical3A_614 = arith.shrui %reduce_sum3A_594, %shift_right_logical3A_613 : i32
    %shift_left3A_615 = arith.constant 7 : i32
    %shift_left3A_616 = arith.shli %shift_right_logical3A_614, %shift_left3A_615 : i32
    %multiple_of3A_617 = tpu.assume_multiple %shift_left3A_616, 128 : i32
    %shift_right_logical3A_618 = arith.constant 7 : i32
    %shift_right_logical3A_619 = arith.shrui %reduce_sum3A_612, %shift_right_logical3A_618 : i32
    %shift_left3A_620 = arith.constant 7 : i32
    %shift_left3A_621 = arith.shli %shift_right_logical3A_619, %shift_left3A_620 : i32
    %multiple_of3A_622 = tpu.assume_multiple %shift_left3A_621, 128 : i32
    %dma_start3A_623 = arith.constant 8 : i32
    %dma_start3A_624 = arith.constant 0 : i32
    %dma_start3A_625 = arith.constant 0 : i32
    %dma_start3A_626 = tpu.memref_slice %arg11[%dma_start3A_623, %dma_start3A_624, %dma_start3A_625] : memref<24x10x128xf32, #tpu.memory_space<vmem>> -> memref<1x10x128xf32, #tpu.memory_space<vmem>>
    %dma_start3A_627 = tpu.memref_squeeze %dma_start3A_626 : memref<1x10x128xf32, #tpu.memory_space<vmem>> -> memref<10x128xf32, #tpu.memory_space<vmem>>
    %dma_start3A_628 = arith.constant 0 : i32
    %dma_start3A_629 = tpu.memref_slice %arg4[%dma_start3A_628, %multiple_of3A_617] : memref<10x1000000xf32, #tpu.memory_space<hbm>> -> memref<10x128xf32, #tpu.memory_space<hbm>>
    %dma_start3A_630 = arith.constant 0 : i32
    %dma_start3A_631 = arith.constant 0 : i32
    %dma_start3A_632 = tpu.memref_slice %arg11[%dma_start3A_623, %dma_start3A_630, %dma_start3A_631] : memref<24x10x128xf32, #tpu.memory_space<vmem>> -> memref<1x10x128xf32, #tpu.memory_space<vmem>>
    %dma_start3A_633 = tpu.memref_squeeze %dma_start3A_632 : memref<1x10x128xf32, #tpu.memory_space<vmem>> -> memref<10x128xf32, #tpu.memory_space<vmem>>
    %dma_start3A_634 = arith.constant 0 : i32
    %dma_start3A_635 = tpu.memref_slice %arg4[%dma_start3A_634, %multiple_of3A_617] : memref<10x1000000xf32, #tpu.memory_space<hbm>> -> memref<10x128xf32, #tpu.memory_space<hbm>>
    tpu.enqueue_dma source(%dma_start3A_635 : memref<10x128xf32, #tpu.memory_space<hbm>>) target(%dma_start3A_633 : memref<10x128xf32, #tpu.memory_space<vmem>>) target_semaphore(%arg16 : memref<!tpu.dma_semaphore, #tpu.memory_space<semaphore_mem>>)
    %dma_start3A_636 = arith.constant 8 : i32
    %dma_start3A_637 = arith.constant 0 : i32
    %dma_start3A_638 = arith.constant 0 : i32
    %dma_start3A_639 = tpu.memref_slice %arg12[%dma_start3A_636, %dma_start3A_637, %dma_start3A_638] : memref<24x10x128xf32, #tpu.memory_space<vmem>> -> memref<1x10x128xf32, #tpu.memory_space<vmem>>
    %dma_start3A_640 = tpu.memref_squeeze %dma_start3A_639 : memref<1x10x128xf32, #tpu.memory_space<vmem>> -> memref<10x128xf32, #tpu.memory_space<vmem>>
    %dma_start3A_641 = arith.constant 0 : i32
    %dma_start3A_642 = tpu.memref_slice %arg5[%dma_start3A_641, %multiple_of3A_622] : memref<10x1000000xf32, #tpu.memory_space<hbm>> -> memref<10x128xf32, #tpu.memory_space<hbm>>
    %dma_start3A_643 = arith.constant 0 : i32
    %dma_start3A_644 = arith.constant 0 : i32
    %dma_start3A_645 = tpu.memref_slice %arg12[%dma_start3A_636, %dma_start3A_643, %dma_start3A_644] : memref<24x10x128xf32, #tpu.memory_space<vmem>> -> memref<1x10x128xf32, #tpu.memory_space<vmem>>
    %dma_start3A_646 = tpu.memref_squeeze %dma_start3A_645 : memref<1x10x128xf32, #tpu.memory_space<vmem>> -> memref<10x128xf32, #tpu.memory_space<vmem>>
    %dma_start3A_647 = arith.constant 0 : i32
    %dma_start3A_648 = tpu.memref_slice %arg5[%dma_start3A_647, %multiple_of3A_622] : memref<10x1000000xf32, #tpu.memory_space<hbm>> -> memref<10x128xf32, #tpu.memory_space<hbm>>
    tpu.enqueue_dma source(%dma_start3A_648 : memref<10x128xf32, #tpu.memory_space<hbm>>) target(%dma_start3A_646 : memref<10x128xf32, #tpu.memory_space<vmem>>) target_semaphore(%arg17 : memref<!tpu.dma_semaphore, #tpu.memory_space<semaphore_mem>>)
    %shift_right_logical3A_649 = arith.constant 9 : i32
    %shift_right_logical3A_650 = arith.constant 4 : i32
    %shift_right_logical3A_651 = arith.shrui %shift_right_logical3A_649, %shift_right_logical3A_650 : i32
    %shift_left3A_652 = arith.constant 4 : i32
    %shift_left3A_653 = arith.shli %shift_right_logical3A_651, %shift_left3A_652 : i32
    %multiple_of3A_654 = tpu.assume_multiple %shift_left3A_653, 16 : i32
    %get3A_655 = arith.index_cast %multiple_of3A_654 : i32 to index
    %get3A_656 = tpu.vector_load %arg7[%get3A_655] {strides = array<i32>} : memref<512xi32, #tpu.memory_space<vmem>>, vector<16xi32>,
    %eq3A_657 = arith.constant 9 : i32
    %eq3A_658 = vector.broadcast %eq3A_657 : i32 to vector<16xi32>
    %eq3A_659 = arith.cmpi eq, %iota3A, %eq3A_658 : vector<16xi32>
    %jit3A_660 = arith.constant 0 : i32
    %broadcast_in_dim3A_661 = vector.broadcast %jit3A_660 : i32 to vector<16xi32>
    %select_n3A_662 = arith.select %eq3A_659, %get3A_656, %broadcast_in_dim3A_661 : vector<16xi1>, vector<16xi32>
    %reduce_sum3A_663 = arith.constant true
    %reduce_sum3A_664 = vector.broadcast %reduce_sum3A_663 : i1 to vector<16xi1>
    %reduce_sum3A_665 = tpu.scan <sum>, %select_n3A_662 masked %reduce_sum3A_664 : vector<16xi32>, vector<16xi1> -> vector<16xi32>
    %reduce_sum3A_666 = vector.extract %reduce_sum3A_665[15] : i32 from vector<16xi32>
    %shift_right_logical3A_667 = arith.constant 9 : i32
    %shift_right_logical3A_668 = arith.constant 4 : i32
    %shift_right_logical3A_669 = arith.shrui %shift_right_logical3A_667, %shift_right_logical3A_668 : i32
    %shift_left3A_670 = arith.constant 4 : i32
    %shift_left3A_671 = arith.shli %shift_right_logical3A_669, %shift_left3A_670 : i32
    %multiple_of3A_672 = tpu.assume_multiple %shift_left3A_671, 16 : i32
    %get3A_673 = arith.index_cast %multiple_of3A_672 : i32 to index
    %get3A_674 = tpu.vector_load %arg8[%get3A_673] {strides = array<i32>} : memref<512xi32, #tpu.memory_space<vmem>>, vector<16xi32>,
    %eq3A_675 = arith.constant 9 : i32
    %eq3A_676 = vector.broadcast %eq3A_675 : i32 to vector<16xi32>
    %eq3A_677 = arith.cmpi eq, %iota3A, %eq3A_676 : vector<16xi32>
    %jit3A_678 = arith.constant 0 : i32
    %broadcast_in_dim3A_679 = vector.broadcast %jit3A_678 : i32 to vector<16xi32>
    %select_n3A_680 = arith.select %eq3A_677, %get3A_674, %broadcast_in_dim3A_679 : vector<16xi1>, vector<16xi32>
    %reduce_sum3A_681 = arith.constant true
    %reduce_sum3A_682 = vector.broadcast %reduce_sum3A_681 : i1 to vector<16xi1>
    %reduce_sum3A_683 = tpu.scan <sum>, %select_n3A_680 masked %reduce_sum3A_682 : vector<16xi32>, vector<16xi1> -> vector<16xi32>
    %reduce_sum3A_684 = vector.extract %reduce_sum3A_683[15] : i32 from vector<16xi32>
    %shift_right_logical3A_685 = arith.constant 7 : i32
    %shift_right_logical3A_686 = arith.shrui %reduce_sum3A_666, %shift_right_logical3A_685 : i32
    %shift_left3A_687 = arith.constant 7 : i32
    %shift_left3A_688 = arith.shli %shift_right_logical3A_686, %shift_left3A_687 : i32
    %multiple_of3A_689 = tpu.assume_multiple %shift_left3A_688, 128 : i32
    %shift_right_logical3A_690 = arith.constant 7 : i32
    %shift_right_logical3A_691 = arith.shrui %reduce_sum3A_684, %shift_right_logical3A_690 : i32
    %shift_left3A_692 = arith.constant 7 : i32
    %shift_left3A_693 = arith.shli %shift_right_logical3A_691, %shift_left3A_692 : i32
    %multiple_of3A_694 = tpu.assume_multiple %shift_left3A_693, 128 : i32
    %dma_start3A_695 = arith.constant 9 : i32
    %dma_start3A_696 = arith.constant 0 : i32
    %dma_start3A_697 = arith.constant 0 : i32
    %dma_start3A_698 = tpu.memref_slice %arg11[%dma_start3A_695, %dma_start3A_696, %dma_start3A_697] : memref<24x10x128xf32, #tpu.memory_space<vmem>> -> memref<1x10x128xf32, #tpu.memory_space<vmem>>
    %dma_start3A_699 = tpu.memref_squeeze %dma_start3A_698 : memref<1x10x128xf32, #tpu.memory_space<vmem>> -> memref<10x128xf32, #tpu.memory_space<vmem>>
    %dma_start3A_700 = arith.constant 0 : i32
    %dma_start3A_701 = tpu.memref_slice %arg4[%dma_start3A_700, %multiple_of3A_689] : memref<10x1000000xf32, #tpu.memory_space<hbm>> -> memref<10x128xf32, #tpu.memory_space<hbm>>
    %dma_start3A_702 = arith.constant 0 : i32
    %dma_start3A_703 = arith.constant 0 : i32
    %dma_start3A_704 = tpu.memref_slice %arg11[%dma_start3A_695, %dma_start3A_702, %dma_start3A_703] : memref<24x10x128xf32, #tpu.memory_space<vmem>> -> memref<1x10x128xf32, #tpu.memory_space<vmem>>
    %dma_start3A_705 = tpu.memref_squeeze %dma_start3A_704 : memref<1x10x128xf32, #tpu.memory_space<vmem>> -> memref<10x128xf32, #tpu.memory_space<vmem>>
    %dma_start3A_706 = arith.constant 0 : i32
    %dma_start3A_707 = tpu.memref_slice %arg4[%dma_start3A_706, %multiple_of3A_689] : memref<10x1000000xf32, #tpu.memory_space<hbm>> -> memref<10x128xf32, #tpu.memory_space<hbm>>
    tpu.enqueue_dma source(%dma_start3A_707 : memref<10x128xf32, #tpu.memory_space<hbm>>) target(%dma_start3A_705 : memref<10x128xf32, #tpu.memory_space<vmem>>) target_semaphore(%arg16 : memref<!tpu.dma_semaphore, #tpu.memory_space<semaphore_mem>>)
    %dma_start3A_708 = arith.constant 9 : i32
    %dma_start3A_709 = arith.constant 0 : i32
    %dma_start3A_710 = arith.constant 0 : i32
    %dma_start3A_711 = tpu.memref_slice %arg12[%dma_start3A_708, %dma_start3A_709, %dma_start3A_710] : memref<24x10x128xf32, #tpu.memory_space<vmem>> -> memref<1x10x128xf32, #tpu.memory_space<vmem>>
    %dma_start3A_712 = tpu.memref_squeeze %dma_start3A_711 : memref<1x10x128xf32, #tpu.memory_space<vmem>> -> memref<10x128xf32, #tpu.memory_space<vmem>>
    %dma_start3A_713 = arith.constant 0 : i32
    %dma_start3A_714 = tpu.memref_slice %arg5[%dma_start3A_713, %multiple_of3A_694] : memref<10x1000000xf32, #tpu.memory_space<hbm>> -> memref<10x128xf32, #tpu.memory_space<hbm>>
    %dma_start3A_715 = arith.constant 0 : i32
    %dma_start3A_716 = arith.constant 0 : i32
    %dma_start3A_717 = tpu.memref_slice %arg12[%dma_start3A_708, %dma_start3A_715, %dma_start3A_716] : memref<24x10x128xf32, #tpu.memory_space<vmem>> -> memref<1x10x128xf32, #tpu.memory_space<vmem>>
    %dma_start3A_718 = tpu.memref_squeeze %dma_start3A_717 : memref<1x10x128xf32, #tpu.memory_space<vmem>> -> memref<10x128xf32, #tpu.memory_space<vmem>>
    %dma_start3A_719 = arith.constant 0 : i32
    %dma_start3A_720 = tpu.memref_slice %arg5[%dma_start3A_719, %multiple_of3A_694] : memref<10x1000000xf32, #tpu.memory_space<hbm>> -> memref<10x128xf32, #tpu.memory_space<hbm>>
    tpu.enqueue_dma source(%dma_start3A_720 : memref<10x128xf32, #tpu.memory_space<hbm>>) target(%dma_start3A_718 : memref<10x128xf32, #tpu.memory_space<vmem>>) target_semaphore(%arg17 : memref<!tpu.dma_semaphore, #tpu.memory_space<semaphore_mem>>)
    %shift_right_logical3A_721 = arith.constant 10 : i32
    %shift_right_logical3A_722 = arith.constant 4 : i32
    %shift_right_logical3A_723 = arith.shrui %shift_right_logical3A_721, %shift_right_logical3A_722 : i32
    %shift_left3A_724 = arith.constant 4 : i32
    %shift_left3A_725 = arith.shli %shift_right_logical3A_723, %shift_left3A_724 : i32
    %multiple_of3A_726 = tpu.assume_multiple %shift_left3A_725, 16 : i32
    %get3A_727 = arith.index_cast %multiple_of3A_726 : i32 to index
    %get3A_728 = tpu.vector_load %arg7[%get3A_727] {strides = array<i32>} : memref<512xi32, #tpu.memory_space<vmem>>, vector<16xi32>,
    %eq3A_729 = arith.constant 10 : i32
    %eq3A_730 = vector.broadcast %eq3A_729 : i32 to vector<16xi32>
    %eq3A_731 = arith.cmpi eq, %iota3A, %eq3A_730 : vector<16xi32>
    %jit3A_732 = arith.constant 0 : i32
    %broadcast_in_dim3A_733 = vector.broadcast %jit3A_732 : i32 to vector<16xi32>
    %select_n3A_734 = arith.select %eq3A_731, %get3A_728, %broadcast_in_dim3A_733 : vector<16xi1>, vector<16xi32>
    %reduce_sum3A_735 = arith.constant true
    %reduce_sum3A_736 = vector.broadcast %reduce_sum3A_735 : i1 to vector<16xi1>
    %reduce_sum3A_737 = tpu.scan <sum>, %select_n3A_734 masked %reduce_sum3A_736 : vector<16xi32>, vector<16xi1> -> vector<16xi32>
    %reduce_sum3A_738 = vector.extract %reduce_sum3A_737[15] : i32 from vector<16xi32>
    %shift_right_logical3A_739 = arith.constant 10 : i32
    %shift_right_logical3A_740 = arith.constant 4 : i32
    %shift_right_logical3A_741 = arith.shrui %shift_right_logical3A_739, %shift_right_logical3A_740 : i32
    %shift_left3A_742 = arith.constant 4 : i32
    %shift_left3A_743 = arith.shli %shift_right_logical3A_741, %shift_left3A_742 : i32
    %multiple_of3A_744 = tpu.assume_multiple %shift_left3A_743, 16 : i32
    %get3A_745 = arith.index_cast %multiple_of3A_744 : i32 to index
    %get3A_746 = tpu.vector_load %arg8[%get3A_745] {strides = array<i32>} : memref<512xi32, #tpu.memory_space<vmem>>, vector<16xi32>,
    %eq3A_747 = arith.constant 10 : i32
    %eq3A_748 = vector.broadcast %eq3A_747 : i32 to vector<16xi32>
    %eq3A_749 = arith.cmpi eq, %iota3A, %eq3A_748 : vector<16xi32>
    %jit3A_750 = arith.constant 0 : i32
    %broadcast_in_dim3A_751 = vector.broadcast %jit3A_750 : i32 to vector<16xi32>
    %select_n3A_752 = arith.select %eq3A_749, %get3A_746, %broadcast_in_dim3A_751 : vector<16xi1>, vector<16xi32>
    %reduce_sum3A_753 = arith.constant true
    %reduce_sum3A_754 = vector.broadcast %reduce_sum3A_753 : i1 to vector<16xi1>
    %reduce_sum3A_755 = tpu.scan <sum>, %select_n3A_752 masked %reduce_sum3A_754 : vector<16xi32>, vector<16xi1> -> vector<16xi32>
    %reduce_sum3A_756 = vector.extract %reduce_sum3A_755[15] : i32 from vector<16xi32>
    %shift_right_logical3A_757 = arith.constant 7 : i32
    %shift_right_logical3A_758 = arith.shrui %reduce_sum3A_738, %shift_right_logical3A_757 : i32
    %shift_left3A_759 = arith.constant 7 : i32
    %shift_left3A_760 = arith.shli %shift_right_logical3A_758, %shift_left3A_759 : i32
    %multiple_of3A_761 = tpu.assume_multiple %shift_left3A_760, 128 : i32
    %shift_right_logical3A_762 = arith.constant 7 : i32
    %shift_right_logical3A_763 = arith.shrui %reduce_sum3A_756, %shift_right_logical3A_762 : i32
    %shift_left3A_764 = arith.constant 7 : i32
    %shift_left3A_765 = arith.shli %shift_right_logical3A_763, %shift_left3A_764 : i32
    %multiple_of3A_766 = tpu.assume_multiple %shift_left3A_765, 128 : i32
    %dma_start3A_767 = arith.constant 10 : i32
    %dma_start3A_768 = arith.constant 0 : i32
    %dma_start3A_769 = arith.constant 0 : i32
    %dma_start3A_770 = tpu.memref_slice %arg11[%dma_start3A_767, %dma_start3A_768, %dma_start3A_769] : memref<24x10x128xf32, #tpu.memory_space<vmem>> -> memref<1x10x128xf32, #tpu.memory_space<vmem>>
    %dma_start3A_771 = tpu.memref_squeeze %dma_start3A_770 : memref<1x10x128xf32, #tpu.memory_space<vmem>> -> memref<10x128xf32, #tpu.memory_space<vmem>>
    %dma_start3A_772 = arith.constant 0 : i32
    %dma_start3A_773 = tpu.memref_slice %arg4[%dma_start3A_772, %multiple_of3A_761] : memref<10x1000000xf32, #tpu.memory_space<hbm>> -> memref<10x128xf32, #tpu.memory_space<hbm>>
    %dma_start3A_774 = arith.constant 0 : i32
    %dma_start3A_775 = arith.constant 0 : i32
    %dma_start3A_776 = tpu.memref_slice %arg11[%dma_start3A_767, %dma_start3A_774, %dma_start3A_775] : memref<24x10x128xf32, #tpu.memory_space<vmem>> -> memref<1x10x128xf32, #tpu.memory_space<vmem>>
    %dma_start3A_777 = tpu.memref_squeeze %dma_start3A_776 : memref<1x10x128xf32, #tpu.memory_space<vmem>> -> memref<10x128xf32, #tpu.memory_space<vmem>>
    %dma_start3A_778 = arith.constant 0 : i32
    %dma_start3A_779 = tpu.memref_slice %arg4[%dma_start3A_778, %multiple_of3A_761] : memref<10x1000000xf32, #tpu.memory_space<hbm>> -> memref<10x128xf32, #tpu.memory_space<hbm>>
    tpu.enqueue_dma source(%dma_start3A_779 : memref<10x128xf32, #tpu.memory_space<hbm>>) target(%dma_start3A_777 : memref<10x128xf32, #tpu.memory_space<vmem>>) target_semaphore(%arg16 : memref<!tpu.dma_semaphore, #tpu.memory_space<semaphore_mem>>)
    %dma_start3A_780 = arith.constant 10 : i32
    %dma_start3A_781 = arith.constant 0 : i32
    %dma_start3A_782 = arith.constant 0 : i32
    %dma_start3A_783 = tpu.memref_slice %arg12[%dma_start3A_780, %dma_start3A_781, %dma_start3A_782] : memref<24x10x128xf32, #tpu.memory_space<vmem>> -> memref<1x10x128xf32, #tpu.memory_space<vmem>>
    %dma_start3A_784 = tpu.memref_squeeze %dma_start3A_783 : memref<1x10x128xf32, #tpu.memory_space<vmem>> -> memref<10x128xf32, #tpu.memory_space<vmem>>
    %dma_start3A_785 = arith.constant 0 : i32
    %dma_start3A_786 = tpu.memref_slice %arg5[%dma_start3A_785, %multiple_of3A_766] : memref<10x1000000xf32, #tpu.memory_space<hbm>> -> memref<10x128xf32, #tpu.memory_space<hbm>>
    %dma_start3A_787 = arith.constant 0 : i32
    %dma_start3A_788 = arith.constant 0 : i32
    %dma_start3A_789 = tpu.memref_slice %arg12[%dma_start3A_780, %dma_start3A_787, %dma_start3A_788] : memref<24x10x128xf32, #tpu.memory_space<vmem>> -> memref<1x10x128xf32, #tpu.memory_space<vmem>>
    %dma_start3A_790 = tpu.memref_squeeze %dma_start3A_789 : memref<1x10x128xf32, #tpu.memory_space<vmem>> -> memref<10x128xf32, #tpu.memory_space<vmem>>
    %dma_start3A_791 = arith.constant 0 : i32
    %dma_start3A_792 = tpu.memref_slice %arg5[%dma_start3A_791, %multiple_of3A_766] : memref<10x1000000xf32, #tpu.memory_space<hbm>> -> memref<10x128xf32, #tpu.memory_space<hbm>>
    tpu.enqueue_dma source(%dma_start3A_792 : memref<10x128xf32, #tpu.memory_space<hbm>>) target(%dma_start3A_790 : memref<10x128xf32, #tpu.memory_space<vmem>>) target_semaphore(%arg17 : memref<!tpu.dma_semaphore, #tpu.memory_space<semaphore_mem>>)
    %shift_right_logical3A_793 = arith.constant 11 : i32
    %shift_right_logical3A_794 = arith.constant 4 : i32
    %shift_right_logical3A_795 = arith.shrui %shift_right_logical3A_793, %shift_right_logical3A_794 : i32
    %shift_left3A_796 = arith.constant 4 : i32
    %shift_left3A_797 = arith.shli %shift_right_logical3A_795, %shift_left3A_796 : i32
    %multiple_of3A_798 = tpu.assume_multiple %shift_left3A_797, 16 : i32
    %get3A_799 = arith.index_cast %multiple_of3A_798 : i32 to index
    %get3A_800 = tpu.vector_load %arg7[%get3A_799] {strides = array<i32>} : memref<512xi32, #tpu.memory_space<vmem>>, vector<16xi32>,
    %eq3A_801 = arith.constant 11 : i32
    %eq3A_802 = vector.broadcast %eq3A_801 : i32 to vector<16xi32>
    %eq3A_803 = arith.cmpi eq, %iota3A, %eq3A_802 : vector<16xi32>
    %jit3A_804 = arith.constant 0 : i32
    %broadcast_in_dim3A_805 = vector.broadcast %jit3A_804 : i32 to vector<16xi32>
    %select_n3A_806 = arith.select %eq3A_803, %get3A_800, %broadcast_in_dim3A_805 : vector<16xi1>, vector<16xi32>
    %reduce_sum3A_807 = arith.constant true
    %reduce_sum3A_808 = vector.broadcast %reduce_sum3A_807 : i1 to vector<16xi1>
    %reduce_sum3A_809 = tpu.scan <sum>, %select_n3A_806 masked %reduce_sum3A_808 : vector<16xi32>, vector<16xi1> -> vector<16xi32>
    %reduce_sum3A_810 = vector.extract %reduce_sum3A_809[15] : i32 from vector<16xi32>
    %shift_right_logical3A_811 = arith.constant 11 : i32
    %shift_right_logical3A_812 = arith.constant 4 : i32
    %shift_right_logical3A_813 = arith.shrui %shift_right_logical3A_811, %shift_right_logical3A_812 : i32
    %shift_left3A_814 = arith.constant 4 : i32
    %shift_left3A_815 = arith.shli %shift_right_logical3A_813, %shift_left3A_814 : i32
    %multiple_of3A_816 = tpu.assume_multiple %shift_left3A_815, 16 : i32
    %get3A_817 = arith.index_cast %multiple_of3A_816 : i32 to index
    %get3A_818 = tpu.vector_load %arg8[%get3A_817] {strides = array<i32>} : memref<512xi32, #tpu.memory_space<vmem>>, vector<16xi32>,
    %eq3A_819 = arith.constant 11 : i32
    %eq3A_820 = vector.broadcast %eq3A_819 : i32 to vector<16xi32>
    %eq3A_821 = arith.cmpi eq, %iota3A, %eq3A_820 : vector<16xi32>
    %jit3A_822 = arith.constant 0 : i32
    %broadcast_in_dim3A_823 = vector.broadcast %jit3A_822 : i32 to vector<16xi32>
    %select_n3A_824 = arith.select %eq3A_821, %get3A_818, %broadcast_in_dim3A_823 : vector<16xi1>, vector<16xi32>
    %reduce_sum3A_825 = arith.constant true
    %reduce_sum3A_826 = vector.broadcast %reduce_sum3A_825 : i1 to vector<16xi1>
    %reduce_sum3A_827 = tpu.scan <sum>, %select_n3A_824 masked %reduce_sum3A_826 : vector<16xi32>, vector<16xi1> -> vector<16xi32>
    %reduce_sum3A_828 = vector.extract %reduce_sum3A_827[15] : i32 from vector<16xi32>
    %shift_right_logical3A_829 = arith.constant 7 : i32
    %shift_right_logical3A_830 = arith.shrui %reduce_sum3A_810, %shift_right_logical3A_829 : i32
    %shift_left3A_831 = arith.constant 7 : i32
    %shift_left3A_832 = arith.shli %shift_right_logical3A_830, %shift_left3A_831 : i32
    %multiple_of3A_833 = tpu.assume_multiple %shift_left3A_832, 128 : i32
    %shift_right_logical3A_834 = arith.constant 7 : i32
    %shift_right_logical3A_835 = arith.shrui %reduce_sum3A_828, %shift_right_logical3A_834 : i32
    %shift_left3A_836 = arith.constant 7 : i32
    %shift_left3A_837 = arith.shli %shift_right_logical3A_835, %shift_left3A_836 : i32
    %multiple_of3A_838 = tpu.assume_multiple %shift_left3A_837, 128 : i32
    %dma_start3A_839 = arith.constant 11 : i32
    %dma_start3A_840 = arith.constant 0 : i32
    %dma_start3A_841 = arith.constant 0 : i32
    %dma_start3A_842 = tpu.memref_slice %arg11[%dma_start3A_839, %dma_start3A_840, %dma_start3A_841] : memref<24x10x128xf32, #tpu.memory_space<vmem>> -> memref<1x10x128xf32, #tpu.memory_space<vmem>>
    %dma_start3A_843 = tpu.memref_squeeze %dma_start3A_842 : memref<1x10x128xf32, #tpu.memory_space<vmem>> -> memref<10x128xf32, #tpu.memory_space<vmem>>
    %dma_start3A_844 = arith.constant 0 : i32
    %dma_start3A_845 = tpu.memref_slice %arg4[%dma_start3A_844, %multiple_of3A_833] : memref<10x1000000xf32, #tpu.memory_space<hbm>> -> memref<10x128xf32, #tpu.memory_space<hbm>>
    %dma_start3A_846 = arith.constant 0 : i32
    %dma_start3A_847 = arith.constant 0 : i32
    %dma_start3A_848 = tpu.memref_slice %arg11[%dma_start3A_839, %dma_start3A_846, %dma_start3A_847] : memref<24x10x128xf32, #tpu.memory_space<vmem>> -> memref<1x10x128xf32, #tpu.memory_space<vmem>>
    %dma_start3A_849 = tpu.memref_squeeze %dma_start3A_848 : memref<1x10x128xf32, #tpu.memory_space<vmem>> -> memref<10x128xf32, #tpu.memory_space<vmem>>
    %dma_start3A_850 = arith.constant 0 : i32
    %dma_start3A_851 = tpu.memref_slice %arg4[%dma_start3A_850, %multiple_of3A_833] : memref<10x1000000xf32, #tpu.memory_space<hbm>> -> memref<10x128xf32, #tpu.memory_space<hbm>>
    tpu.enqueue_dma source(%dma_start3A_851 : memref<10x128xf32, #tpu.memory_space<hbm>>) target(%dma_start3A_849 : memref<10x128xf32, #tpu.memory_space<vmem>>) target_semaphore(%arg16 : memref<!tpu.dma_semaphore, #tpu.memory_space<semaphore_mem>>)
    %dma_start3A_852 = arith.constant 11 : i32
    %dma_start3A_853 = arith.constant 0 : i32
    %dma_start3A_854 = arith.constant 0 : i32
    %dma_start3A_855 = tpu.memref_slice %arg12[%dma_start3A_852, %dma_start3A_853, %dma_start3A_854] : memref<24x10x128xf32, #tpu.memory_space<vmem>> -> memref<1x10x128xf32, #tpu.memory_space<vmem>>
    %dma_start3A_856 = tpu.memref_squeeze %dma_start3A_855 : memref<1x10x128xf32, #tpu.memory_space<vmem>> -> memref<10x128xf32, #tpu.memory_space<vmem>>
    %dma_start3A_857 = arith.constant 0 : i32
    %dma_start3A_858 = tpu.memref_slice %arg5[%dma_start3A_857, %multiple_of3A_838] : memref<10x1000000xf32, #tpu.memory_space<hbm>> -> memref<10x128xf32, #tpu.memory_space<hbm>>
    %dma_start3A_859 = arith.constant 0 : i32
    %dma_start3A_860 = arith.constant 0 : i32
    %dma_start3A_861 = tpu.memref_slice %arg12[%dma_start3A_852, %dma_start3A_859, %dma_start3A_860] : memref<24x10x128xf32, #tpu.memory_space<vmem>> -> memref<1x10x128xf32, #tpu.memory_space<vmem>>
    %dma_start3A_862 = tpu.memref_squeeze %dma_start3A_861 : memref<1x10x128xf32, #tpu.memory_space<vmem>> -> memref<10x128xf32, #tpu.memory_space<vmem>>
    %dma_start3A_863 = arith.constant 0 : i32
    %dma_start3A_864 = tpu.memref_slice %arg5[%dma_start3A_863, %multiple_of3A_838] : memref<10x1000000xf32, #tpu.memory_space<hbm>> -> memref<10x128xf32, #tpu.memory_space<hbm>>
    tpu.enqueue_dma source(%dma_start3A_864 : memref<10x128xf32, #tpu.memory_space<hbm>>) target(%dma_start3A_862 : memref<10x128xf32, #tpu.memory_space<vmem>>) target_semaphore(%arg17 : memref<!tpu.dma_semaphore, #tpu.memory_space<semaphore_mem>>)
    %shift_right_logical3A_865 = arith.constant 12 : i32
    %shift_right_logical3A_866 = arith.constant 4 : i32
    %shift_right_logical3A_867 = arith.shrui %shift_right_logical3A_865, %shift_right_logical3A_866 : i32
    %shift_left3A_868 = arith.constant 4 : i32
    %shift_left3A_869 = arith.shli %shift_right_logical3A_867, %shift_left3A_868 : i32
    %multiple_of3A_870 = tpu.assume_multiple %shift_left3A_869, 16 : i32
    %get3A_871 = arith.index_cast %multiple_of3A_870 : i32 to index
    %get3A_872 = tpu.vector_load %arg7[%get3A_871] {strides = array<i32>} : memref<512xi32, #tpu.memory_space<vmem>>, vector<16xi32>,
    %eq3A_873 = arith.constant 12 : i32
    %eq3A_874 = vector.broadcast %eq3A_873 : i32 to vector<16xi32>
    %eq3A_875 = arith.cmpi eq, %iota3A, %eq3A_874 : vector<16xi32>
    %jit3A_876 = arith.constant 0 : i32
    %broadcast_in_dim3A_877 = vector.broadcast %jit3A_876 : i32 to vector<16xi32>
    %select_n3A_878 = arith.select %eq3A_875, %get3A_872, %broadcast_in_dim3A_877 : vector<16xi1>, vector<16xi32>
    %reduce_sum3A_879 = arith.constant true
    %reduce_sum3A_880 = vector.broadcast %reduce_sum3A_879 : i1 to vector<16xi1>
    %reduce_sum3A_881 = tpu.scan <sum>, %select_n3A_878 masked %reduce_sum3A_880 : vector<16xi32>, vector<16xi1> -> vector<16xi32>
    %reduce_sum3A_882 = vector.extract %reduce_sum3A_881[15] : i32 from vector<16xi32>
    %shift_right_logical3A_883 = arith.constant 12 : i32
    %shift_right_logical3A_884 = arith.constant 4 : i32
    %shift_right_logical3A_885 = arith.shrui %shift_right_logical3A_883, %shift_right_logical3A_884 : i32
    %shift_left3A_886 = arith.constant 4 : i32
    %shift_left3A_887 = arith.shli %shift_right_logical3A_885, %shift_left3A_886 : i32
    %multiple_of3A_888 = tpu.assume_multiple %shift_left3A_887, 16 : i32
    %get3A_889 = arith.index_cast %multiple_of3A_888 : i32 to index
    %get3A_890 = tpu.vector_load %arg8[%get3A_889] {strides = array<i32>} : memref<512xi32, #tpu.memory_space<vmem>>, vector<16xi32>,
    %eq3A_891 = arith.constant 12 : i32
    %eq3A_892 = vector.broadcast %eq3A_891 : i32 to vector<16xi32>
    %eq3A_893 = arith.cmpi eq, %iota3A, %eq3A_892 : vector<16xi32>
    %jit3A_894 = arith.constant 0 : i32
    %broadcast_in_dim3A_895 = vector.broadcast %jit3A_894 : i32 to vector<16xi32>
    %select_n3A_896 = arith.select %eq3A_893, %get3A_890, %broadcast_in_dim3A_895 : vector<16xi1>, vector<16xi32>
    %reduce_sum3A_897 = arith.constant true
    %reduce_sum3A_898 = vector.broadcast %reduce_sum3A_897 : i1 to vector<16xi1>
    %reduce_sum3A_899 = tpu.scan <sum>, %select_n3A_896 masked %reduce_sum3A_898 : vector<16xi32>, vector<16xi1> -> vector<16xi32>
    %reduce_sum3A_900 = vector.extract %reduce_sum3A_899[15] : i32 from vector<16xi32>
    %shift_right_logical3A_901 = arith.constant 7 : i32
    %shift_right_logical3A_902 = arith.shrui %reduce_sum3A_882, %shift_right_logical3A_901 : i32
    %shift_left3A_903 = arith.constant 7 : i32
    %shift_left3A_904 = arith.shli %shift_right_logical3A_902, %shift_left3A_903 : i32
    %multiple_of3A_905 = tpu.assume_multiple %shift_left3A_904, 128 : i32
    %shift_right_logical3A_906 = arith.constant 7 : i32
    %shift_right_logical3A_907 = arith.shrui %reduce_sum3A_900, %shift_right_logical3A_906 : i32
    %shift_left3A_908 = arith.constant 7 : i32
    %shift_left3A_909 = arith.shli %shift_right_logical3A_907, %shift_left3A_908 : i32
    %multiple_of3A_910 = tpu.assume_multiple %shift_left3A_909, 128 : i32
    %dma_start3A_911 = arith.constant 12 : i32
    %dma_start3A_912 = arith.constant 0 : i32
    %dma_start3A_913 = arith.constant 0 : i32
    %dma_start3A_914 = tpu.memref_slice %arg11[%dma_start3A_911, %dma_start3A_912, %dma_start3A_913] : memref<24x10x128xf32, #tpu.memory_space<vmem>> -> memref<1x10x128xf32, #tpu.memory_space<vmem>>
    %dma_start3A_915 = tpu.memref_squeeze %dma_start3A_914 : memref<1x10x128xf32, #tpu.memory_space<vmem>> -> memref<10x128xf32, #tpu.memory_space<vmem>>
    %dma_start3A_916 = arith.constant 0 : i32
    %dma_start3A_917 = tpu.memref_slice %arg4[%dma_start3A_916, %multiple_of3A_905] : memref<10x1000000xf32, #tpu.memory_space<hbm>> -> memref<10x128xf32, #tpu.memory_space<hbm>>
    %dma_start3A_918 = arith.constant 0 : i32
    %dma_start3A_919 = arith.constant 0 : i32
    %dma_start3A_920 = tpu.memref_slice %arg11[%dma_start3A_911, %dma_start3A_918, %dma_start3A_919] : memref<24x10x128xf32, #tpu.memory_space<vmem>> -> memref<1x10x128xf32, #tpu.memory_space<vmem>>
    %dma_start3A_921 = tpu.memref_squeeze %dma_start3A_920 : memref<1x10x128xf32, #tpu.memory_space<vmem>> -> memref<10x128xf32, #tpu.memory_space<vmem>>
    %dma_start3A_922 = arith.constant 0 : i32
    %dma_start3A_923 = tpu.memref_slice %arg4[%dma_start3A_922, %multiple_of3A_905] : memref<10x1000000xf32, #tpu.memory_space<hbm>> -> memref<10x128xf32, #tpu.memory_space<hbm>>
    tpu.enqueue_dma source(%dma_start3A_923 : memref<10x128xf32, #tpu.memory_space<hbm>>) target(%dma_start3A_921 : memref<10x128xf32, #tpu.memory_space<vmem>>) target_semaphore(%arg16 : memref<!tpu.dma_semaphore, #tpu.memory_space<semaphore_mem>>)
    %dma_start3A_924 = arith.constant 12 : i32
    %dma_start3A_925 = arith.constant 0 : i32
    %dma_start3A_926 = arith.constant 0 : i32
    %dma_start3A_927 = tpu.memref_slice %arg12[%dma_start3A_924, %dma_start3A_925, %dma_start3A_926] : memref<24x10x128xf32, #tpu.memory_space<vmem>> -> memref<1x10x128xf32, #tpu.memory_space<vmem>>
    %dma_start3A_928 = tpu.memref_squeeze %dma_start3A_927 : memref<1x10x128xf32, #tpu.memory_space<vmem>> -> memref<10x128xf32, #tpu.memory_space<vmem>>
    %dma_start3A_929 = arith.constant 0 : i32
    %dma_start3A_930 = tpu.memref_slice %arg5[%dma_start3A_929, %multiple_of3A_910] : memref<10x1000000xf32, #tpu.memory_space<hbm>> -> memref<10x128xf32, #tpu.memory_space<hbm>>
    %dma_start3A_931 = arith.constant 0 : i32
    %dma_start3A_932 = arith.constant 0 : i32
    %dma_start3A_933 = tpu.memref_slice %arg12[%dma_start3A_924, %dma_start3A_931, %dma_start3A_932] : memref<24x10x128xf32, #tpu.memory_space<vmem>> -> memref<1x10x128xf32, #tpu.memory_space<vmem>>
    %dma_start3A_934 = tpu.memref_squeeze %dma_start3A_933 : memref<1x10x128xf32, #tpu.memory_space<vmem>> -> memref<10x128xf32, #tpu.memory_space<vmem>>
    %dma_start3A_935 = arith.constant 0 : i32
    %dma_start3A_936 = tpu.memref_slice %arg5[%dma_start3A_935, %multiple_of3A_910] : memref<10x1000000xf32, #tpu.memory_space<hbm>> -> memref<10x128xf32, #tpu.memory_space<hbm>>
    tpu.enqueue_dma source(%dma_start3A_936 : memref<10x128xf32, #tpu.memory_space<hbm>>) target(%dma_start3A_934 : memref<10x128xf32, #tpu.memory_space<vmem>>) target_semaphore(%arg17 : memref<!tpu.dma_semaphore, #tpu.memory_space<semaphore_mem>>)
    %shift_right_logical3A_937 = arith.constant 13 : i32
    %shift_right_logical3A_938 = arith.constant 4 : i32
    %shift_right_logical3A_939 = arith.shrui %shift_right_logical3A_937, %shift_right_logical3A_938 : i32
    %shift_left3A_940 = arith.constant 4 : i32
    %shift_left3A_941 = arith.shli %shift_right_logical3A_939, %shift_left3A_940 : i32
    %multiple_of3A_942 = tpu.assume_multiple %shift_left3A_941, 16 : i32
    %get3A_943 = arith.index_cast %multiple_of3A_942 : i32 to index
    %get3A_944 = tpu.vector_load %arg7[%get3A_943] {strides = array<i32>} : memref<512xi32, #tpu.memory_space<vmem>>, vector<16xi32>,
    %eq3A_945 = arith.constant 13 : i32
    %eq3A_946 = vector.broadcast %eq3A_945 : i32 to vector<16xi32>
    %eq3A_947 = arith.cmpi eq, %iota3A, %eq3A_946 : vector<16xi32>
    %jit3A_948 = arith.constant 0 : i32
    %broadcast_in_dim3A_949 = vector.broadcast %jit3A_948 : i32 to vector<16xi32>
    %select_n3A_950 = arith.select %eq3A_947, %get3A_944, %broadcast_in_dim3A_949 : vector<16xi1>, vector<16xi32>
    %reduce_sum3A_951 = arith.constant true
    %reduce_sum3A_952 = vector.broadcast %reduce_sum3A_951 : i1 to vector<16xi1>
    %reduce_sum3A_953 = tpu.scan <sum>, %select_n3A_950 masked %reduce_sum3A_952 : vector<16xi32>, vector<16xi1> -> vector<16xi32>
    %reduce_sum3A_954 = vector.extract %reduce_sum3A_953[15] : i32 from vector<16xi32>
    %shift_right_logical3A_955 = arith.constant 13 : i32
    %shift_right_logical3A_956 = arith.constant 4 : i32
    %shift_right_logical3A_957 = arith.shrui %shift_right_logical3A_955, %shift_right_logical3A_956 : i32
    %shift_left3A_958 = arith.constant 4 : i32
    %shift_left3A_959 = arith.shli %shift_right_logical3A_957, %shift_left3A_958 : i32
    %multiple_of3A_960 = tpu.assume_multiple %shift_left3A_959, 16 : i32
    %get3A_961 = arith.index_cast %multiple_of3A_960 : i32 to index
    %get3A_962 = tpu.vector_load %arg8[%get3A_961] {strides = array<i32>} : memref<512xi32, #tpu.memory_space<vmem>>, vector<16xi32>,
    %eq3A_963 = arith.constant 13 : i32
    %eq3A_964 = vector.broadcast %eq3A_963 : i32 to vector<16xi32>
    %eq3A_965 = arith.cmpi eq, %iota3A, %eq3A_964 : vector<16xi32>
    %jit3A_966 = arith.constant 0 : i32
    %broadcast_in_dim3A_967 = vector.broadcast %jit3A_966 : i32 to vector<16xi32>
    %select_n3A_968 = arith.select %eq3A_965, %get3A_962, %broadcast_in_dim3A_967 : vector<16xi1>, vector<16xi32>
    %reduce_sum3A_969 = arith.constant true
    %reduce_sum3A_970 = vector.broadcast %reduce_sum3A_969 : i1 to vector<16xi1>
    %reduce_sum3A_971 = tpu.scan <sum>, %select_n3A_968 masked %reduce_sum3A_970 : vector<16xi32>, vector<16xi1> -> vector<16xi32>
    %reduce_sum3A_972 = vector.extract %reduce_sum3A_971[15] : i32 from vector<16xi32>
    %shift_right_logical3A_973 = arith.constant 7 : i32
    %shift_right_logical3A_974 = arith.shrui %reduce_sum3A_954, %shift_right_logical3A_973 : i32
    %shift_left3A_975 = arith.constant 7 : i32
    %shift_left3A_976 = arith.shli %shift_right_logical3A_974, %shift_left3A_975 : i32
    %multiple_of3A_977 = tpu.assume_multiple %shift_left3A_976, 128 : i32
    %shift_right_logical3A_978 = arith.constant 7 : i32
    %shift_right_logical3A_979 = arith.shrui %reduce_sum3A_972, %shift_right_logical3A_978 : i32
    %shift_left3A_980 = arith.constant 7 : i32
    %shift_left3A_981 = arith.shli %shift_right_logical3A_979, %shift_left3A_980 : i32
    %multiple_of3A_982 = tpu.assume_multiple %shift_left3A_981, 128 : i32
    %dma_start3A_983 = arith.constant 13 : i32
    %dma_start3A_984 = arith.constant 0 : i32
    %dma_start3A_985 = arith.constant 0 : i32
    %dma_start3A_986 = tpu.memref_slice %arg11[%dma_start3A_983, %dma_start3A_984, %dma_start3A_985] : memref<24x10x128xf32, #tpu.memory_space<vmem>> -> memref<1x10x128xf32, #tpu.memory_space<vmem>>
    %dma_start3A_987 = tpu.memref_squeeze %dma_start3A_986 : memref<1x10x128xf32, #tpu.memory_space<vmem>> -> memref<10x128xf32, #tpu.memory_space<vmem>>
    %dma_start3A_988 = arith.constant 0 : i32
    %dma_start3A_989 = tpu.memref_slice %arg4[%dma_start3A_988, %multiple_of3A_977] : memref<10x1000000xf32, #tpu.memory_space<hbm>> -> memref<10x128xf32, #tpu.memory_space<hbm>>
    %dma_start3A_990 = arith.constant 0 : i32
    %dma_start3A_991 = arith.constant 0 : i32
    %dma_start3A_992 = tpu.memref_slice %arg11[%dma_start3A_983, %dma_start3A_990, %dma_start3A_991] : memref<24x10x128xf32, #tpu.memory_space<vmem>> -> memref<1x10x128xf32, #tpu.memory_space<vmem>>
    %dma_start3A_993 = tpu.memref_squeeze %dma_start3A_992 : memref<1x10x128xf32, #tpu.memory_space<vmem>> -> memref<10x128xf32, #tpu.memory_space<vmem>>
    %dma_start3A_994 = arith.constant 0 : i32
    %dma_start3A_995 = tpu.memref_slice %arg4[%dma_start3A_994, %multiple_of3A_977] : memref<10x1000000xf32, #tpu.memory_space<hbm>> -> memref<10x128xf32, #tpu.memory_space<hbm>>
    tpu.enqueue_dma source(%dma_start3A_995 : memref<10x128xf32, #tpu.memory_space<hbm>>) target(%dma_start3A_993 : memref<10x128xf32, #tpu.memory_space<vmem>>) target_semaphore(%arg16 : memref<!tpu.dma_semaphore, #tpu.memory_space<semaphore_mem>>)
    %dma_start3A_996 = arith.constant 13 : i32
    %dma_start3A_997 = arith.constant 0 : i32
    %dma_start3A_998 = arith.constant 0 : i32
    %dma_start3A_999 = tpu.memref_slice %arg12[%dma_start3A_996, %dma_start3A_997, %dma_start3A_998] : memref<24x10x128xf32, #tpu.memory_space<vmem>> -> memref<1x10x128xf32, #tpu.memory_space<vmem>>
    %dma_start3A_1000 = tpu.memref_squeeze %dma_start3A_999 : memref<1x10x128xf32, #tpu.memory_space<vmem>> -> memref<10x128xf32, #tpu.memory_space<vmem>>
    %dma_start3A_1001 = arith.constant 0 : i32
    %dma_start3A_1002 = tpu.memref_slice %arg5[%dma_start3A_1001, %multiple_of3A_982] : memref<10x1000000xf32, #tpu.memory_space<hbm>> -> memref<10x128xf32, #tpu.memory_space<hbm>>
    %dma_start3A_1003 = arith.constant 0 : i32
    %dma_start3A_1004 = arith.constant 0 : i32
    %dma_start3A_1005 = tpu.memref_slice %arg12[%dma_start3A_996, %dma_start3A_1003, %dma_start3A_1004] : memref<24x10x128xf32, #tpu.memory_space<vmem>> -> memref<1x10x128xf32, #tpu.memory_space<vmem>>
    %dma_start3A_1006 = tpu.memref_squeeze %dma_start3A_1005 : memref<1x10x128xf32, #tpu.memory_space<vmem>> -> memref<10x128xf32, #tpu.memory_space<vmem>>
    %dma_start3A_1007 = arith.constant 0 : i32
    %dma_start3A_1008 = tpu.memref_slice %arg5[%dma_start3A_1007, %multiple_of3A_982] : memref<10x1000000xf32, #tpu.memory_space<hbm>> -> memref<10x128xf32, #tpu.memory_space<hbm>>
    tpu.enqueue_dma source(%dma_start3A_1008 : memref<10x128xf32, #tpu.memory_space<hbm>>) target(%dma_start3A_1006 : memref<10x128xf32, #tpu.memory_space<vmem>>) target_semaphore(%arg17 : memref<!tpu.dma_semaphore, #tpu.memory_space<semaphore_mem>>)
    %shift_right_logical3A_1009 = arith.constant 14 : i32
    %shift_right_logical3A_1010 = arith.constant 4 : i32
    %shift_right_logical3A_1011 = arith.shrui %shift_right_logical3A_1009, %shift_right_logical3A_1010 : i32
    %shift_left3A_1012 = arith.constant 4 : i32
    %shift_left3A_1013 = arith.shli %shift_right_logical3A_1011, %shift_left3A_1012 : i32
    %multiple_of3A_1014 = tpu.assume_multiple %shift_left3A_1013, 16 : i32
    %get3A_1015 = arith.index_cast %multiple_of3A_1014 : i32 to index
    %get3A_1016 = tpu.vector_load %arg7[%get3A_1015] {strides = array<i32>} : memref<512xi32, #tpu.memory_space<vmem>>, vector<16xi32>,
    %eq3A_1017 = arith.constant 14 : i32
    %eq3A_1018 = vector.broadcast %eq3A_1017 : i32 to vector<16xi32>
    %eq3A_1019 = arith.cmpi eq, %iota3A, %eq3A_1018 : vector<16xi32>
    %jit3A_1020 = arith.constant 0 : i32
    %broadcast_in_dim3A_1021 = vector.broadcast %jit3A_1020 : i32 to vector<16xi32>
    %select_n3A_1022 = arith.select %eq3A_1019, %get3A_1016, %broadcast_in_dim3A_1021 : vector<16xi1>, vector<16xi32>
    %reduce_sum3A_1023 = arith.constant true
    %reduce_sum3A_1024 = vector.broadcast %reduce_sum3A_1023 : i1 to vector<16xi1>
    %reduce_sum3A_1025 = tpu.scan <sum>, %select_n3A_1022 masked %reduce_sum3A_1024 : vector<16xi32>, vector<16xi1> -> vector<16xi32>
    %reduce_sum3A_1026 = vector.extract %reduce_sum3A_1025[15] : i32 from vector<16xi32>
    %shift_right_logical3A_1027 = arith.constant 14 : i32
    %shift_right_logical3A_1028 = arith.constant 4 : i32
    %shift_right_logical3A_1029 = arith.shrui %shift_right_logical3A_1027, %shift_right_logical3A_1028 : i32
    %shift_left3A_1030 = arith.constant 4 : i32
    %shift_left3A_1031 = arith.shli %shift_right_logical3A_1029, %shift_left3A_1030 : i32
    %multiple_of3A_1032 = tpu.assume_multiple %shift_left3A_1031, 16 : i32
    %get3A_1033 = arith.index_cast %multiple_of3A_1032 : i32 to index
    %get3A_1034 = tpu.vector_load %arg8[%get3A_1033] {strides = array<i32>} : memref<512xi32, #tpu.memory_space<vmem>>, vector<16xi32>,
    %eq3A_1035 = arith.constant 14 : i32
    %eq3A_1036 = vector.broadcast %eq3A_1035 : i32 to vector<16xi32>
    %eq3A_1037 = arith.cmpi eq, %iota3A, %eq3A_1036 : vector<16xi32>
    %jit3A_1038 = arith.constant 0 : i32
    %broadcast_in_dim3A_1039 = vector.broadcast %jit3A_1038 : i32 to vector<16xi32>
    %select_n3A_1040 = arith.select %eq3A_1037, %get3A_1034, %broadcast_in_dim3A_1039 : vector<16xi1>, vector<16xi32>
    %reduce_sum3A_1041 = arith.constant true
    %reduce_sum3A_1042 = vector.broadcast %reduce_sum3A_1041 : i1 to vector<16xi1>
    %reduce_sum3A_1043 = tpu.scan <sum>, %select_n3A_1040 masked %reduce_sum3A_1042 : vector<16xi32>, vector<16xi1> -> vector<16xi32>
    %reduce_sum3A_1044 = vector.extract %reduce_sum3A_1043[15] : i32 from vector<16xi32>
    %shift_right_logical3A_1045 = arith.constant 7 : i32
    %shift_right_logical3A_1046 = arith.shrui %reduce_sum3A_1026, %shift_right_logical3A_1045 : i32
    %shift_left3A_1047 = arith.constant 7 : i32
    %shift_left3A_1048 = arith.shli %shift_right_logical3A_1046, %shift_left3A_1047 : i32
    %multiple_of3A_1049 = tpu.assume_multiple %shift_left3A_1048, 128 : i32
    %shift_right_logical3A_1050 = arith.constant 7 : i32
    %shift_right_logical3A_1051 = arith.shrui %reduce_sum3A_1044, %shift_right_logical3A_1050 : i32
    %shift_left3A_1052 = arith.constant 7 : i32
    %shift_left3A_1053 = arith.shli %shift_right_logical3A_1051, %shift_left3A_1052 : i32
    %multiple_of3A_1054 = tpu.assume_multiple %shift_left3A_1053, 128 : i32
    %dma_start3A_1055 = arith.constant 14 : i32
    %dma_start3A_1056 = arith.constant 0 : i32
    %dma_start3A_1057 = arith.constant 0 : i32
    %dma_start3A_1058 = tpu.memref_slice %arg11[%dma_start3A_1055, %dma_start3A_1056, %dma_start3A_1057] : memref<24x10x128xf32, #tpu.memory_space<vmem>> -> memref<1x10x128xf32, #tpu.memory_space<vmem>>
    %dma_start3A_1059 = tpu.memref_squeeze %dma_start3A_1058 : memref<1x10x128xf32, #tpu.memory_space<vmem>> -> memref<10x128xf32, #tpu.memory_space<vmem>>
    %dma_start3A_1060 = arith.constant 0 : i32
    %dma_start3A_1061 = tpu.memref_slice %arg4[%dma_start3A_1060, %multiple_of3A_1049] : memref<10x1000000xf32, #tpu.memory_space<hbm>> -> memref<10x128xf32, #tpu.memory_space<hbm>>
    %dma_start3A_1062 = arith.constant 0 : i32
    %dma_start3A_1063 = arith.constant 0 : i32
    %dma_start3A_1064 = tpu.memref_slice %arg11[%dma_start3A_1055, %dma_start3A_1062, %dma_start3A_1063] : memref<24x10x128xf32, #tpu.memory_space<vmem>> -> memref<1x10x128xf32, #tpu.memory_space<vmem>>
    %dma_start3A_1065 = tpu.memref_squeeze %dma_start3A_1064 : memref<1x10x128xf32, #tpu.memory_space<vmem>> -> memref<10x128xf32, #tpu.memory_space<vmem>>
    %dma_start3A_1066 = arith.constant 0 : i32
    %dma_start3A_1067 = tpu.memref_slice %arg4[%dma_start3A_1066, %multiple_of3A_1049] : memref<10x1000000xf32, #tpu.memory_space<hbm>> -> memref<10x128xf32, #tpu.memory_space<hbm>>
    tpu.enqueue_dma source(%dma_start3A_1067 : memref<10x128xf32, #tpu.memory_space<hbm>>) target(%dma_start3A_1065 : memref<10x128xf32, #tpu.memory_space<vmem>>) target_semaphore(%arg16 : memref<!tpu.dma_semaphore, #tpu.memory_space<semaphore_mem>>)
    %dma_start3A_1068 = arith.constant 14 : i32
    %dma_start3A_1069 = arith.constant 0 : i32
    %dma_start3A_1070 = arith.constant 0 : i32
    %dma_start3A_1071 = tpu.memref_slice %arg12[%dma_start3A_1068, %dma_start3A_1069, %dma_start3A_1070] : memref<24x10x128xf32, #tpu.memory_space<vmem>> -> memref<1x10x128xf32, #tpu.memory_space<vmem>>
    %dma_start3A_1072 = tpu.memref_squeeze %dma_start3A_1071 : memref<1x10x128xf32, #tpu.memory_space<vmem>> -> memref<10x128xf32, #tpu.memory_space<vmem>>
    %dma_start3A_1073 = arith.constant 0 : i32
    %dma_start3A_1074 = tpu.memref_slice %arg5[%dma_start3A_1073, %multiple_of3A_1054] : memref<10x1000000xf32, #tpu.memory_space<hbm>> -> memref<10x128xf32, #tpu.memory_space<hbm>>
    %dma_start3A_1075 = arith.constant 0 : i32
    %dma_start3A_1076 = arith.constant 0 : i32
    %dma_start3A_1077 = tpu.memref_slice %arg12[%dma_start3A_1068, %dma_start3A_1075, %dma_start3A_1076] : memref<24x10x128xf32, #tpu.memory_space<vmem>> -> memref<1x10x128xf32, #tpu.memory_space<vmem>>
    %dma_start3A_1078 = tpu.memref_squeeze %dma_start3A_1077 : memref<1x10x128xf32, #tpu.memory_space<vmem>> -> memref<10x128xf32, #tpu.memory_space<vmem>>
    %dma_start3A_1079 = arith.constant 0 : i32
    %dma_start3A_1080 = tpu.memref_slice %arg5[%dma_start3A_1079, %multiple_of3A_1054] : memref<10x1000000xf32, #tpu.memory_space<hbm>> -> memref<10x128xf32, #tpu.memory_space<hbm>>
    tpu.enqueue_dma source(%dma_start3A_1080 : memref<10x128xf32, #tpu.memory_space<hbm>>) target(%dma_start3A_1078 : memref<10x128xf32, #tpu.memory_space<vmem>>) target_semaphore(%arg17 : memref<!tpu.dma_semaphore, #tpu.memory_space<semaphore_mem>>)
    %shift_right_logical3A_1081 = arith.constant 15 : i32
    %shift_right_logical3A_1082 = arith.constant 4 : i32
    %shift_right_logical3A_1083 = arith.shrui %shift_right_logical3A_1081, %shift_right_logical3A_1082 : i32
    %shift_left3A_1084 = arith.constant 4 : i32
    %shift_left3A_1085 = arith.shli %shift_right_logical3A_1083, %shift_left3A_1084 : i32
    %multiple_of3A_1086 = tpu.assume_multiple %shift_left3A_1085, 16 : i32
    %get3A_1087 = arith.index_cast %multiple_of3A_1086 : i32 to index
    %get3A_1088 = tpu.vector_load %arg7[%get3A_1087] {strides = array<i32>} : memref<512xi32, #tpu.memory_space<vmem>>, vector<16xi32>,
    %eq3A_1089 = arith.constant 15 : i32
    %eq3A_1090 = vector.broadcast %eq3A_1089 : i32 to vector<16xi32>
    %eq3A_1091 = arith.cmpi eq, %iota3A, %eq3A_1090 : vector<16xi32>
    %jit3A_1092 = arith.constant 0 : i32
    %broadcast_in_dim3A_1093 = vector.broadcast %jit3A_1092 : i32 to vector<16xi32>
    %select_n3A_1094 = arith.select %eq3A_1091, %get3A_1088, %broadcast_in_dim3A_1093 : vector<16xi1>, vector<16xi32>
    %reduce_sum3A_1095 = arith.constant true
    %reduce_sum3A_1096 = vector.broadcast %reduce_sum3A_1095 : i1 to vector<16xi1>
    %reduce_sum3A_1097 = tpu.scan <sum>, %select_n3A_1094 masked %reduce_sum3A_1096 : vector<16xi32>, vector<16xi1> -> vector<16xi32>
    %reduce_sum3A_1098 = vector.extract %reduce_sum3A_1097[15] : i32 from vector<16xi32>
    %shift_right_logical3A_1099 = arith.constant 15 : i32
    %shift_right_logical3A_1100 = arith.constant 4 : i32
    %shift_right_logical3A_1101 = arith.shrui %shift_right_logical3A_1099, %shift_right_logical3A_1100 : i32
    %shift_left3A_1102 = arith.constant 4 : i32
    %shift_left3A_1103 = arith.shli %shift_right_logical3A_1101, %shift_left3A_1102 : i32
    %multiple_of3A_1104 = tpu.assume_multiple %shift_left3A_1103, 16 : i32
    %get3A_1105 = arith.index_cast %multiple_of3A_1104 : i32 to index
    %get3A_1106 = tpu.vector_load %arg8[%get3A_1105] {strides = array<i32>} : memref<512xi32, #tpu.memory_space<vmem>>, vector<16xi32>,
    %eq3A_1107 = arith.constant 15 : i32
    %eq3A_1108 = vector.broadcast %eq3A_1107 : i32 to vector<16xi32>
    %eq3A_1109 = arith.cmpi eq, %iota3A, %eq3A_1108 : vector<16xi32>
    %jit3A_1110 = arith.constant 0 : i32
    %broadcast_in_dim3A_1111 = vector.broadcast %jit3A_1110 : i32 to vector<16xi32>
    %select_n3A_1112 = arith.select %eq3A_1109, %get3A_1106, %broadcast_in_dim3A_1111 : vector<16xi1>, vector<16xi32>
    %reduce_sum3A_1113 = arith.constant true
    %reduce_sum3A_1114 = vector.broadcast %reduce_sum3A_1113 : i1 to vector<16xi1>
    %reduce_sum3A_1115 = tpu.scan <sum>, %select_n3A_1112 masked %reduce_sum3A_1114 : vector<16xi32>, vector<16xi1> -> vector<16xi32>
    %reduce_sum3A_1116 = vector.extract %reduce_sum3A_1115[15] : i32 from vector<16xi32>
    %shift_right_logical3A_1117 = arith.constant 7 : i32
    %shift_right_logical3A_1118 = arith.shrui %reduce_sum3A_1098, %shift_right_logical3A_1117 : i32
    %shift_left3A_1119 = arith.constant 7 : i32
    %shift_left3A_1120 = arith.shli %shift_right_logical3A_1118, %shift_left3A_1119 : i32
    %multiple_of3A_1121 = tpu.assume_multiple %shift_left3A_1120, 128 : i32
    %shift_right_logical3A_1122 = arith.constant 7 : i32
    %shift_right_logical3A_1123 = arith.shrui %reduce_sum3A_1116, %shift_right_logical3A_1122 : i32
    %shift_left3A_1124 = arith.constant 7 : i32
    %shift_left3A_1125 = arith.shli %shift_right_logical3A_1123, %shift_left3A_1124 : i32
    %multiple_of3A_1126 = tpu.assume_multiple %shift_left3A_1125, 128 : i32
    %dma_start3A_1127 = arith.constant 15 : i32
    %dma_start3A_1128 = arith.constant 0 : i32
    %dma_start3A_1129 = arith.constant 0 : i32
    %dma_start3A_1130 = tpu.memref_slice %arg11[%dma_start3A_1127, %dma_start3A_1128, %dma_start3A_1129] : memref<24x10x128xf32, #tpu.memory_space<vmem>> -> memref<1x10x128xf32, #tpu.memory_space<vmem>>
    %dma_start3A_1131 = tpu.memref_squeeze %dma_start3A_1130 : memref<1x10x128xf32, #tpu.memory_space<vmem>> -> memref<10x128xf32, #tpu.memory_space<vmem>>
    %dma_start3A_1132 = arith.constant 0 : i32
    %dma_start3A_1133 = tpu.memref_slice %arg4[%dma_start3A_1132, %multiple_of3A_1121] : memref<10x1000000xf32, #tpu.memory_space<hbm>> -> memref<10x128xf32, #tpu.memory_space<hbm>>
    %dma_start3A_1134 = arith.constant 0 : i32
    %dma_start3A_1135 = arith.constant 0 : i32
    %dma_start3A_1136 = tpu.memref_slice %arg11[%dma_start3A_1127, %dma_start3A_1134, %dma_start3A_1135] : memref<24x10x128xf32, #tpu.memory_space<vmem>> -> memref<1x10x128xf32, #tpu.memory_space<vmem>>
    %dma_start3A_1137 = tpu.memref_squeeze %dma_start3A_1136 : memref<1x10x128xf32, #tpu.memory_space<vmem>> -> memref<10x128xf32, #tpu.memory_space<vmem>>
    %dma_start3A_1138 = arith.constant 0 : i32
    %dma_start3A_1139 = tpu.memref_slice %arg4[%dma_start3A_1138, %multiple_of3A_1121] : memref<10x1000000xf32, #tpu.memory_space<hbm>> -> memref<10x128xf32, #tpu.memory_space<hbm>>
    tpu.enqueue_dma source(%dma_start3A_1139 : memref<10x128xf32, #tpu.memory_space<hbm>>) target(%dma_start3A_1137 : memref<10x128xf32, #tpu.memory_space<vmem>>) target_semaphore(%arg16 : memref<!tpu.dma_semaphore, #tpu.memory_space<semaphore_mem>>)
    %dma_start3A_1140 = arith.constant 15 : i32
    %dma_start3A_1141 = arith.constant 0 : i32
    %dma_start3A_1142 = arith.constant 0 : i32
    %dma_start3A_1143 = tpu.memref_slice %arg12[%dma_start3A_1140, %dma_start3A_1141, %dma_start3A_1142] : memref<24x10x128xf32, #tpu.memory_space<vmem>> -> memref<1x10x128xf32, #tpu.memory_space<vmem>>
    %dma_start3A_1144 = tpu.memref_squeeze %dma_start3A_1143 : memref<1x10x128xf32, #tpu.memory_space<vmem>> -> memref<10x128xf32, #tpu.memory_space<vmem>>
    %dma_start3A_1145 = arith.constant 0 : i32
    %dma_start3A_1146 = tpu.memref_slice %arg5[%dma_start3A_1145, %multiple_of3A_1126] : memref<10x1000000xf32, #tpu.memory_space<hbm>> -> memref<10x128xf32, #tpu.memory_space<hbm>>
    %dma_start3A_1147 = arith.constant 0 : i32
    %dma_start3A_1148 = arith.constant 0 : i32
    %dma_start3A_1149 = tpu.memref_slice %arg12[%dma_start3A_1140, %dma_start3A_1147, %dma_start3A_1148] : memref<24x10x128xf32, #tpu.memory_space<vmem>> -> memref<1x10x128xf32, #tpu.memory_space<vmem>>
    %dma_start3A_1150 = tpu.memref_squeeze %dma_start3A_1149 : memref<1x10x128xf32, #tpu.memory_space<vmem>> -> memref<10x128xf32, #tpu.memory_space<vmem>>
    %dma_start3A_1151 = arith.constant 0 : i32
    %dma_start3A_1152 = tpu.memref_slice %arg5[%dma_start3A_1151, %multiple_of3A_1126] : memref<10x1000000xf32, #tpu.memory_space<hbm>> -> memref<10x128xf32, #tpu.memory_space<hbm>>
    tpu.enqueue_dma source(%dma_start3A_1152 : memref<10x128xf32, #tpu.memory_space<hbm>>) target(%dma_start3A_1150 : memref<10x128xf32, #tpu.memory_space<vmem>>) target_semaphore(%arg17 : memref<!tpu.dma_semaphore, #tpu.memory_space<semaphore_mem>>)
    %shift_right_logical3A_1153 = arith.constant 16 : i32
    %shift_right_logical3A_1154 = arith.constant 4 : i32
    %shift_right_logical3A_1155 = arith.shrui %shift_right_logical3A_1153, %shift_right_logical3A_1154 : i32
    %shift_left3A_1156 = arith.constant 4 : i32
    %shift_left3A_1157 = arith.shli %shift_right_logical3A_1155, %shift_left3A_1156 : i32
    %multiple_of3A_1158 = tpu.assume_multiple %shift_left3A_1157, 16 : i32
    %get3A_1159 = arith.index_cast %multiple_of3A_1158 : i32 to index
    %get3A_1160 = tpu.vector_load %arg7[%get3A_1159] {strides = array<i32>} : memref<512xi32, #tpu.memory_space<vmem>>, vector<16xi32>,
    %eq3A_1161 = arith.constant 0 : i32
    %eq3A_1162 = vector.broadcast %eq3A_1161 : i32 to vector<16xi32>
    %eq3A_1163 = arith.cmpi eq, %iota3A, %eq3A_1162 : vector<16xi32>
    %jit3A_1164 = arith.constant 0 : i32
    %broadcast_in_dim3A_1165 = vector.broadcast %jit3A_1164 : i32 to vector<16xi32>
    %select_n3A_1166 = arith.select %eq3A_1163, %get3A_1160, %broadcast_in_dim3A_1165 : vector<16xi1>, vector<16xi32>
    %reduce_sum3A_1167 = arith.constant true
    %reduce_sum3A_1168 = vector.broadcast %reduce_sum3A_1167 : i1 to vector<16xi1>
    %reduce_sum3A_1169 = tpu.scan <sum>, %select_n3A_1166 masked %reduce_sum3A_1168 : vector<16xi32>, vector<16xi1> -> vector<16xi32>
    %reduce_sum3A_1170 = vector.extract %reduce_sum3A_1169[15] : i32 from vector<16xi32>
    %shift_right_logical3A_1171 = arith.constant 16 : i32
    %shift_right_logical3A_1172 = arith.constant 4 : i32
    %shift_right_logical3A_1173 = arith.shrui %shift_right_logical3A_1171, %shift_right_logical3A_1172 : i32
    %shift_left3A_1174 = arith.constant 4 : i32
    %shift_left3A_1175 = arith.shli %shift_right_logical3A_1173, %shift_left3A_1174 : i32
    %multiple_of3A_1176 = tpu.assume_multiple %shift_left3A_1175, 16 : i32
    %get3A_1177 = arith.index_cast %multiple_of3A_1176 : i32 to index
    %get3A_1178 = tpu.vector_load %arg8[%get3A_1177] {strides = array<i32>} : memref<512xi32, #tpu.memory_space<vmem>>, vector<16xi32>,
    %eq3A_1179 = arith.constant 0 : i32
    %eq3A_1180 = vector.broadcast %eq3A_1179 : i32 to vector<16xi32>
    %eq3A_1181 = arith.cmpi eq, %iota3A, %eq3A_1180 : vector<16xi32>
    %jit3A_1182 = arith.constant 0 : i32
    %broadcast_in_dim3A_1183 = vector.broadcast %jit3A_1182 : i32 to vector<16xi32>
    %select_n3A_1184 = arith.select %eq3A_1181, %get3A_1178, %broadcast_in_dim3A_1183 : vector<16xi1>, vector<16xi32>
    %reduce_sum3A_1185 = arith.constant true
    %reduce_sum3A_1186 = vector.broadcast %reduce_sum3A_1185 : i1 to vector<16xi1>
    %reduce_sum3A_1187 = tpu.scan <sum>, %select_n3A_1184 masked %reduce_sum3A_1186 : vector<16xi32>, vector<16xi1> -> vector<16xi32>
    %reduce_sum3A_1188 = vector.extract %reduce_sum3A_1187[15] : i32 from vector<16xi32>
    %shift_right_logical3A_1189 = arith.constant 7 : i32
    %shift_right_logical3A_1190 = arith.shrui %reduce_sum3A_1170, %shift_right_logical3A_1189 : i32
    %shift_left3A_1191 = arith.constant 7 : i32
    %shift_left3A_1192 = arith.shli %shift_right_logical3A_1190, %shift_left3A_1191 : i32
    %multiple_of3A_1193 = tpu.assume_multiple %shift_left3A_1192, 128 : i32
    %shift_right_logical3A_1194 = arith.constant 7 : i32
    %shift_right_logical3A_1195 = arith.shrui %reduce_sum3A_1188, %shift_right_logical3A_1194 : i32
    %shift_left3A_1196 = arith.constant 7 : i32
    %shift_left3A_1197 = arith.shli %shift_right_logical3A_1195, %shift_left3A_1196 : i32
    %multiple_of3A_1198 = tpu.assume_multiple %shift_left3A_1197, 128 : i32
    %dma_start3A_1199 = arith.constant 16 : i32
    %dma_start3A_1200 = arith.constant 0 : i32
    %dma_start3A_1201 = arith.constant 0 : i32
    %dma_start3A_1202 = tpu.memref_slice %arg11[%dma_start3A_1199, %dma_start3A_1200, %dma_start3A_1201] : memref<24x10x128xf32, #tpu.memory_space<vmem>> -> memref<1x10x128xf32, #tpu.memory_space<vmem>>
    %dma_start3A_1203 = tpu.memref_squeeze %dma_start3A_1202 : memref<1x10x128xf32, #tpu.memory_space<vmem>> -> memref<10x128xf32, #tpu.memory_space<vmem>>
    %dma_start3A_1204 = arith.constant 0 : i32
    %dma_start3A_1205 = tpu.memref_slice %arg4[%dma_start3A_1204, %multiple_of3A_1193] : memref<10x1000000xf32, #tpu.memory_space<hbm>> -> memref<10x128xf32, #tpu.memory_space<hbm>>
    %dma_start3A_1206 = arith.constant 0 : i32
    %dma_start3A_1207 = arith.constant 0 : i32
    %dma_start3A_1208 = tpu.memref_slice %arg11[%dma_start3A_1199, %dma_start3A_1206, %dma_start3A_1207] : memref<24x10x128xf32, #tpu.memory_space<vmem>> -> memref<1x10x128xf32, #tpu.memory_space<vmem>>
    %dma_start3A_1209 = tpu.memref_squeeze %dma_start3A_1208 : memref<1x10x128xf32, #tpu.memory_space<vmem>> -> memref<10x128xf32, #tpu.memory_space<vmem>>
    %dma_start3A_1210 = arith.constant 0 : i32
    %dma_start3A_1211 = tpu.memref_slice %arg4[%dma_start3A_1210, %multiple_of3A_1193] : memref<10x1000000xf32, #tpu.memory_space<hbm>> -> memref<10x128xf32, #tpu.memory_space<hbm>>
    tpu.enqueue_dma source(%dma_start3A_1211 : memref<10x128xf32, #tpu.memory_space<hbm>>) target(%dma_start3A_1209 : memref<10x128xf32, #tpu.memory_space<vmem>>) target_semaphore(%arg16 : memref<!tpu.dma_semaphore, #tpu.memory_space<semaphore_mem>>)
    %dma_start3A_1212 = arith.constant 16 : i32
    %dma_start3A_1213 = arith.constant 0 : i32
    %dma_start3A_1214 = arith.constant 0 : i32
    %dma_start3A_1215 = tpu.memref_slice %arg12[%dma_start3A_1212, %dma_start3A_1213, %dma_start3A_1214] : memref<24x10x128xf32, #tpu.memory_space<vmem>> -> memref<1x10x128xf32, #tpu.memory_space<vmem>>
    %dma_start3A_1216 = tpu.memref_squeeze %dma_start3A_1215 : memref<1x10x128xf32, #tpu.memory_space<vmem>> -> memref<10x128xf32, #tpu.memory_space<vmem>>
    %dma_start3A_1217 = arith.constant 0 : i32
    %dma_start3A_1218 = tpu.memref_slice %arg5[%dma_start3A_1217, %multiple_of3A_1198] : memref<10x1000000xf32, #tpu.memory_space<hbm>> -> memref<10x128xf32, #tpu.memory_space<hbm>>
    %dma_start3A_1219 = arith.constant 0 : i32
    %dma_start3A_1220 = arith.constant 0 : i32
    %dma_start3A_1221 = tpu.memref_slice %arg12[%dma_start3A_1212, %dma_start3A_1219, %dma_start3A_1220] : memref<24x10x128xf32, #tpu.memory_space<vmem>> -> memref<1x10x128xf32, #tpu.memory_space<vmem>>
    %dma_start3A_1222 = tpu.memref_squeeze %dma_start3A_1221 : memref<1x10x128xf32, #tpu.memory_space<vmem>> -> memref<10x128xf32, #tpu.memory_space<vmem>>
    %dma_start3A_1223 = arith.constant 0 : i32
    %dma_start3A_1224 = tpu.memref_slice %arg5[%dma_start3A_1223, %multiple_of3A_1198] : memref<10x1000000xf32, #tpu.memory_space<hbm>> -> memref<10x128xf32, #tpu.memory_space<hbm>>
    tpu.enqueue_dma source(%dma_start3A_1224 : memref<10x128xf32, #tpu.memory_space<hbm>>) target(%dma_start3A_1222 : memref<10x128xf32, #tpu.memory_space<vmem>>) target_semaphore(%arg17 : memref<!tpu.dma_semaphore, #tpu.memory_space<semaphore_mem>>)
    %shift_right_logical3A_1225 = arith.constant 17 : i32
    %shift_right_logical3A_1226 = arith.constant 4 : i32
    %shift_right_logical3A_1227 = arith.shrui %shift_right_logical3A_1225, %shift_right_logical3A_1226 : i32
    %shift_left3A_1228 = arith.constant 4 : i32
    %shift_left3A_1229 = arith.shli %shift_right_logical3A_1227, %shift_left3A_1228 : i32
    %multiple_of3A_1230 = tpu.assume_multiple %shift_left3A_1229, 16 : i32
    %get3A_1231 = arith.index_cast %multiple_of3A_1230 : i32 to index
    %get3A_1232 = tpu.vector_load %arg7[%get3A_1231] {strides = array<i32>} : memref<512xi32, #tpu.memory_space<vmem>>, vector<16xi32>,
    %eq3A_1233 = arith.constant 1 : i32
    %eq3A_1234 = vector.broadcast %eq3A_1233 : i32 to vector<16xi32>
    %eq3A_1235 = arith.cmpi eq, %iota3A, %eq3A_1234 : vector<16xi32>
    %jit3A_1236 = arith.constant 0 : i32
    %broadcast_in_dim3A_1237 = vector.broadcast %jit3A_1236 : i32 to vector<16xi32>
    %select_n3A_1238 = arith.select %eq3A_1235, %get3A_1232, %broadcast_in_dim3A_1237 : vector<16xi1>, vector<16xi32>
    %reduce_sum3A_1239 = arith.constant true
    %reduce_sum3A_1240 = vector.broadcast %reduce_sum3A_1239 : i1 to vector<16xi1>
    %reduce_sum3A_1241 = tpu.scan <sum>, %select_n3A_1238 masked %reduce_sum3A_1240 : vector<16xi32>, vector<16xi1> -> vector<16xi32>
    %reduce_sum3A_1242 = vector.extract %reduce_sum3A_1241[15] : i32 from vector<16xi32>
    %shift_right_logical3A_1243 = arith.constant 17 : i32
    %shift_right_logical3A_1244 = arith.constant 4 : i32
    %shift_right_logical3A_1245 = arith.shrui %shift_right_logical3A_1243, %shift_right_logical3A_1244 : i32
    %shift_left3A_1246 = arith.constant 4 : i32
    %shift_left3A_1247 = arith.shli %shift_right_logical3A_1245, %shift_left3A_1246 : i32
    %multiple_of3A_1248 = tpu.assume_multiple %shift_left3A_1247, 16 : i32
    %get3A_1249 = arith.index_cast %multiple_of3A_1248 : i32 to index
    %get3A_1250 = tpu.vector_load %arg8[%get3A_1249] {strides = array<i32>} : memref<512xi32, #tpu.memory_space<vmem>>, vector<16xi32>,
    %eq3A_1251 = arith.constant 1 : i32
    %eq3A_1252 = vector.broadcast %eq3A_1251 : i32 to vector<16xi32>
    %eq3A_1253 = arith.cmpi eq, %iota3A, %eq3A_1252 : vector<16xi32>
    %jit3A_1254 = arith.constant 0 : i32
    %broadcast_in_dim3A_1255 = vector.broadcast %jit3A_1254 : i32 to vector<16xi32>
    %select_n3A_1256 = arith.select %eq3A_1253, %get3A_1250, %broadcast_in_dim3A_1255 : vector<16xi1>, vector<16xi32>
    %reduce_sum3A_1257 = arith.constant true
    %reduce_sum3A_1258 = vector.broadcast %reduce_sum3A_1257 : i1 to vector<16xi1>
    %reduce_sum3A_1259 = tpu.scan <sum>, %select_n3A_1256 masked %reduce_sum3A_1258 : vector<16xi32>, vector<16xi1> -> vector<16xi32>
    %reduce_sum3A_1260 = vector.extract %reduce_sum3A_1259[15] : i32 from vector<16xi32>
    %shift_right_logical3A_1261 = arith.constant 7 : i32
    %shift_right_logical3A_1262 = arith.shrui %reduce_sum3A_1242, %shift_right_logical3A_1261 : i32
    %shift_left3A_1263 = arith.constant 7 : i32
    %shift_left3A_1264 = arith.shli %shift_right_logical3A_1262, %shift_left3A_1263 : i32
    %multiple_of3A_1265 = tpu.assume_multiple %shift_left3A_1264, 128 : i32
    %shift_right_logical3A_1266 = arith.constant 7 : i32
    %shift_right_logical3A_1267 = arith.shrui %reduce_sum3A_1260, %shift_right_logical3A_1266 : i32
    %shift_left3A_1268 = arith.constant 7 : i32
    %shift_left3A_1269 = arith.shli %shift_right_logical3A_1267, %shift_left3A_1268 : i32
    %multiple_of3A_1270 = tpu.assume_multiple %shift_left3A_1269, 128 : i32
    %dma_start3A_1271 = arith.constant 17 : i32
    %dma_start3A_1272 = arith.constant 0 : i32
    %dma_start3A_1273 = arith.constant 0 : i32
    %dma_start3A_1274 = tpu.memref_slice %arg11[%dma_start3A_1271, %dma_start3A_1272, %dma_start3A_1273] : memref<24x10x128xf32, #tpu.memory_space<vmem>> -> memref<1x10x128xf32, #tpu.memory_space<vmem>>
    %dma_start3A_1275 = tpu.memref_squeeze %dma_start3A_1274 : memref<1x10x128xf32, #tpu.memory_space<vmem>> -> memref<10x128xf32, #tpu.memory_space<vmem>>
    %dma_start3A_1276 = arith.constant 0 : i32
    %dma_start3A_1277 = tpu.memref_slice %arg4[%dma_start3A_1276, %multiple_of3A_1265] : memref<10x1000000xf32, #tpu.memory_space<hbm>> -> memref<10x128xf32, #tpu.memory_space<hbm>>
    %dma_start3A_1278 = arith.constant 0 : i32
    %dma_start3A_1279 = arith.constant 0 : i32
    %dma_start3A_1280 = tpu.memref_slice %arg11[%dma_start3A_1271, %dma_start3A_1278, %dma_start3A_1279] : memref<24x10x128xf32, #tpu.memory_space<vmem>> -> memref<1x10x128xf32, #tpu.memory_space<vmem>>
    %dma_start3A_1281 = tpu.memref_squeeze %dma_start3A_1280 : memref<1x10x128xf32, #tpu.memory_space<vmem>> -> memref<10x128xf32, #tpu.memory_space<vmem>>
    %dma_start3A_1282 = arith.constant 0 : i32
    %dma_start3A_1283 = tpu.memref_slice %arg4[%dma_start3A_1282, %multiple_of3A_1265] : memref<10x1000000xf32, #tpu.memory_space<hbm>> -> memref<10x128xf32, #tpu.memory_space<hbm>>
    tpu.enqueue_dma source(%dma_start3A_1283 : memref<10x128xf32, #tpu.memory_space<hbm>>) target(%dma_start3A_1281 : memref<10x128xf32, #tpu.memory_space<vmem>>) target_semaphore(%arg16 : memref<!tpu.dma_semaphore, #tpu.memory_space<semaphore_mem>>)
    %dma_start3A_1284 = arith.constant 17 : i32
    %dma_start3A_1285 = arith.constant 0 : i32
    %dma_start3A_1286 = arith.constant 0 : i32
    %dma_start3A_1287 = tpu.memref_slice %arg12[%dma_start3A_1284, %dma_start3A_1285, %dma_start3A_1286] : memref<24x10x128xf32, #tpu.memory_space<vmem>> -> memref<1x10x128xf32, #tpu.memory_space<vmem>>
    %dma_start3A_1288 = tpu.memref_squeeze %dma_start3A_1287 : memref<1x10x128xf32, #tpu.memory_space<vmem>> -> memref<10x128xf32, #tpu.memory_space<vmem>>
    %dma_start3A_1289 = arith.constant 0 : i32
    %dma_start3A_1290 = tpu.memref_slice %arg5[%dma_start3A_1289, %multiple_of3A_1270] : memref<10x1000000xf32, #tpu.memory_space<hbm>> -> memref<10x128xf32, #tpu.memory_space<hbm>>
    %dma_start3A_1291 = arith.constant 0 : i32
    %dma_start3A_1292 = arith.constant 0 : i32
    %dma_start3A_1293 = tpu.memref_slice %arg12[%dma_start3A_1284, %dma_start3A_1291, %dma_start3A_1292] : memref<24x10x128xf32, #tpu.memory_space<vmem>> -> memref<1x10x128xf32, #tpu.memory_space<vmem>>
    %dma_start3A_1294 = tpu.memref_squeeze %dma_start3A_1293 : memref<1x10x128xf32, #tpu.memory_space<vmem>> -> memref<10x128xf32, #tpu.memory_space<vmem>>
    %dma_start3A_1295 = arith.constant 0 : i32
    %dma_start3A_1296 = tpu.memref_slice %arg5[%dma_start3A_1295, %multiple_of3A_1270] : memref<10x1000000xf32, #tpu.memory_space<hbm>> -> memref<10x128xf32, #tpu.memory_space<hbm>>
    tpu.enqueue_dma source(%dma_start3A_1296 : memref<10x128xf32, #tpu.memory_space<hbm>>) target(%dma_start3A_1294 : memref<10x128xf32, #tpu.memory_space<vmem>>) target_semaphore(%arg17 : memref<!tpu.dma_semaphore, #tpu.memory_space<semaphore_mem>>)
    %shift_right_logical3A_1297 = arith.constant 18 : i32
    %shift_right_logical3A_1298 = arith.constant 4 : i32
    %shift_right_logical3A_1299 = arith.shrui %shift_right_logical3A_1297, %shift_right_logical3A_1298 : i32
    %shift_left3A_1300 = arith.constant 4 : i32
    %shift_left3A_1301 = arith.shli %shift_right_logical3A_1299, %shift_left3A_1300 : i32
    %multiple_of3A_1302 = tpu.assume_multiple %shift_left3A_1301, 16 : i32
    %get3A_1303 = arith.index_cast %multiple_of3A_1302 : i32 to index
    %get3A_1304 = tpu.vector_load %arg7[%get3A_1303] {strides = array<i32>} : memref<512xi32, #tpu.memory_space<vmem>>, vector<16xi32>,
    %eq3A_1305 = arith.constant 2 : i32
    %eq3A_1306 = vector.broadcast %eq3A_1305 : i32 to vector<16xi32>
    %eq3A_1307 = arith.cmpi eq, %iota3A, %eq3A_1306 : vector<16xi32>
    %jit3A_1308 = arith.constant 0 : i32
    %broadcast_in_dim3A_1309 = vector.broadcast %jit3A_1308 : i32 to vector<16xi32>
    %select_n3A_1310 = arith.select %eq3A_1307, %get3A_1304, %broadcast_in_dim3A_1309 : vector<16xi1>, vector<16xi32>
    %reduce_sum3A_1311 = arith.constant true
    %reduce_sum3A_1312 = vector.broadcast %reduce_sum3A_1311 : i1 to vector<16xi1>
    %reduce_sum3A_1313 = tpu.scan <sum>, %select_n3A_1310 masked %reduce_sum3A_1312 : vector<16xi32>, vector<16xi1> -> vector<16xi32>
    %reduce_sum3A_1314 = vector.extract %reduce_sum3A_1313[15] : i32 from vector<16xi32>
    %shift_right_logical3A_1315 = arith.constant 18 : i32
    %shift_right_logical3A_1316 = arith.constant 4 : i32
    %shift_right_logical3A_1317 = arith.shrui %shift_right_logical3A_1315, %shift_right_logical3A_1316 : i32
    %shift_left3A_1318 = arith.constant 4 : i32
    %shift_left3A_1319 = arith.shli %shift_right_logical3A_1317, %shift_left3A_1318 : i32
    %multiple_of3A_1320 = tpu.assume_multiple %shift_left3A_1319, 16 : i32
    %get3A_1321 = arith.index_cast %multiple_of3A_1320 : i32 to index
    %get3A_1322 = tpu.vector_load %arg8[%get3A_1321] {strides = array<i32>} : memref<512xi32, #tpu.memory_space<vmem>>, vector<16xi32>,
    %eq3A_1323 = arith.constant 2 : i32
    %eq3A_1324 = vector.broadcast %eq3A_1323 : i32 to vector<16xi32>
    %eq3A_1325 = arith.cmpi eq, %iota3A, %eq3A_1324 : vector<16xi32>
    %jit3A_1326 = arith.constant 0 : i32
    %broadcast_in_dim3A_1327 = vector.broadcast %jit3A_1326 : i32 to vector<16xi32>
    %select_n3A_1328 = arith.select %eq3A_1325, %get3A_1322, %broadcast_in_dim3A_1327 : vector<16xi1>, vector<16xi32>
    %reduce_sum3A_1329 = arith.constant true
    %reduce_sum3A_1330 = vector.broadcast %reduce_sum3A_1329 : i1 to vector<16xi1>
    %reduce_sum3A_1331 = tpu.scan <sum>, %select_n3A_1328 masked %reduce_sum3A_1330 : vector<16xi32>, vector<16xi1> -> vector<16xi32>
    %reduce_sum3A_1332 = vector.extract %reduce_sum3A_1331[15] : i32 from vector<16xi32>
    %shift_right_logical3A_1333 = arith.constant 7 : i32
    %shift_right_logical3A_1334 = arith.shrui %reduce_sum3A_1314, %shift_right_logical3A_1333 : i32
    %shift_left3A_1335 = arith.constant 7 : i32
    %shift_left3A_1336 = arith.shli %shift_right_logical3A_1334, %shift_left3A_1335 : i32
    %multiple_of3A_1337 = tpu.assume_multiple %shift_left3A_1336, 128 : i32
    %shift_right_logical3A_1338 = arith.constant 7 : i32
    %shift_right_logical3A_1339 = arith.shrui %reduce_sum3A_1332, %shift_right_logical3A_1338 : i32
    %shift_left3A_1340 = arith.constant 7 : i32
    %shift_left3A_1341 = arith.shli %shift_right_logical3A_1339, %shift_left3A_1340 : i32
    %multiple_of3A_1342 = tpu.assume_multiple %shift_left3A_1341, 128 : i32
    %dma_start3A_1343 = arith.constant 18 : i32
    %dma_start3A_1344 = arith.constant 0 : i32
    %dma_start3A_1345 = arith.constant 0 : i32
    %dma_start3A_1346 = tpu.memref_slice %arg11[%dma_start3A_1343, %dma_start3A_1344, %dma_start3A_1345] : memref<24x10x128xf32, #tpu.memory_space<vmem>> -> memref<1x10x128xf32, #tpu.memory_space<vmem>>
    %dma_start3A_1347 = tpu.memref_squeeze %dma_start3A_1346 : memref<1x10x128xf32, #tpu.memory_space<vmem>> -> memref<10x128xf32, #tpu.memory_space<vmem>>
    %dma_start3A_1348 = arith.constant 0 : i32
    %dma_start3A_1349 = tpu.memref_slice %arg4[%dma_start3A_1348, %multiple_of3A_1337] : memref<10x1000000xf32, #tpu.memory_space<hbm>> -> memref<10x128xf32, #tpu.memory_space<hbm>>
    %dma_start3A_1350 = arith.constant 0 : i32
    %dma_start3A_1351 = arith.constant 0 : i32
    %dma_start3A_1352 = tpu.memref_slice %arg11[%dma_start3A_1343, %dma_start3A_1350, %dma_start3A_1351] : memref<24x10x128xf32, #tpu.memory_space<vmem>> -> memref<1x10x128xf32, #tpu.memory_space<vmem>>
    %dma_start3A_1353 = tpu.memref_squeeze %dma_start3A_1352 : memref<1x10x128xf32, #tpu.memory_space<vmem>> -> memref<10x128xf32, #tpu.memory_space<vmem>>
    %dma_start3A_1354 = arith.constant 0 : i32
    %dma_start3A_1355 = tpu.memref_slice %arg4[%dma_start3A_1354, %multiple_of3A_1337] : memref<10x1000000xf32, #tpu.memory_space<hbm>> -> memref<10x128xf32, #tpu.memory_space<hbm>>
    tpu.enqueue_dma source(%dma_start3A_1355 : memref<10x128xf32, #tpu.memory_space<hbm>>) target(%dma_start3A_1353 : memref<10x128xf32, #tpu.memory_space<vmem>>) target_semaphore(%arg16 : memref<!tpu.dma_semaphore, #tpu.memory_space<semaphore_mem>>)
    %dma_start3A_1356 = arith.constant 18 : i32
    %dma_start3A_1357 = arith.constant 0 : i32
    %dma_start3A_1358 = arith.constant 0 : i32
    %dma_start3A_1359 = tpu.memref_slice %arg12[%dma_start3A_1356, %dma_start3A_1357, %dma_start3A_1358] : memref<24x10x128xf32, #tpu.memory_space<vmem>> -> memref<1x10x128xf32, #tpu.memory_space<vmem>>
    %dma_start3A_1360 = tpu.memref_squeeze %dma_start3A_1359 : memref<1x10x128xf32, #tpu.memory_space<vmem>> -> memref<10x128xf32, #tpu.memory_space<vmem>>
    %dma_start3A_1361 = arith.constant 0 : i32
    %dma_start3A_1362 = tpu.memref_slice %arg5[%dma_start3A_1361, %multiple_of3A_1342] : memref<10x1000000xf32, #tpu.memory_space<hbm>> -> memref<10x128xf32, #tpu.memory_space<hbm>>
    %dma_start3A_1363 = arith.constant 0 : i32
    %dma_start3A_1364 = arith.constant 0 : i32
    %dma_start3A_1365 = tpu.memref_slice %arg12[%dma_start3A_1356, %dma_start3A_1363, %dma_start3A_1364] : memref<24x10x128xf32, #tpu.memory_space<vmem>> -> memref<1x10x128xf32, #tpu.memory_space<vmem>>
    %dma_start3A_1366 = tpu.memref_squeeze %dma_start3A_1365 : memref<1x10x128xf32, #tpu.memory_space<vmem>> -> memref<10x128xf32, #tpu.memory_space<vmem>>
    %dma_start3A_1367 = arith.constant 0 : i32
    %dma_start3A_1368 = tpu.memref_slice %arg5[%dma_start3A_1367, %multiple_of3A_1342] : memref<10x1000000xf32, #tpu.memory_space<hbm>> -> memref<10x128xf32, #tpu.memory_space<hbm>>
    tpu.enqueue_dma source(%dma_start3A_1368 : memref<10x128xf32, #tpu.memory_space<hbm>>) target(%dma_start3A_1366 : memref<10x128xf32, #tpu.memory_space<vmem>>) target_semaphore(%arg17 : memref<!tpu.dma_semaphore, #tpu.memory_space<semaphore_mem>>)
    %shift_right_logical3A_1369 = arith.constant 19 : i32
    %shift_right_logical3A_1370 = arith.constant 4 : i32
    %shift_right_logical3A_1371 = arith.shrui %shift_right_logical3A_1369, %shift_right_logical3A_1370 : i32
    %shift_left3A_1372 = arith.constant 4 : i32
    %shift_left3A_1373 = arith.shli %shift_right_logical3A_1371, %shift_left3A_1372 : i32
    %multiple_of3A_1374 = tpu.assume_multiple %shift_left3A_1373, 16 : i32
    %get3A_1375 = arith.index_cast %multiple_of3A_1374 : i32 to index
    %get3A_1376 = tpu.vector_load %arg7[%get3A_1375] {strides = array<i32>} : memref<512xi32, #tpu.memory_space<vmem>>, vector<16xi32>,
    %eq3A_1377 = arith.constant 3 : i32
    %eq3A_1378 = vector.broadcast %eq3A_1377 : i32 to vector<16xi32>
    %eq3A_1379 = arith.cmpi eq, %iota3A, %eq3A_1378 : vector<16xi32>
    %jit3A_1380 = arith.constant 0 : i32
    %broadcast_in_dim3A_1381 = vector.broadcast %jit3A_1380 : i32 to vector<16xi32>
    %select_n3A_1382 = arith.select %eq3A_1379, %get3A_1376, %broadcast_in_dim3A_1381 : vector<16xi1>, vector<16xi32>
    %reduce_sum3A_1383 = arith.constant true
    %reduce_sum3A_1384 = vector.broadcast %reduce_sum3A_1383 : i1 to vector<16xi1>
    %reduce_sum3A_1385 = tpu.scan <sum>, %select_n3A_1382 masked %reduce_sum3A_1384 : vector<16xi32>, vector<16xi1> -> vector<16xi32>
    %reduce_sum3A_1386 = vector.extract %reduce_sum3A_1385[15] : i32 from vector<16xi32>
    %shift_right_logical3A_1387 = arith.constant 19 : i32
    %shift_right_logical3A_1388 = arith.constant 4 : i32
    %shift_right_logical3A_1389 = arith.shrui %shift_right_logical3A_1387, %shift_right_logical3A_1388 : i32
    %shift_left3A_1390 = arith.constant 4 : i32
    %shift_left3A_1391 = arith.shli %shift_right_logical3A_1389, %shift_left3A_1390 : i32
    %multiple_of3A_1392 = tpu.assume_multiple %shift_left3A_1391, 16 : i32
    %get3A_1393 = arith.index_cast %multiple_of3A_1392 : i32 to index
    %get3A_1394 = tpu.vector_load %arg8[%get3A_1393] {strides = array<i32>} : memref<512xi32, #tpu.memory_space<vmem>>, vector<16xi32>,
    %eq3A_1395 = arith.constant 3 : i32
    %eq3A_1396 = vector.broadcast %eq3A_1395 : i32 to vector<16xi32>
    %eq3A_1397 = arith.cmpi eq, %iota3A, %eq3A_1396 : vector<16xi32>
    %jit3A_1398 = arith.constant 0 : i32
    %broadcast_in_dim3A_1399 = vector.broadcast %jit3A_1398 : i32 to vector<16xi32>
    %select_n3A_1400 = arith.select %eq3A_1397, %get3A_1394, %broadcast_in_dim3A_1399 : vector<16xi1>, vector<16xi32>
    %reduce_sum3A_1401 = arith.constant true
    %reduce_sum3A_1402 = vector.broadcast %reduce_sum3A_1401 : i1 to vector<16xi1>
    %reduce_sum3A_1403 = tpu.scan <sum>, %select_n3A_1400 masked %reduce_sum3A_1402 : vector<16xi32>, vector<16xi1> -> vector<16xi32>
    %reduce_sum3A_1404 = vector.extract %reduce_sum3A_1403[15] : i32 from vector<16xi32>
    %shift_right_logical3A_1405 = arith.constant 7 : i32
    %shift_right_logical3A_1406 = arith.shrui %reduce_sum3A_1386, %shift_right_logical3A_1405 : i32
    %shift_left3A_1407 = arith.constant 7 : i32
    %shift_left3A_1408 = arith.shli %shift_right_logical3A_1406, %shift_left3A_1407 : i32
    %multiple_of3A_1409 = tpu.assume_multiple %shift_left3A_1408, 128 : i32
    %shift_right_logical3A_1410 = arith.constant 7 : i32
    %shift_right_logical3A_1411 = arith.shrui %reduce_sum3A_1404, %shift_right_logical3A_1410 : i32
    %shift_left3A_1412 = arith.constant 7 : i32
    %shift_left3A_1413 = arith.shli %shift_right_logical3A_1411, %shift_left3A_1412 : i32
    %multiple_of3A_1414 = tpu.assume_multiple %shift_left3A_1413, 128 : i32
    %dma_start3A_1415 = arith.constant 19 : i32
    %dma_start3A_1416 = arith.constant 0 : i32
    %dma_start3A_1417 = arith.constant 0 : i32
    %dma_start3A_1418 = tpu.memref_slice %arg11[%dma_start3A_1415, %dma_start3A_1416, %dma_start3A_1417] : memref<24x10x128xf32, #tpu.memory_space<vmem>> -> memref<1x10x128xf32, #tpu.memory_space<vmem>>
    %dma_start3A_1419 = tpu.memref_squeeze %dma_start3A_1418 : memref<1x10x128xf32, #tpu.memory_space<vmem>> -> memref<10x128xf32, #tpu.memory_space<vmem>>
    %dma_start3A_1420 = arith.constant 0 : i32
    %dma_start3A_1421 = tpu.memref_slice %arg4[%dma_start3A_1420, %multiple_of3A_1409] : memref<10x1000000xf32, #tpu.memory_space<hbm>> -> memref<10x128xf32, #tpu.memory_space<hbm>>
    %dma_start3A_1422 = arith.constant 0 : i32
    %dma_start3A_1423 = arith.constant 0 : i32
    %dma_start3A_1424 = tpu.memref_slice %arg11[%dma_start3A_1415, %dma_start3A_1422, %dma_start3A_1423] : memref<24x10x128xf32, #tpu.memory_space<vmem>> -> memref<1x10x128xf32, #tpu.memory_space<vmem>>
    %dma_start3A_1425 = tpu.memref_squeeze %dma_start3A_1424 : memref<1x10x128xf32, #tpu.memory_space<vmem>> -> memref<10x128xf32, #tpu.memory_space<vmem>>
    %dma_start3A_1426 = arith.constant 0 : i32
    %dma_start3A_1427 = tpu.memref_slice %arg4[%dma_start3A_1426, %multiple_of3A_1409] : memref<10x1000000xf32, #tpu.memory_space<hbm>> -> memref<10x128xf32, #tpu.memory_space<hbm>>
    tpu.enqueue_dma source(%dma_start3A_1427 : memref<10x128xf32, #tpu.memory_space<hbm>>) target(%dma_start3A_1425 : memref<10x128xf32, #tpu.memory_space<vmem>>) target_semaphore(%arg16 : memref<!tpu.dma_semaphore, #tpu.memory_space<semaphore_mem>>)
    %dma_start3A_1428 = arith.constant 19 : i32
    %dma_start3A_1429 = arith.constant 0 : i32
    %dma_start3A_1430 = arith.constant 0 : i32
    %dma_start3A_1431 = tpu.memref_slice %arg12[%dma_start3A_1428, %dma_start3A_1429, %dma_start3A_1430] : memref<24x10x128xf32, #tpu.memory_space<vmem>> -> memref<1x10x128xf32, #tpu.memory_space<vmem>>
    %dma_start3A_1432 = tpu.memref_squeeze %dma_start3A_1431 : memref<1x10x128xf32, #tpu.memory_space<vmem>> -> memref<10x128xf32, #tpu.memory_space<vmem>>
    %dma_start3A_1433 = arith.constant 0 : i32
    %dma_start3A_1434 = tpu.memref_slice %arg5[%dma_start3A_1433, %multiple_of3A_1414] : memref<10x1000000xf32, #tpu.memory_space<hbm>> -> memref<10x128xf32, #tpu.memory_space<hbm>>
    %dma_start3A_1435 = arith.constant 0 : i32
    %dma_start3A_1436 = arith.constant 0 : i32
    %dma_start3A_1437 = tpu.memref_slice %arg12[%dma_start3A_1428, %dma_start3A_1435, %dma_start3A_1436] : memref<24x10x128xf32, #tpu.memory_space<vmem>> -> memref<1x10x128xf32, #tpu.memory_space<vmem>>
    %dma_start3A_1438 = tpu.memref_squeeze %dma_start3A_1437 : memref<1x10x128xf32, #tpu.memory_space<vmem>> -> memref<10x128xf32, #tpu.memory_space<vmem>>
    %dma_start3A_1439 = arith.constant 0 : i32
    %dma_start3A_1440 = tpu.memref_slice %arg5[%dma_start3A_1439, %multiple_of3A_1414] : memref<10x1000000xf32, #tpu.memory_space<hbm>> -> memref<10x128xf32, #tpu.memory_space<hbm>>
    tpu.enqueue_dma source(%dma_start3A_1440 : memref<10x128xf32, #tpu.memory_space<hbm>>) target(%dma_start3A_1438 : memref<10x128xf32, #tpu.memory_space<vmem>>) target_semaphore(%arg17 : memref<!tpu.dma_semaphore, #tpu.memory_space<semaphore_mem>>)
    %shift_right_logical3A_1441 = arith.constant 20 : i32
    %shift_right_logical3A_1442 = arith.constant 4 : i32
    %shift_right_logical3A_1443 = arith.shrui %shift_right_logical3A_1441, %shift_right_logical3A_1442 : i32
    %shift_left3A_1444 = arith.constant 4 : i32
    %shift_left3A_1445 = arith.shli %shift_right_logical3A_1443, %shift_left3A_1444 : i32
    %multiple_of3A_1446 = tpu.assume_multiple %shift_left3A_1445, 16 : i32
    %get3A_1447 = arith.index_cast %multiple_of3A_1446 : i32 to index
    %get3A_1448 = tpu.vector_load %arg7[%get3A_1447] {strides = array<i32>} : memref<512xi32, #tpu.memory_space<vmem>>, vector<16xi32>,
    %eq3A_1449 = arith.constant 4 : i32
    %eq3A_1450 = vector.broadcast %eq3A_1449 : i32 to vector<16xi32>
    %eq3A_1451 = arith.cmpi eq, %iota3A, %eq3A_1450 : vector<16xi32>
    %jit3A_1452 = arith.constant 0 : i32
    %broadcast_in_dim3A_1453 = vector.broadcast %jit3A_1452 : i32 to vector<16xi32>
    %select_n3A_1454 = arith.select %eq3A_1451, %get3A_1448, %broadcast_in_dim3A_1453 : vector<16xi1>, vector<16xi32>
    %reduce_sum3A_1455 = arith.constant true
    %reduce_sum3A_1456 = vector.broadcast %reduce_sum3A_1455 : i1 to vector<16xi1>
    %reduce_sum3A_1457 = tpu.scan <sum>, %select_n3A_1454 masked %reduce_sum3A_1456 : vector<16xi32>, vector<16xi1> -> vector<16xi32>
    %reduce_sum3A_1458 = vector.extract %reduce_sum3A_1457[15] : i32 from vector<16xi32>
    %shift_right_logical3A_1459 = arith.constant 20 : i32
    %shift_right_logical3A_1460 = arith.constant 4 : i32
    %shift_right_logical3A_1461 = arith.shrui %shift_right_logical3A_1459, %shift_right_logical3A_1460 : i32
    %shift_left3A_1462 = arith.constant 4 : i32
    %shift_left3A_1463 = arith.shli %shift_right_logical3A_1461, %shift_left3A_1462 : i32
    %multiple_of3A_1464 = tpu.assume_multiple %shift_left3A_1463, 16 : i32
    %get3A_1465 = arith.index_cast %multiple_of3A_1464 : i32 to index
    %get3A_1466 = tpu.vector_load %arg8[%get3A_1465] {strides = array<i32>} : memref<512xi32, #tpu.memory_space<vmem>>, vector<16xi32>,
    %eq3A_1467 = arith.constant 4 : i32
    %eq3A_1468 = vector.broadcast %eq3A_1467 : i32 to vector<16xi32>
    %eq3A_1469 = arith.cmpi eq, %iota3A, %eq3A_1468 : vector<16xi32>
    %jit3A_1470 = arith.constant 0 : i32
    %broadcast_in_dim3A_1471 = vector.broadcast %jit3A_1470 : i32 to vector<16xi32>
    %select_n3A_1472 = arith.select %eq3A_1469, %get3A_1466, %broadcast_in_dim3A_1471 : vector<16xi1>, vector<16xi32>
    %reduce_sum3A_1473 = arith.constant true
    %reduce_sum3A_1474 = vector.broadcast %reduce_sum3A_1473 : i1 to vector<16xi1>
    %reduce_sum3A_1475 = tpu.scan <sum>, %select_n3A_1472 masked %reduce_sum3A_1474 : vector<16xi32>, vector<16xi1> -> vector<16xi32>
    %reduce_sum3A_1476 = vector.extract %reduce_sum3A_1475[15] : i32 from vector<16xi32>
    %shift_right_logical3A_1477 = arith.constant 7 : i32
    %shift_right_logical3A_1478 = arith.shrui %reduce_sum3A_1458, %shift_right_logical3A_1477 : i32
    %shift_left3A_1479 = arith.constant 7 : i32
    %shift_left3A_1480 = arith.shli %shift_right_logical3A_1478, %shift_left3A_1479 : i32
    %multiple_of3A_1481 = tpu.assume_multiple %shift_left3A_1480, 128 : i32
    %shift_right_logical3A_1482 = arith.constant 7 : i32
    %shift_right_logical3A_1483 = arith.shrui %reduce_sum3A_1476, %shift_right_logical3A_1482 : i32
    %shift_left3A_1484 = arith.constant 7 : i32
    %shift_left3A_1485 = arith.shli %shift_right_logical3A_1483, %shift_left3A_1484 : i32
    %multiple_of3A_1486 = tpu.assume_multiple %shift_left3A_1485, 128 : i32
    %dma_start3A_1487 = arith.constant 20 : i32
    %dma_start3A_1488 = arith.constant 0 : i32
    %dma_start3A_1489 = arith.constant 0 : i32
    %dma_start3A_1490 = tpu.memref_slice %arg11[%dma_start3A_1487, %dma_start3A_1488, %dma_start3A_1489] : memref<24x10x128xf32, #tpu.memory_space<vmem>> -> memref<1x10x128xf32, #tpu.memory_space<vmem>>
    %dma_start3A_1491 = tpu.memref_squeeze %dma_start3A_1490 : memref<1x10x128xf32, #tpu.memory_space<vmem>> -> memref<10x128xf32, #tpu.memory_space<vmem>>
    %dma_start3A_1492 = arith.constant 0 : i32
    %dma_start3A_1493 = tpu.memref_slice %arg4[%dma_start3A_1492, %multiple_of3A_1481] : memref<10x1000000xf32, #tpu.memory_space<hbm>> -> memref<10x128xf32, #tpu.memory_space<hbm>>
    %dma_start3A_1494 = arith.constant 0 : i32
    %dma_start3A_1495 = arith.constant 0 : i32
    %dma_start3A_1496 = tpu.memref_slice %arg11[%dma_start3A_1487, %dma_start3A_1494, %dma_start3A_1495] : memref<24x10x128xf32, #tpu.memory_space<vmem>> -> memref<1x10x128xf32, #tpu.memory_space<vmem>>
    %dma_start3A_1497 = tpu.memref_squeeze %dma_start3A_1496 : memref<1x10x128xf32, #tpu.memory_space<vmem>> -> memref<10x128xf32, #tpu.memory_space<vmem>>
    %dma_start3A_1498 = arith.constant 0 : i32
    %dma_start3A_1499 = tpu.memref_slice %arg4[%dma_start3A_1498, %multiple_of3A_1481] : memref<10x1000000xf32, #tpu.memory_space<hbm>> -> memref<10x128xf32, #tpu.memory_space<hbm>>
    tpu.enqueue_dma source(%dma_start3A_1499 : memref<10x128xf32, #tpu.memory_space<hbm>>) target(%dma_start3A_1497 : memref<10x128xf32, #tpu.memory_space<vmem>>) target_semaphore(%arg16 : memref<!tpu.dma_semaphore, #tpu.memory_space<semaphore_mem>>)
    %dma_start3A_1500 = arith.constant 20 : i32
    %dma_start3A_1501 = arith.constant 0 : i32
    %dma_start3A_1502 = arith.constant 0 : i32
    %dma_start3A_1503 = tpu.memref_slice %arg12[%dma_start3A_1500, %dma_start3A_1501, %dma_start3A_1502] : memref<24x10x128xf32, #tpu.memory_space<vmem>> -> memref<1x10x128xf32, #tpu.memory_space<vmem>>
    %dma_start3A_1504 = tpu.memref_squeeze %dma_start3A_1503 : memref<1x10x128xf32, #tpu.memory_space<vmem>> -> memref<10x128xf32, #tpu.memory_space<vmem>>
    %dma_start3A_1505 = arith.constant 0 : i32
    %dma_start3A_1506 = tpu.memref_slice %arg5[%dma_start3A_1505, %multiple_of3A_1486] : memref<10x1000000xf32, #tpu.memory_space<hbm>> -> memref<10x128xf32, #tpu.memory_space<hbm>>
    %dma_start3A_1507 = arith.constant 0 : i32
    %dma_start3A_1508 = arith.constant 0 : i32
    %dma_start3A_1509 = tpu.memref_slice %arg12[%dma_start3A_1500, %dma_start3A_1507, %dma_start3A_1508] : memref<24x10x128xf32, #tpu.memory_space<vmem>> -> memref<1x10x128xf32, #tpu.memory_space<vmem>>
    %dma_start3A_1510 = tpu.memref_squeeze %dma_start3A_1509 : memref<1x10x128xf32, #tpu.memory_space<vmem>> -> memref<10x128xf32, #tpu.memory_space<vmem>>
    %dma_start3A_1511 = arith.constant 0 : i32
    %dma_start3A_1512 = tpu.memref_slice %arg5[%dma_start3A_1511, %multiple_of3A_1486] : memref<10x1000000xf32, #tpu.memory_space<hbm>> -> memref<10x128xf32, #tpu.memory_space<hbm>>
    tpu.enqueue_dma source(%dma_start3A_1512 : memref<10x128xf32, #tpu.memory_space<hbm>>) target(%dma_start3A_1510 : memref<10x128xf32, #tpu.memory_space<vmem>>) target_semaphore(%arg17 : memref<!tpu.dma_semaphore, #tpu.memory_space<semaphore_mem>>)
    %shift_right_logical3A_1513 = arith.constant 21 : i32
    %shift_right_logical3A_1514 = arith.constant 4 : i32
    %shift_right_logical3A_1515 = arith.shrui %shift_right_logical3A_1513, %shift_right_logical3A_1514 : i32
    %shift_left3A_1516 = arith.constant 4 : i32
    %shift_left3A_1517 = arith.shli %shift_right_logical3A_1515, %shift_left3A_1516 : i32
    %multiple_of3A_1518 = tpu.assume_multiple %shift_left3A_1517, 16 : i32
    %get3A_1519 = arith.index_cast %multiple_of3A_1518 : i32 to index
    %get3A_1520 = tpu.vector_load %arg7[%get3A_1519] {strides = array<i32>} : memref<512xi32, #tpu.memory_space<vmem>>, vector<16xi32>,
    %eq3A_1521 = arith.constant 5 : i32
    %eq3A_1522 = vector.broadcast %eq3A_1521 : i32 to vector<16xi32>
    %eq3A_1523 = arith.cmpi eq, %iota3A, %eq3A_1522 : vector<16xi32>
    %jit3A_1524 = arith.constant 0 : i32
    %broadcast_in_dim3A_1525 = vector.broadcast %jit3A_1524 : i32 to vector<16xi32>
    %select_n3A_1526 = arith.select %eq3A_1523, %get3A_1520, %broadcast_in_dim3A_1525 : vector<16xi1>, vector<16xi32>
    %reduce_sum3A_1527 = arith.constant true
    %reduce_sum3A_1528 = vector.broadcast %reduce_sum3A_1527 : i1 to vector<16xi1>
    %reduce_sum3A_1529 = tpu.scan <sum>, %select_n3A_1526 masked %reduce_sum3A_1528 : vector<16xi32>, vector<16xi1> -> vector<16xi32>
    %reduce_sum3A_1530 = vector.extract %reduce_sum3A_1529[15] : i32 from vector<16xi32>
    %shift_right_logical3A_1531 = arith.constant 21 : i32
    %shift_right_logical3A_1532 = arith.constant 4 : i32
    %shift_right_logical3A_1533 = arith.shrui %shift_right_logical3A_1531, %shift_right_logical3A_1532 : i32
    %shift_left3A_1534 = arith.constant 4 : i32
    %shift_left3A_1535 = arith.shli %shift_right_logical3A_1533, %shift_left3A_1534 : i32
    %multiple_of3A_1536 = tpu.assume_multiple %shift_left3A_1535, 16 : i32
    %get3A_1537 = arith.index_cast %multiple_of3A_1536 : i32 to index
    %get3A_1538 = tpu.vector_load %arg8[%get3A_1537] {strides = array<i32>} : memref<512xi32, #tpu.memory_space<vmem>>, vector<16xi32>,
    %eq3A_1539 = arith.constant 5 : i32
    %eq3A_1540 = vector.broadcast %eq3A_1539 : i32 to vector<16xi32>
    %eq3A_1541 = arith.cmpi eq, %iota3A, %eq3A_1540 : vector<16xi32>
    %jit3A_1542 = arith.constant 0 : i32
    %broadcast_in_dim3A_1543 = vector.broadcast %jit3A_1542 : i32 to vector<16xi32>
    %select_n3A_1544 = arith.select %eq3A_1541, %get3A_1538, %broadcast_in_dim3A_1543 : vector<16xi1>, vector<16xi32>
    %reduce_sum3A_1545 = arith.constant true
    %reduce_sum3A_1546 = vector.broadcast %reduce_sum3A_1545 : i1 to vector<16xi1>
    %reduce_sum3A_1547 = tpu.scan <sum>, %select_n3A_1544 masked %reduce_sum3A_1546 : vector<16xi32>, vector<16xi1> -> vector<16xi32>
    %reduce_sum3A_1548 = vector.extract %reduce_sum3A_1547[15] : i32 from vector<16xi32>
    %shift_right_logical3A_1549 = arith.constant 7 : i32
    %shift_right_logical3A_1550 = arith.shrui %reduce_sum3A_1530, %shift_right_logical3A_1549 : i32
    %shift_left3A_1551 = arith.constant 7 : i32
    %shift_left3A_1552 = arith.shli %shift_right_logical3A_1550, %shift_left3A_1551 : i32
    %multiple_of3A_1553 = tpu.assume_multiple %shift_left3A_1552, 128 : i32
    %shift_right_logical3A_1554 = arith.constant 7 : i32
    %shift_right_logical3A_1555 = arith.shrui %reduce_sum3A_1548, %shift_right_logical3A_1554 : i32
    %shift_left3A_1556 = arith.constant 7 : i32
    %shift_left3A_1557 = arith.shli %shift_right_logical3A_1555, %shift_left3A_1556 : i32
    %multiple_of3A_1558 = tpu.assume_multiple %shift_left3A_1557, 128 : i32
    %dma_start3A_1559 = arith.constant 21 : i32
    %dma_start3A_1560 = arith.constant 0 : i32
    %dma_start3A_1561 = arith.constant 0 : i32
    %dma_start3A_1562 = tpu.memref_slice %arg11[%dma_start3A_1559, %dma_start3A_1560, %dma_start3A_1561] : memref<24x10x128xf32, #tpu.memory_space<vmem>> -> memref<1x10x128xf32, #tpu.memory_space<vmem>>
    %dma_start3A_1563 = tpu.memref_squeeze %dma_start3A_1562 : memref<1x10x128xf32, #tpu.memory_space<vmem>> -> memref<10x128xf32, #tpu.memory_space<vmem>>
    %dma_start3A_1564 = arith.constant 0 : i32
    %dma_start3A_1565 = tpu.memref_slice %arg4[%dma_start3A_1564, %multiple_of3A_1553] : memref<10x1000000xf32, #tpu.memory_space<hbm>> -> memref<10x128xf32, #tpu.memory_space<hbm>>
    %dma_start3A_1566 = arith.constant 0 : i32
    %dma_start3A_1567 = arith.constant 0 : i32
    %dma_start3A_1568 = tpu.memref_slice %arg11[%dma_start3A_1559, %dma_start3A_1566, %dma_start3A_1567] : memref<24x10x128xf32, #tpu.memory_space<vmem>> -> memref<1x10x128xf32, #tpu.memory_space<vmem>>
    %dma_start3A_1569 = tpu.memref_squeeze %dma_start3A_1568 : memref<1x10x128xf32, #tpu.memory_space<vmem>> -> memref<10x128xf32, #tpu.memory_space<vmem>>
    %dma_start3A_1570 = arith.constant 0 : i32
    %dma_start3A_1571 = tpu.memref_slice %arg4[%dma_start3A_1570, %multiple_of3A_1553] : memref<10x1000000xf32, #tpu.memory_space<hbm>> -> memref<10x128xf32, #tpu.memory_space<hbm>>
    tpu.enqueue_dma source(%dma_start3A_1571 : memref<10x128xf32, #tpu.memory_space<hbm>>) target(%dma_start3A_1569 : memref<10x128xf32, #tpu.memory_space<vmem>>) target_semaphore(%arg16 : memref<!tpu.dma_semaphore, #tpu.memory_space<semaphore_mem>>)
    %dma_start3A_1572 = arith.constant 21 : i32
    %dma_start3A_1573 = arith.constant 0 : i32
    %dma_start3A_1574 = arith.constant 0 : i32
    %dma_start3A_1575 = tpu.memref_slice %arg12[%dma_start3A_1572, %dma_start3A_1573, %dma_start3A_1574] : memref<24x10x128xf32, #tpu.memory_space<vmem>> -> memref<1x10x128xf32, #tpu.memory_space<vmem>>
    %dma_start3A_1576 = tpu.memref_squeeze %dma_start3A_1575 : memref<1x10x128xf32, #tpu.memory_space<vmem>> -> memref<10x128xf32, #tpu.memory_space<vmem>>
    %dma_start3A_1577 = arith.constant 0 : i32
    %dma_start3A_1578 = tpu.memref_slice %arg5[%dma_start3A_1577, %multiple_of3A_1558] : memref<10x1000000xf32, #tpu.memory_space<hbm>> -> memref<10x128xf32, #tpu.memory_space<hbm>>
    %dma_start3A_1579 = arith.constant 0 : i32
    %dma_start3A_1580 = arith.constant 0 : i32
    %dma_start3A_1581 = tpu.memref_slice %arg12[%dma_start3A_1572, %dma_start3A_1579, %dma_start3A_1580] : memref<24x10x128xf32, #tpu.memory_space<vmem>> -> memref<1x10x128xf32, #tpu.memory_space<vmem>>
    %dma_start3A_1582 = tpu.memref_squeeze %dma_start3A_1581 : memref<1x10x128xf32, #tpu.memory_space<vmem>> -> memref<10x128xf32, #tpu.memory_space<vmem>>
    %dma_start3A_1583 = arith.constant 0 : i32
    %dma_start3A_1584 = tpu.memref_slice %arg5[%dma_start3A_1583, %multiple_of3A_1558] : memref<10x1000000xf32, #tpu.memory_space<hbm>> -> memref<10x128xf32, #tpu.memory_space<hbm>>
    tpu.enqueue_dma source(%dma_start3A_1584 : memref<10x128xf32, #tpu.memory_space<hbm>>) target(%dma_start3A_1582 : memref<10x128xf32, #tpu.memory_space<vmem>>) target_semaphore(%arg17 : memref<!tpu.dma_semaphore, #tpu.memory_space<semaphore_mem>>)
    %shift_right_logical3A_1585 = arith.constant 22 : i32
    %shift_right_logical3A_1586 = arith.constant 4 : i32
    %shift_right_logical3A_1587 = arith.shrui %shift_right_logical3A_1585, %shift_right_logical3A_1586 : i32
    %shift_left3A_1588 = arith.constant 4 : i32
    %shift_left3A_1589 = arith.shli %shift_right_logical3A_1587, %shift_left3A_1588 : i32
    %multiple_of3A_1590 = tpu.assume_multiple %shift_left3A_1589, 16 : i32
    %get3A_1591 = arith.index_cast %multiple_of3A_1590 : i32 to index
    %get3A_1592 = tpu.vector_load %arg7[%get3A_1591] {strides = array<i32>} : memref<512xi32, #tpu.memory_space<vmem>>, vector<16xi32>,
    %eq3A_1593 = arith.constant 6 : i32
    %eq3A_1594 = vector.broadcast %eq3A_1593 : i32 to vector<16xi32>
    %eq3A_1595 = arith.cmpi eq, %iota3A, %eq3A_1594 : vector<16xi32>
    %jit3A_1596 = arith.constant 0 : i32
    %broadcast_in_dim3A_1597 = vector.broadcast %jit3A_1596 : i32 to vector<16xi32>
    %select_n3A_1598 = arith.select %eq3A_1595, %get3A_1592, %broadcast_in_dim3A_1597 : vector<16xi1>, vector<16xi32>
    %reduce_sum3A_1599 = arith.constant true
    %reduce_sum3A_1600 = vector.broadcast %reduce_sum3A_1599 : i1 to vector<16xi1>
    %reduce_sum3A_1601 = tpu.scan <sum>, %select_n3A_1598 masked %reduce_sum3A_1600 : vector<16xi32>, vector<16xi1> -> vector<16xi32>
    %reduce_sum3A_1602 = vector.extract %reduce_sum3A_1601[15] : i32 from vector<16xi32>
    %shift_right_logical3A_1603 = arith.constant 22 : i32
    %shift_right_logical3A_1604 = arith.constant 4 : i32
    %shift_right_logical3A_1605 = arith.shrui %shift_right_logical3A_1603, %shift_right_logical3A_1604 : i32
    %shift_left3A_1606 = arith.constant 4 : i32
    %shift_left3A_1607 = arith.shli %shift_right_logical3A_1605, %shift_left3A_1606 : i32
    %multiple_of3A_1608 = tpu.assume_multiple %shift_left3A_1607, 16 : i32
    %get3A_1609 = arith.index_cast %multiple_of3A_1608 : i32 to index
    %get3A_1610 = tpu.vector_load %arg8[%get3A_1609] {strides = array<i32>} : memref<512xi32, #tpu.memory_space<vmem>>, vector<16xi32>,
    %eq3A_1611 = arith.constant 6 : i32
    %eq3A_1612 = vector.broadcast %eq3A_1611 : i32 to vector<16xi32>
    %eq3A_1613 = arith.cmpi eq, %iota3A, %eq3A_1612 : vector<16xi32>
    %jit3A_1614 = arith.constant 0 : i32
    %broadcast_in_dim3A_1615 = vector.broadcast %jit3A_1614 : i32 to vector<16xi32>
    %select_n3A_1616 = arith.select %eq3A_1613, %get3A_1610, %broadcast_in_dim3A_1615 : vector<16xi1>, vector<16xi32>
    %reduce_sum3A_1617 = arith.constant true
    %reduce_sum3A_1618 = vector.broadcast %reduce_sum3A_1617 : i1 to vector<16xi1>
    %reduce_sum3A_1619 = tpu.scan <sum>, %select_n3A_1616 masked %reduce_sum3A_1618 : vector<16xi32>, vector<16xi1> -> vector<16xi32>
    %reduce_sum3A_1620 = vector.extract %reduce_sum3A_1619[15] : i32 from vector<16xi32>
    %shift_right_logical3A_1621 = arith.constant 7 : i32
    %shift_right_logical3A_1622 = arith.shrui %reduce_sum3A_1602, %shift_right_logical3A_1621 : i32
    %shift_left3A_1623 = arith.constant 7 : i32
    %shift_left3A_1624 = arith.shli %shift_right_logical3A_1622, %shift_left3A_1623 : i32
    %multiple_of3A_1625 = tpu.assume_multiple %shift_left3A_1624, 128 : i32
    %shift_right_logical3A_1626 = arith.constant 7 : i32
    %shift_right_logical3A_1627 = arith.shrui %reduce_sum3A_1620, %shift_right_logical3A_1626 : i32
    %shift_left3A_1628 = arith.constant 7 : i32
    %shift_left3A_1629 = arith.shli %shift_right_logical3A_1627, %shift_left3A_1628 : i32
    %multiple_of3A_1630 = tpu.assume_multiple %shift_left3A_1629, 128 : i32
    %dma_start3A_1631 = arith.constant 22 : i32
    %dma_start3A_1632 = arith.constant 0 : i32
    %dma_start3A_1633 = arith.constant 0 : i32
    %dma_start3A_1634 = tpu.memref_slice %arg11[%dma_start3A_1631, %dma_start3A_1632, %dma_start3A_1633] : memref<24x10x128xf32, #tpu.memory_space<vmem>> -> memref<1x10x128xf32, #tpu.memory_space<vmem>>
    %dma_start3A_1635 = tpu.memref_squeeze %dma_start3A_1634 : memref<1x10x128xf32, #tpu.memory_space<vmem>> -> memref<10x128xf32, #tpu.memory_space<vmem>>
    %dma_start3A_1636 = arith.constant 0 : i32
    %dma_start3A_1637 = tpu.memref_slice %arg4[%dma_start3A_1636, %multiple_of3A_1625] : memref<10x1000000xf32, #tpu.memory_space<hbm>> -> memref<10x128xf32, #tpu.memory_space<hbm>>
    %dma_start3A_1638 = arith.constant 0 : i32
    %dma_start3A_1639 = arith.constant 0 : i32
    %dma_start3A_1640 = tpu.memref_slice %arg11[%dma_start3A_1631, %dma_start3A_1638, %dma_start3A_1639] : memref<24x10x128xf32, #tpu.memory_space<vmem>> -> memref<1x10x128xf32, #tpu.memory_space<vmem>>
    %dma_start3A_1641 = tpu.memref_squeeze %dma_start3A_1640 : memref<1x10x128xf32, #tpu.memory_space<vmem>> -> memref<10x128xf32, #tpu.memory_space<vmem>>
    %dma_start3A_1642 = arith.constant 0 : i32
    %dma_start3A_1643 = tpu.memref_slice %arg4[%dma_start3A_1642, %multiple_of3A_1625] : memref<10x1000000xf32, #tpu.memory_space<hbm>> -> memref<10x128xf32, #tpu.memory_space<hbm>>
    tpu.enqueue_dma source(%dma_start3A_1643 : memref<10x128xf32, #tpu.memory_space<hbm>>) target(%dma_start3A_1641 : memref<10x128xf32, #tpu.memory_space<vmem>>) target_semaphore(%arg16 : memref<!tpu.dma_semaphore, #tpu.memory_space<semaphore_mem>>)
    %dma_start3A_1644 = arith.constant 22 : i32
    %dma_start3A_1645 = arith.constant 0 : i32
    %dma_start3A_1646 = arith.constant 0 : i32
    %dma_start3A_1647 = tpu.memref_slice %arg12[%dma_start3A_1644, %dma_start3A_1645, %dma_start3A_1646] : memref<24x10x128xf32, #tpu.memory_space<vmem>> -> memref<1x10x128xf32, #tpu.memory_space<vmem>>
    %dma_start3A_1648 = tpu.memref_squeeze %dma_start3A_1647 : memref<1x10x128xf32, #tpu.memory_space<vmem>> -> memref<10x128xf32, #tpu.memory_space<vmem>>
    %dma_start3A_1649 = arith.constant 0 : i32
    %dma_start3A_1650 = tpu.memref_slice %arg5[%dma_start3A_1649, %multiple_of3A_1630] : memref<10x1000000xf32, #tpu.memory_space<hbm>> -> memref<10x128xf32, #tpu.memory_space<hbm>>
    %dma_start3A_1651 = arith.constant 0 : i32
    %dma_start3A_1652 = arith.constant 0 : i32
    %dma_start3A_1653 = tpu.memref_slice %arg12[%dma_start3A_1644, %dma_start3A_1651, %dma_start3A_1652] : memref<24x10x128xf32, #tpu.memory_space<vmem>> -> memref<1x10x128xf32, #tpu.memory_space<vmem>>
    %dma_start3A_1654 = tpu.memref_squeeze %dma_start3A_1653 : memref<1x10x128xf32, #tpu.memory_space<vmem>> -> memref<10x128xf32, #tpu.memory_space<vmem>>
    %dma_start3A_1655 = arith.constant 0 : i32
    %dma_start3A_1656 = tpu.memref_slice %arg5[%dma_start3A_1655, %multiple_of3A_1630] : memref<10x1000000xf32, #tpu.memory_space<hbm>> -> memref<10x128xf32, #tpu.memory_space<hbm>>
    tpu.enqueue_dma source(%dma_start3A_1656 : memref<10x128xf32, #tpu.memory_space<hbm>>) target(%dma_start3A_1654 : memref<10x128xf32, #tpu.memory_space<vmem>>) target_semaphore(%arg17 : memref<!tpu.dma_semaphore, #tpu.memory_space<semaphore_mem>>)
    %shift_right_logical3A_1657 = arith.constant 23 : i32
    %shift_right_logical3A_1658 = arith.constant 4 : i32
    %shift_right_logical3A_1659 = arith.shrui %shift_right_logical3A_1657, %shift_right_logical3A_1658 : i32
    %shift_left3A_1660 = arith.constant 4 : i32
    %shift_left3A_1661 = arith.shli %shift_right_logical3A_1659, %shift_left3A_1660 : i32
    %multiple_of3A_1662 = tpu.assume_multiple %shift_left3A_1661, 16 : i32
    %get3A_1663 = arith.index_cast %multiple_of3A_1662 : i32 to index
    %get3A_1664 = tpu.vector_load %arg7[%get3A_1663] {strides = array<i32>} : memref<512xi32, #tpu.memory_space<vmem>>, vector<16xi32>,
    %eq3A_1665 = arith.constant 7 : i32
    %eq3A_1666 = vector.broadcast %eq3A_1665 : i32 to vector<16xi32>
    %eq3A_1667 = arith.cmpi eq, %iota3A, %eq3A_1666 : vector<16xi32>
    %jit3A_1668 = arith.constant 0 : i32
    %broadcast_in_dim3A_1669 = vector.broadcast %jit3A_1668 : i32 to vector<16xi32>
    %select_n3A_1670 = arith.select %eq3A_1667, %get3A_1664, %broadcast_in_dim3A_1669 : vector<16xi1>, vector<16xi32>
    %reduce_sum3A_1671 = arith.constant true
    %reduce_sum3A_1672 = vector.broadcast %reduce_sum3A_1671 : i1 to vector<16xi1>
    %reduce_sum3A_1673 = tpu.scan <sum>, %select_n3A_1670 masked %reduce_sum3A_1672 : vector<16xi32>, vector<16xi1> -> vector<16xi32>
    %reduce_sum3A_1674 = vector.extract %reduce_sum3A_1673[15] : i32 from vector<16xi32>
    %shift_right_logical3A_1675 = arith.constant 23 : i32
    %shift_right_logical3A_1676 = arith.constant 4 : i32
    %shift_right_logical3A_1677 = arith.shrui %shift_right_logical3A_1675, %shift_right_logical3A_1676 : i32
    %shift_left3A_1678 = arith.constant 4 : i32
    %shift_left3A_1679 = arith.shli %shift_right_logical3A_1677, %shift_left3A_1678 : i32
    %multiple_of3A_1680 = tpu.assume_multiple %shift_left3A_1679, 16 : i32
    %get3A_1681 = arith.index_cast %multiple_of3A_1680 : i32 to index
    %get3A_1682 = tpu.vector_load %arg8[%get3A_1681] {strides = array<i32>} : memref<512xi32, #tpu.memory_space<vmem>>, vector<16xi32>,
    %eq3A_1683 = arith.constant 7 : i32
    %eq3A_1684 = vector.broadcast %eq3A_1683 : i32 to vector<16xi32>
    %eq3A_1685 = arith.cmpi eq, %iota3A, %eq3A_1684 : vector<16xi32>
    %jit3A_1686 = arith.constant 0 : i32
    %broadcast_in_dim3A_1687 = vector.broadcast %jit3A_1686 : i32 to vector<16xi32>
    %select_n3A_1688 = arith.select %eq3A_1685, %get3A_1682, %broadcast_in_dim3A_1687 : vector<16xi1>, vector<16xi32>
    %reduce_sum3A_1689 = arith.constant true
    %reduce_sum3A_1690 = vector.broadcast %reduce_sum3A_1689 : i1 to vector<16xi1>
    %reduce_sum3A_1691 = tpu.scan <sum>, %select_n3A_1688 masked %reduce_sum3A_1690 : vector<16xi32>, vector<16xi1> -> vector<16xi32>
    %reduce_sum3A_1692 = vector.extract %reduce_sum3A_1691[15] : i32 from vector<16xi32>
    %shift_right_logical3A_1693 = arith.constant 7 : i32
    %shift_right_logical3A_1694 = arith.shrui %reduce_sum3A_1674, %shift_right_logical3A_1693 : i32
    %shift_left3A_1695 = arith.constant 7 : i32
    %shift_left3A_1696 = arith.shli %shift_right_logical3A_1694, %shift_left3A_1695 : i32
    %multiple_of3A_1697 = tpu.assume_multiple %shift_left3A_1696, 128 : i32
    %shift_right_logical3A_1698 = arith.constant 7 : i32
    %shift_right_logical3A_1699 = arith.shrui %reduce_sum3A_1692, %shift_right_logical3A_1698 : i32
    %shift_left3A_1700 = arith.constant 7 : i32
    %shift_left3A_1701 = arith.shli %shift_right_logical3A_1699, %shift_left3A_1700 : i32
    %multiple_of3A_1702 = tpu.assume_multiple %shift_left3A_1701, 128 : i32
    %dma_start3A_1703 = arith.constant 23 : i32
    %dma_start3A_1704 = arith.constant 0 : i32
    %dma_start3A_1705 = arith.constant 0 : i32
    %dma_start3A_1706 = tpu.memref_slice %arg11[%dma_start3A_1703, %dma_start3A_1704, %dma_start3A_1705] : memref<24x10x128xf32, #tpu.memory_space<vmem>> -> memref<1x10x128xf32, #tpu.memory_space<vmem>>
    %dma_start3A_1707 = tpu.memref_squeeze %dma_start3A_1706 : memref<1x10x128xf32, #tpu.memory_space<vmem>> -> memref<10x128xf32, #tpu.memory_space<vmem>>
    %dma_start3A_1708 = arith.constant 0 : i32
    %dma_start3A_1709 = tpu.memref_slice %arg4[%dma_start3A_1708, %multiple_of3A_1697] : memref<10x1000000xf32, #tpu.memory_space<hbm>> -> memref<10x128xf32, #tpu.memory_space<hbm>>
    %dma_start3A_1710 = arith.constant 0 : i32
    %dma_start3A_1711 = arith.constant 0 : i32
    %dma_start3A_1712 = tpu.memref_slice %arg11[%dma_start3A_1703, %dma_start3A_1710, %dma_start3A_1711] : memref<24x10x128xf32, #tpu.memory_space<vmem>> -> memref<1x10x128xf32, #tpu.memory_space<vmem>>
    %dma_start3A_1713 = tpu.memref_squeeze %dma_start3A_1712 : memref<1x10x128xf32, #tpu.memory_space<vmem>> -> memref<10x128xf32, #tpu.memory_space<vmem>>
    %dma_start3A_1714 = arith.constant 0 : i32
    %dma_start3A_1715 = tpu.memref_slice %arg4[%dma_start3A_1714, %multiple_of3A_1697] : memref<10x1000000xf32, #tpu.memory_space<hbm>> -> memref<10x128xf32, #tpu.memory_space<hbm>>
    tpu.enqueue_dma source(%dma_start3A_1715 : memref<10x128xf32, #tpu.memory_space<hbm>>) target(%dma_start3A_1713 : memref<10x128xf32, #tpu.memory_space<vmem>>) target_semaphore(%arg16 : memref<!tpu.dma_semaphore, #tpu.memory_space<semaphore_mem>>)
    %dma_start3A_1716 = arith.constant 23 : i32
    %dma_start3A_1717 = arith.constant 0 : i32
    %dma_start3A_1718 = arith.constant 0 : i32
    %dma_start3A_1719 = tpu.memref_slice %arg12[%dma_start3A_1716, %dma_start3A_1717, %dma_start3A_1718] : memref<24x10x128xf32, #tpu.memory_space<vmem>> -> memref<1x10x128xf32, #tpu.memory_space<vmem>>
    %dma_start3A_1720 = tpu.memref_squeeze %dma_start3A_1719 : memref<1x10x128xf32, #tpu.memory_space<vmem>> -> memref<10x128xf32, #tpu.memory_space<vmem>>
    %dma_start3A_1721 = arith.constant 0 : i32
    %dma_start3A_1722 = tpu.memref_slice %arg5[%dma_start3A_1721, %multiple_of3A_1702] : memref<10x1000000xf32, #tpu.memory_space<hbm>> -> memref<10x128xf32, #tpu.memory_space<hbm>>
    %dma_start3A_1723 = arith.constant 0 : i32
    %dma_start3A_1724 = arith.constant 0 : i32
    %dma_start3A_1725 = tpu.memref_slice %arg12[%dma_start3A_1716, %dma_start3A_1723, %dma_start3A_1724] : memref<24x10x128xf32, #tpu.memory_space<vmem>> -> memref<1x10x128xf32, #tpu.memory_space<vmem>>
    %dma_start3A_1726 = tpu.memref_squeeze %dma_start3A_1725 : memref<1x10x128xf32, #tpu.memory_space<vmem>> -> memref<10x128xf32, #tpu.memory_space<vmem>>
    %dma_start3A_1727 = arith.constant 0 : i32
    %dma_start3A_1728 = tpu.memref_slice %arg5[%dma_start3A_1727, %multiple_of3A_1702] : memref<10x1000000xf32, #tpu.memory_space<hbm>> -> memref<10x128xf32, #tpu.memory_space<hbm>>
    tpu.enqueue_dma source(%dma_start3A_1728 : memref<10x128xf32, #tpu.memory_space<hbm>>) target(%dma_start3A_1726 : memref<10x128xf32, #tpu.memory_space<vmem>>) target_semaphore(%arg17 : memref<!tpu.dma_semaphore, #tpu.memory_space<semaphore_mem>>)
    %scan3A_1729 = arith.constant 0 : i32
    %scan3A_1730 = arith.constant 0 : i32
    %scan3A_1731 = arith.constant 488 : i32
    %scan3A_1732 = arith.addi %scan3A_1730, %scan3A_1731 : i32
    %scan3A_1733 = arith.constant 1 : i32
    %scan3A_1734 = scf.for %scan3A_1752 = %scan3A_1730 to %scan3A_1732 step %scan3A_1733 iter_args(%scan3A_1753 = %scan3A_1729) -> (i32)  : i32 {
      %rem3A = arith.constant 24 : i32
      %rem3A_1754 = arith.remsi %scan3A_1752, %rem3A : i32
      %dma_wait3A = arith.constant 0 : i32
      %dma_wait3A_1755 = arith.constant 0 : i32
      %dma_wait3A_1756 = tpu.memref_slice %arg11[%rem3A_1754, %dma_wait3A, %dma_wait3A_1755] : memref<24x10x128xf32, #tpu.memory_space<vmem>> -> memref<1x10x128xf32, #tpu.memory_space<vmem>>
      %dma_wait3A_1757 = tpu.memref_squeeze %dma_wait3A_1756 : memref<1x10x128xf32, #tpu.memory_space<vmem>> -> memref<10x128xf32, #tpu.memory_space<vmem>>
      %dma_wait3A_1758 = arith.constant 0 : i32
      %dma_wait3A_1759 = arith.constant 0 : i32
      %dma_wait3A_1760 = tpu.memref_slice %arg4[%dma_wait3A_1758, %dma_wait3A_1759] : memref<10x1000000xf32, #tpu.memory_space<hbm>> -> memref<10x128xf32, #tpu.memory_space<hbm>>
      %dma_wait3A_1761 = arith.constant 0 : i32
      %dma_wait3A_1762 = arith.constant 0 : i32
      %dma_wait3A_1763 = tpu.memref_slice %arg11[%rem3A_1754, %dma_wait3A_1761, %dma_wait3A_1762] : memref<24x10x128xf32, #tpu.memory_space<vmem>> -> memref<1x10x128xf32, #tpu.memory_space<vmem>>
      %dma_wait3A_1764 = tpu.memref_squeeze %dma_wait3A_1763 : memref<1x10x128xf32, #tpu.memory_space<vmem>> -> memref<10x128xf32, #tpu.memory_space<vmem>>
      %dma_wait3A_1765 = arith.constant 0 : i32
      %dma_wait3A_1766 = arith.constant 0 : i32
      %dma_wait3A_1767 = tpu.memref_slice %arg4[%dma_wait3A_1765, %dma_wait3A_1766] : memref<10x1000000xf32, #tpu.memory_space<hbm>> -> memref<10x128xf32, #tpu.memory_space<hbm>>
      tpu.wait_dma2 semaphore(%arg16 : memref<!tpu.dma_semaphore, #tpu.memory_space<semaphore_mem>>) src(%dma_wait3A_1767 : memref<10x128xf32, #tpu.memory_space<hbm>>) dst(%dma_wait3A_1764 : memref<10x128xf32, #tpu.memory_space<vmem>>)
      %dma_wait3A_1768 = arith.constant 0 : i32
      %dma_wait3A_1769 = arith.constant 0 : i32
      %dma_wait3A_1770 = tpu.memref_slice %arg12[%rem3A_1754, %dma_wait3A_1768, %dma_wait3A_1769] : memref<24x10x128xf32, #tpu.memory_space<vmem>> -> memref<1x10x128xf32, #tpu.memory_space<vmem>>
      %dma_wait3A_1771 = tpu.memref_squeeze %dma_wait3A_1770 : memref<1x10x128xf32, #tpu.memory_space<vmem>> -> memref<10x128xf32, #tpu.memory_space<vmem>>
      %dma_wait3A_1772 = arith.constant 0 : i32
      %dma_wait3A_1773 = arith.constant 0 : i32
      %dma_wait3A_1774 = tpu.memref_slice %arg5[%dma_wait3A_1772, %dma_wait3A_1773] : memref<10x1000000xf32, #tpu.memory_space<hbm>> -> memref<10x128xf32, #tpu.memory_space<hbm>>
      %dma_wait3A_1775 = arith.constant 0 : i32
      %dma_wait3A_1776 = arith.constant 0 : i32
      %dma_wait3A_1777 = tpu.memref_slice %arg12[%rem3A_1754, %dma_wait3A_1775, %dma_wait3A_1776] : memref<24x10x128xf32, #tpu.memory_space<vmem>> -> memref<1x10x128xf32, #tpu.memory_space<vmem>>
      %dma_wait3A_1778 = tpu.memref_squeeze %dma_wait3A_1777 : memref<1x10x128xf32, #tpu.memory_space<vmem>> -> memref<10x128xf32, #tpu.memory_space<vmem>>
      %dma_wait3A_1779 = arith.constant 0 : i32
      %dma_wait3A_1780 = arith.constant 0 : i32
      %dma_wait3A_1781 = tpu.memref_slice %arg5[%dma_wait3A_1779, %dma_wait3A_1780] : memref<10x1000000xf32, #tpu.memory_space<hbm>> -> memref<10x128xf32, #tpu.memory_space<hbm>>
      tpu.wait_dma2 semaphore(%arg17 : memref<!tpu.dma_semaphore, #tpu.memory_space<semaphore_mem>>) src(%dma_wait3A_1781 : memref<10x128xf32, #tpu.memory_space<hbm>>) dst(%dma_wait3A_1778 : memref<10x128xf32, #tpu.memory_space<vmem>>)
      %shift_right_logical3A_1782 = arith.constant 4 : i32
      %shift_right_logical3A_1783 = arith.shrui %scan3A_1752, %shift_right_logical3A_1782 : i32
      %shift_left3A_1784 = arith.constant 4 : i32
      %shift_left3A_1785 = arith.shli %shift_right_logical3A_1783, %shift_left3A_1784 : i32
      %multiple_of3A_1786 = tpu.assume_multiple %shift_left3A_1785, 16 : i32
      %and3A = arith.constant 15 : i32
      %and3A_1787 = arith.andi %scan3A_1752, %and3A : i32
      %broadcast_in_dim3A_1788 = vector.broadcast %and3A_1787 : i32 to vector<16xi32>
      %get3A_1789 = arith.index_cast %multiple_of3A_1786 : i32 to index
      %get3A_1790 = tpu.vector_load %arg9[%get3A_1789] {strides = array<i32>} : memref<512xi32, #tpu.memory_space<vmem>>, vector<16xi32>,
      %lt3A_1791 = arith.constant 0 : i32
      %lt3A_1792 = vector.broadcast %lt3A_1791 : i32 to vector<16xi32>
      %lt3A_1793 = arith.cmpi slt, %broadcast_in_dim3A_1788, %lt3A_1792 : vector<16xi32>
      %add3A_1794 = arith.constant 16 : i32
      %add3A_1795 = vector.broadcast %add3A_1794 : i32 to vector<16xi32>
      %add3A_1796 = arith.addi %broadcast_in_dim3A_1788, %add3A_1795 : vector<16xi32>
      %select_n3A_1797 = arith.select %lt3A_1793, %add3A_1796, %broadcast_in_dim3A_1788 : vector<16xi1>, vector<16xi32>
      %broadcast_in_dim3A_1798 = vector.shape_cast %select_n3A_1797 : vector<16xi32> to vector<16x1xi32>
      %gather3A = vector.shape_cast %broadcast_in_dim3A_1798 : vector<16x1xi32> to vector<16xi32>
      %gather3A_1799 = tpu.dynamic_gather %get3A_1790[%gather3A] in [0] : vector<16xi32>, vector<16xi32> -> vector<16xi32>
      %get3A_1800 = arith.index_cast %multiple_of3A_1786 : i32 to index
      %get3A_1801 = tpu.vector_load %arg10[%get3A_1800] {strides = array<i32>} : memref<512xi32, #tpu.memory_space<vmem>>, vector<16xi32>,
      %lt3A_1802 = arith.constant 0 : i32
      %lt3A_1803 = vector.broadcast %lt3A_1802 : i32 to vector<16xi32>
      %lt3A_1804 = arith.cmpi slt, %broadcast_in_dim3A_1788, %lt3A_1803 : vector<16xi32>
      %add3A_1805 = arith.constant 16 : i32
      %add3A_1806 = vector.broadcast %add3A_1805 : i32 to vector<16xi32>
      %add3A_1807 = arith.addi %broadcast_in_dim3A_1788, %add3A_1806 : vector<16xi32>
      %select_n3A_1808 = arith.select %lt3A_1804, %add3A_1807, %broadcast_in_dim3A_1788 : vector<16xi1>, vector<16xi32>
      %broadcast_in_dim3A_1809 = vector.shape_cast %select_n3A_1808 : vector<16xi32> to vector<16x1xi32>
      %gather3A_1810 = vector.shape_cast %broadcast_in_dim3A_1809 : vector<16x1xi32> to vector<16xi32>
      %gather3A_1811 = tpu.dynamic_gather %get3A_1801[%gather3A_1810] in [0] : vector<16xi32>, vector<16xi32> -> vector<16xi32>
      %broadcast_in_dim3A_1812 = vector.broadcast %scan3A_1752 : i32 to vector<16xi32>
      %gather3A_1813 = arith.constant 0 : i32
      %gather3A_1814 = arith.constant 0 : i32
      %gather3A_1815 = tpu.memref_slice %arg11[%rem3A_1754, %gather3A_1813, %gather3A_1814] : memref<24x10x128xf32, #tpu.memory_space<vmem>> -> memref<1x10x128xf32, #tpu.memory_space<vmem>>
      %gather3A_1816 = tpu.memref_squeeze %gather3A_1815 : memref<1x10x128xf32, #tpu.memory_space<vmem>> -> memref<10x128xf32, #tpu.memory_space<vmem>>
      %gather3A_1817 = tpu.vector_load_idx %gather3A_1816[%iota3A, %gather3A_1799] masked %lt3A_4 : memref<10x128xf32, #tpu.memory_space<vmem>>[vector<16xi32>, vector<16xi32>], vector<16xf32>, vector<16xi1>
      %gather3A_1818 = arith.constant 0 : i32
      %gather3A_1819 = arith.constant 0 : i32
      %gather3A_1820 = tpu.memref_slice %arg12[%rem3A_1754, %gather3A_1818, %gather3A_1819] : memref<24x10x128xf32, #tpu.memory_space<vmem>> -> memref<1x10x128xf32, #tpu.memory_space<vmem>>
      %gather3A_1821 = tpu.memref_squeeze %gather3A_1820 : memref<1x10x128xf32, #tpu.memory_space<vmem>> -> memref<10x128xf32, #tpu.memory_space<vmem>>
      %gather3A_1822 = tpu.vector_load_idx %gather3A_1821[%iota3A, %gather3A_1811] masked %lt3A_4 : memref<10x128xf32, #tpu.memory_space<vmem>>[vector<16xi32>, vector<16xi32>], vector<16xf32>, vector<16xi1>
      tpu.vector_store_idx %arg13[%iota3A, %broadcast_in_dim3A_1812], %gather3A_1817 masked %lt3A_4 : memref<10x512xf32, #tpu.memory_space<vmem>>[vector<16xi32>, vector<16xi32>], vector<16xf32>, vector<16xi1>
      tpu.vector_store_idx %arg14[%iota3A, %broadcast_in_dim3A_1812], %gather3A_1822 masked %lt3A_4 : memref<10x512xf32, #tpu.memory_space<vmem>>[vector<16xi32>, vector<16xi32>], vector<16xf32>, vector<16xi1>
      %add3A_1823 = arith.constant 24 : i32
      %add3A_1824 = arith.addi %scan3A_1752, %add3A_1823 : i32
      %shift_right_logical3A_1825 = arith.constant 4 : i32
      %shift_right_logical3A_1826 = arith.shrui %add3A_1824, %shift_right_logical3A_1825 : i32
      %shift_left3A_1827 = arith.constant 4 : i32
      %shift_left3A_1828 = arith.shli %shift_right_logical3A_1826, %shift_left3A_1827 : i32
      %multiple_of3A_1829 = tpu.assume_multiple %shift_left3A_1828, 16 : i32
      %get3A_1830 = arith.index_cast %multiple_of3A_1829 : i32 to index
      %get3A_1831 = tpu.vector_load %arg7[%get3A_1830] {strides = array<i32>} : memref<512xi32, #tpu.memory_space<vmem>>, vector<16xi32>,
      %and3A_1832 = arith.constant 15 : i32
      %and3A_1833 = arith.andi %add3A_1824, %and3A_1832 : i32
      %eq3A_1834 = vector.broadcast %and3A_1833 : i32 to vector<16xi32>
      %eq3A_1835 = arith.cmpi eq, %iota3A, %eq3A_1834 : vector<16xi32>
      %jit3A_1836 = arith.constant 0 : i32
      %broadcast_in_dim3A_1837 = vector.broadcast %jit3A_1836 : i32 to vector<16xi32>
      %select_n3A_1838 = arith.select %eq3A_1835, %get3A_1831, %broadcast_in_dim3A_1837 : vector<16xi1>, vector<16xi32>
      %reduce_sum3A_1839 = arith.constant true
      %reduce_sum3A_1840 = vector.broadcast %reduce_sum3A_1839 : i1 to vector<16xi1>
      %reduce_sum3A_1841 = tpu.scan <sum>, %select_n3A_1838 masked %reduce_sum3A_1840 : vector<16xi32>, vector<16xi1> -> vector<16xi32>
      %reduce_sum3A_1842 = vector.extract %reduce_sum3A_1841[15] : i32 from vector<16xi32>
      %shift_right_logical3A_1843 = arith.constant 4 : i32
      %shift_right_logical3A_1844 = arith.shrui %add3A_1824, %shift_right_logical3A_1843 : i32
      %shift_left3A_1845 = arith.constant 4 : i32
      %shift_left3A_1846 = arith.shli %shift_right_logical3A_1844, %shift_left3A_1845 : i32
      %multiple_of3A_1847 = tpu.assume_multiple %shift_left3A_1846, 16 : i32
      %get3A_1848 = arith.index_cast %multiple_of3A_1847 : i32 to index
      %get3A_1849 = tpu.vector_load %arg8[%get3A_1848] {strides = array<i32>} : memref<512xi32, #tpu.memory_space<vmem>>, vector<16xi32>,
      %and3A_1850 = arith.constant 15 : i32
      %and3A_1851 = arith.andi %add3A_1824, %and3A_1850 : i32
      %eq3A_1852 = vector.broadcast %and3A_1851 : i32 to vector<16xi32>
      %eq3A_1853 = arith.cmpi eq, %iota3A, %eq3A_1852 : vector<16xi32>
      %jit3A_1854 = arith.constant 0 : i32
      %broadcast_in_dim3A_1855 = vector.broadcast %jit3A_1854 : i32 to vector<16xi32>
      %select_n3A_1856 = arith.select %eq3A_1853, %get3A_1849, %broadcast_in_dim3A_1855 : vector<16xi1>, vector<16xi32>
      %reduce_sum3A_1857 = arith.constant true
      %reduce_sum3A_1858 = vector.broadcast %reduce_sum3A_1857 : i1 to vector<16xi1>
      %reduce_sum3A_1859 = tpu.scan <sum>, %select_n3A_1856 masked %reduce_sum3A_1858 : vector<16xi32>, vector<16xi1> -> vector<16xi32>
      %reduce_sum3A_1860 = vector.extract %reduce_sum3A_1859[15] : i32 from vector<16xi32>
      %shift_right_logical3A_1861 = arith.constant 7 : i32
      %shift_right_logical3A_1862 = arith.shrui %reduce_sum3A_1842, %shift_right_logical3A_1861 : i32
      %shift_left3A_1863 = arith.constant 7 : i32
      %shift_left3A_1864 = arith.shli %shift_right_logical3A_1862, %shift_left3A_1863 : i32
      %multiple_of3A_1865 = tpu.assume_multiple %shift_left3A_1864, 128 : i32
      %shift_right_logical3A_1866 = arith.constant 7 : i32
      %shift_right_logical3A_1867 = arith.shrui %reduce_sum3A_1860, %shift_right_logical3A_1866 : i32
      %shift_left3A_1868 = arith.constant 7 : i32
      %shift_left3A_1869 = arith.shli %shift_right_logical3A_1867, %shift_left3A_1868 : i32
      %multiple_of3A_1870 = tpu.assume_multiple %shift_left3A_1869, 128 : i32
      %dma_start3A_1871 = arith.constant 0 : i32
      %dma_start3A_1872 = arith.constant 0 : i32
      %dma_start3A_1873 = tpu.memref_slice %arg11[%rem3A_1754, %dma_start3A_1871, %dma_start3A_1872] : memref<24x10x128xf32, #tpu.memory_space<vmem>> -> memref<1x10x128xf32, #tpu.memory_space<vmem>>
      %dma_start3A_1874 = tpu.memref_squeeze %dma_start3A_1873 : memref<1x10x128xf32, #tpu.memory_space<vmem>> -> memref<10x128xf32, #tpu.memory_space<vmem>>
      %dma_start3A_1875 = arith.constant 0 : i32
      %dma_start3A_1876 = tpu.memref_slice %arg4[%dma_start3A_1875, %multiple_of3A_1865] : memref<10x1000000xf32, #tpu.memory_space<hbm>> -> memref<10x128xf32, #tpu.memory_space<hbm>>
      %dma_start3A_1877 = arith.constant 0 : i32
      %dma_start3A_1878 = arith.constant 0 : i32
      %dma_start3A_1879 = tpu.memref_slice %arg11[%rem3A_1754, %dma_start3A_1877, %dma_start3A_1878] : memref<24x10x128xf32, #tpu.memory_space<vmem>> -> memref<1x10x128xf32, #tpu.memory_space<vmem>>
      %dma_start3A_1880 = tpu.memref_squeeze %dma_start3A_1879 : memref<1x10x128xf32, #tpu.memory_space<vmem>> -> memref<10x128xf32, #tpu.memory_space<vmem>>
      %dma_start3A_1881 = arith.constant 0 : i32
      %dma_start3A_1882 = tpu.memref_slice %arg4[%dma_start3A_1881, %multiple_of3A_1865] : memref<10x1000000xf32, #tpu.memory_space<hbm>> -> memref<10x128xf32, #tpu.memory_space<hbm>>
      tpu.enqueue_dma source(%dma_start3A_1882 : memref<10x128xf32, #tpu.memory_space<hbm>>) target(%dma_start3A_1880 : memref<10x128xf32, #tpu.memory_space<vmem>>) target_semaphore(%arg16 : memref<!tpu.dma_semaphore, #tpu.memory_space<semaphore_mem>>)
      %dma_start3A_1883 = arith.constant 0 : i32
      %dma_start3A_1884 = arith.constant 0 : i32
      %dma_start3A_1885 = tpu.memref_slice %arg12[%rem3A_1754, %dma_start3A_1883, %dma_start3A_1884] : memref<24x10x128xf32, #tpu.memory_space<vmem>> -> memref<1x10x128xf32, #tpu.memory_space<vmem>>
      %dma_start3A_1886 = tpu.memref_squeeze %dma_start3A_1885 : memref<1x10x128xf32, #tpu.memory_space<vmem>> -> memref<10x128xf32, #tpu.memory_space<vmem>>
      %dma_start3A_1887 = arith.constant 0 : i32
      %dma_start3A_1888 = tpu.memref_slice %arg5[%dma_start3A_1887, %multiple_of3A_1870] : memref<10x1000000xf32, #tpu.memory_space<hbm>> -> memref<10x128xf32, #tpu.memory_space<hbm>>
      %dma_start3A_1889 = arith.constant 0 : i32
      %dma_start3A_1890 = arith.constant 0 : i32
      %dma_start3A_1891 = tpu.memref_slice %arg12[%rem3A_1754, %dma_start3A_1889, %dma_start3A_1890] : memref<24x10x128xf32, #tpu.memory_space<vmem>> -> memref<1x10x128xf32, #tpu.memory_space<vmem>>
      %dma_start3A_1892 = tpu.memref_squeeze %dma_start3A_1891 : memref<1x10x128xf32, #tpu.memory_space<vmem>> -> memref<10x128xf32, #tpu.memory_space<vmem>>
      %dma_start3A_1893 = arith.constant 0 : i32
      %dma_start3A_1894 = tpu.memref_slice %arg5[%dma_start3A_1893, %multiple_of3A_1870] : memref<10x1000000xf32, #tpu.memory_space<hbm>> -> memref<10x128xf32, #tpu.memory_space<hbm>>
      tpu.enqueue_dma source(%dma_start3A_1894 : memref<10x128xf32, #tpu.memory_space<hbm>>) target(%dma_start3A_1892 : memref<10x128xf32, #tpu.memory_space<vmem>>) target_semaphore(%arg17 : memref<!tpu.dma_semaphore, #tpu.memory_space<semaphore_mem>>)
      %scan3A_1895 = arith.constant 0 : i32
      scf.yield %scan3A_1895 : i32
    }
    %scan3A_1735 = arith.constant 488 : i32
    %scan3A_1736 = arith.constant 0 : i32
    %scan3A_1737 = arith.constant 488 : i32
    %scan3A_1738 = arith.constant 24 : i32
    %scan3A_1739 = arith.addi %scan3A_1737, %scan3A_1738 : i32
    %scan3A_1740 = arith.constant 1 : i32
    %scan3A_1741 = scf.for %scan3A_1752 = %scan3A_1737 to %scan3A_1739 step %scan3A_1740 iter_args(%scan3A_1753 = %scan3A_1736) -> (i32)  : i32 {
      %rem3A = arith.constant 24 : i32
      %rem3A_1754 = arith.remsi %scan3A_1752, %rem3A : i32
      %dma_wait3A = arith.constant 0 : i32
      %dma_wait3A_1755 = arith.constant 0 : i32
      %dma_wait3A_1756 = tpu.memref_slice %arg11[%rem3A_1754, %dma_wait3A, %dma_wait3A_1755] : memref<24x10x128xf32, #tpu.memory_space<vmem>> -> memref<1x10x128xf32, #tpu.memory_space<vmem>>
      %dma_wait3A_1757 = tpu.memref_squeeze %dma_wait3A_1756 : memref<1x10x128xf32, #tpu.memory_space<vmem>> -> memref<10x128xf32, #tpu.memory_space<vmem>>
      %dma_wait3A_1758 = arith.constant 0 : i32
      %dma_wait3A_1759 = arith.constant 0 : i32
      %dma_wait3A_1760 = tpu.memref_slice %arg4[%dma_wait3A_1758, %dma_wait3A_1759] : memref<10x1000000xf32, #tpu.memory_space<hbm>> -> memref<10x128xf32, #tpu.memory_space<hbm>>
      %dma_wait3A_1761 = arith.constant 0 : i32
      %dma_wait3A_1762 = arith.constant 0 : i32
      %dma_wait3A_1763 = tpu.memref_slice %arg11[%rem3A_1754, %dma_wait3A_1761, %dma_wait3A_1762] : memref<24x10x128xf32, #tpu.memory_space<vmem>> -> memref<1x10x128xf32, #tpu.memory_space<vmem>>
      %dma_wait3A_1764 = tpu.memref_squeeze %dma_wait3A_1763 : memref<1x10x128xf32, #tpu.memory_space<vmem>> -> memref<10x128xf32, #tpu.memory_space<vmem>>
      %dma_wait3A_1765 = arith.constant 0 : i32
      %dma_wait3A_1766 = arith.constant 0 : i32
      %dma_wait3A_1767 = tpu.memref_slice %arg4[%dma_wait3A_1765, %dma_wait3A_1766] : memref<10x1000000xf32, #tpu.memory_space<hbm>> -> memref<10x128xf32, #tpu.memory_space<hbm>>
      tpu.wait_dma2 semaphore(%arg16 : memref<!tpu.dma_semaphore, #tpu.memory_space<semaphore_mem>>) src(%dma_wait3A_1767 : memref<10x128xf32, #tpu.memory_space<hbm>>) dst(%dma_wait3A_1764 : memref<10x128xf32, #tpu.memory_space<vmem>>)
      %dma_wait3A_1768 = arith.constant 0 : i32
      %dma_wait3A_1769 = arith.constant 0 : i32
      %dma_wait3A_1770 = tpu.memref_slice %arg12[%rem3A_1754, %dma_wait3A_1768, %dma_wait3A_1769] : memref<24x10x128xf32, #tpu.memory_space<vmem>> -> memref<1x10x128xf32, #tpu.memory_space<vmem>>
      %dma_wait3A_1771 = tpu.memref_squeeze %dma_wait3A_1770 : memref<1x10x128xf32, #tpu.memory_space<vmem>> -> memref<10x128xf32, #tpu.memory_space<vmem>>
      %dma_wait3A_1772 = arith.constant 0 : i32
      %dma_wait3A_1773 = arith.constant 0 : i32
      %dma_wait3A_1774 = tpu.memref_slice %arg5[%dma_wait3A_1772, %dma_wait3A_1773] : memref<10x1000000xf32, #tpu.memory_space<hbm>> -> memref<10x128xf32, #tpu.memory_space<hbm>>
      %dma_wait3A_1775 = arith.constant 0 : i32
      %dma_wait3A_1776 = arith.constant 0 : i32
      %dma_wait3A_1777 = tpu.memref_slice %arg12[%rem3A_1754, %dma_wait3A_1775, %dma_wait3A_1776] : memref<24x10x128xf32, #tpu.memory_space<vmem>> -> memref<1x10x128xf32, #tpu.memory_space<vmem>>
      %dma_wait3A_1778 = tpu.memref_squeeze %dma_wait3A_1777 : memref<1x10x128xf32, #tpu.memory_space<vmem>> -> memref<10x128xf32, #tpu.memory_space<vmem>>
      %dma_wait3A_1779 = arith.constant 0 : i32
      %dma_wait3A_1780 = arith.constant 0 : i32
      %dma_wait3A_1781 = tpu.memref_slice %arg5[%dma_wait3A_1779, %dma_wait3A_1780] : memref<10x1000000xf32, #tpu.memory_space<hbm>> -> memref<10x128xf32, #tpu.memory_space<hbm>>
      tpu.wait_dma2 semaphore(%arg17 : memref<!tpu.dma_semaphore, #tpu.memory_space<semaphore_mem>>) src(%dma_wait3A_1781 : memref<10x128xf32, #tpu.memory_space<hbm>>) dst(%dma_wait3A_1778 : memref<10x128xf32, #tpu.memory_space<vmem>>)
      %shift_right_logical3A_1782 = arith.constant 4 : i32
      %shift_right_logical3A_1783 = arith.shrui %scan3A_1752, %shift_right_logical3A_1782 : i32
      %shift_left3A_1784 = arith.constant 4 : i32
      %shift_left3A_1785 = arith.shli %shift_right_logical3A_1783, %shift_left3A_1784 : i32
      %multiple_of3A_1786 = tpu.assume_multiple %shift_left3A_1785, 16 : i32
      %and3A = arith.constant 15 : i32
      %and3A_1787 = arith.andi %scan3A_1752, %and3A : i32
      %broadcast_in_dim3A_1788 = vector.broadcast %and3A_1787 : i32 to vector<16xi32>
      %get3A_1789 = arith.index_cast %multiple_of3A_1786 : i32 to index
      %get3A_1790 = tpu.vector_load %arg9[%get3A_1789] {strides = array<i32>} : memref<512xi32, #tpu.memory_space<vmem>>, vector<16xi32>,
      %lt3A_1791 = arith.constant 0 : i32
      %lt3A_1792 = vector.broadcast %lt3A_1791 : i32 to vector<16xi32>
      %lt3A_1793 = arith.cmpi slt, %broadcast_in_dim3A_1788, %lt3A_1792 : vector<16xi32>
      %add3A_1794 = arith.constant 16 : i32
      %add3A_1795 = vector.broadcast %add3A_1794 : i32 to vector<16xi32>
      %add3A_1796 = arith.addi %broadcast_in_dim3A_1788, %add3A_1795 : vector<16xi32>
      %select_n3A_1797 = arith.select %lt3A_1793, %add3A_1796, %broadcast_in_dim3A_1788 : vector<16xi1>, vector<16xi32>
      %broadcast_in_dim3A_1798 = vector.shape_cast %select_n3A_1797 : vector<16xi32> to vector<16x1xi32>
      %gather3A = vector.shape_cast %broadcast_in_dim3A_1798 : vector<16x1xi32> to vector<16xi32>
      %gather3A_1799 = tpu.dynamic_gather %get3A_1790[%gather3A] in [0] : vector<16xi32>, vector<16xi32> -> vector<16xi32>
      %get3A_1800 = arith.index_cast %multiple_of3A_1786 : i32 to index
      %get3A_1801 = tpu.vector_load %arg10[%get3A_1800] {strides = array<i32>} : memref<512xi32, #tpu.memory_space<vmem>>, vector<16xi32>,
      %lt3A_1802 = arith.constant 0 : i32
      %lt3A_1803 = vector.broadcast %lt3A_1802 : i32 to vector<16xi32>
      %lt3A_1804 = arith.cmpi slt, %broadcast_in_dim3A_1788, %lt3A_1803 : vector<16xi32>
      %add3A_1805 = arith.constant 16 : i32
      %add3A_1806 = vector.broadcast %add3A_1805 : i32 to vector<16xi32>
      %add3A_1807 = arith.addi %broadcast_in_dim3A_1788, %add3A_1806 : vector<16xi32>
      %select_n3A_1808 = arith.select %lt3A_1804, %add3A_1807, %broadcast_in_dim3A_1788 : vector<16xi1>, vector<16xi32>
      %broadcast_in_dim3A_1809 = vector.shape_cast %select_n3A_1808 : vector<16xi32> to vector<16x1xi32>
      %gather3A_1810 = vector.shape_cast %broadcast_in_dim3A_1809 : vector<16x1xi32> to vector<16xi32>
      %gather3A_1811 = tpu.dynamic_gather %get3A_1801[%gather3A_1810] in [0] : vector<16xi32>, vector<16xi32> -> vector<16xi32>
      %broadcast_in_dim3A_1812 = vector.broadcast %scan3A_1752 : i32 to vector<16xi32>
      %gather3A_1813 = arith.constant 0 : i32
      %gather3A_1814 = arith.constant 0 : i32
      %gather3A_1815 = tpu.memref_slice %arg11[%rem3A_1754, %gather3A_1813, %gather3A_1814] : memref<24x10x128xf32, #tpu.memory_space<vmem>> -> memref<1x10x128xf32, #tpu.memory_space<vmem>>
      %gather3A_1816 = tpu.memref_squeeze %gather3A_1815 : memref<1x10x128xf32, #tpu.memory_space<vmem>> -> memref<10x128xf32, #tpu.memory_space<vmem>>
      %gather3A_1817 = tpu.vector_load_idx %gather3A_1816[%iota3A, %gather3A_1799] masked %lt3A_4 : memref<10x128xf32, #tpu.memory_space<vmem>>[vector<16xi32>, vector<16xi32>], vector<16xf32>, vector<16xi1>
      %gather3A_1818 = arith.constant 0 : i32
      %gather3A_1819 = arith.constant 0 : i32
      %gather3A_1820 = tpu.memref_slice %arg12[%rem3A_1754, %gather3A_1818, %gather3A_1819] : memref<24x10x128xf32, #tpu.memory_space<vmem>> -> memref<1x10x128xf32, #tpu.memory_space<vmem>>
      %gather3A_1821 = tpu.memref_squeeze %gather3A_1820 : memref<1x10x128xf32, #tpu.memory_space<vmem>> -> memref<10x128xf32, #tpu.memory_space<vmem>>
      %gather3A_1822 = tpu.vector_load_idx %gather3A_1821[%iota3A, %gather3A_1811] masked %lt3A_4 : memref<10x128xf32, #tpu.memory_space<vmem>>[vector<16xi32>, vector<16xi32>], vector<16xf32>, vector<16xi1>
      tpu.vector_store_idx %arg13[%iota3A, %broadcast_in_dim3A_1812], %gather3A_1817 masked %lt3A_4 : memref<10x512xf32, #tpu.memory_space<vmem>>[vector<16xi32>, vector<16xi32>], vector<16xf32>, vector<16xi1>
      tpu.vector_store_idx %arg14[%iota3A, %broadcast_in_dim3A_1812], %gather3A_1822 masked %lt3A_4 : memref<10x512xf32, #tpu.memory_space<vmem>>[vector<16xi32>, vector<16xi32>], vector<16xf32>, vector<16xi1>
      %scan3A_1823 = arith.constant 0 : i32
      scf.yield %scan3A_1823 : i32
    }
    %scan3A_1742 = arith.constant 24 : i32
    %broadcast_in_dim3A_1743 = arith.constant 0.000000e+00 : f32
    %broadcast_in_dim3A_1744 = vector.broadcast %broadcast_in_dim3A_1743 : f32 to vector<16xf32>
    %scan3A_1745 = arith.constant 0 : i32
    %scan3A_1746 = arith.constant 0 : i32
    %scan3A_1747 = arith.constant 32 : i32
    %scan3A_1748 = arith.addi %scan3A_1746, %scan3A_1747 : i32
    %scan3A_1749 = arith.constant 1 : i32
    %scan3A_1750 = scf.for %scan3A_1752 = %scan3A_1746 to %scan3A_1748 step %scan3A_1749 iter_args(%scan3A_1753 = %scan3A_1745) -> (i32)  : i32 {
      %mul3A_1754 = arith.constant 16 : i32
      %mul3A_1755 = arith.muli %scan3A_1752, %mul3A_1754 : i32
      %multiple_of3A_1756 = tpu.assume_multiple %mul3A_1755, 16 : i32
      %get3A_1757 = arith.constant 0 : i32
      %get3A_1758 = arith.index_cast %get3A_1757 : i32 to index
      %get3A_1759 = arith.index_cast %multiple_of3A_1756 : i32 to index
      %get3A_1760 = tpu.vector_load %arg13[%get3A_1758, %get3A_1759] {strides = array<i32>} : memref<10x512xf32, #tpu.memory_space<vmem>>, vector<16xf32>,
      %get3A_1761 = arith.constant 0 : i32
      %get3A_1762 = arith.index_cast %get3A_1761 : i32 to index
      %get3A_1763 = arith.index_cast %multiple_of3A_1756 : i32 to index
      %get3A_1764 = tpu.vector_load %arg14[%get3A_1762, %get3A_1763] {strides = array<i32>} : memref<10x512xf32, #tpu.memory_space<vmem>>, vector<16xf32>,
      %mul3A_1765 = arith.mulf %get3A_1760, %get3A_1764 : vector<16xf32>
      %add3A_1766 = arith.addf %broadcast_in_dim3A_1744, %mul3A_1765 : vector<16xf32>
      %mul3A_1767 = arith.mulf %get3A_1760, %get3A_1760 : vector<16xf32>
      %add3A_1768 = arith.addf %broadcast_in_dim3A_1744, %mul3A_1767 : vector<16xf32>
      %mul3A_1769 = arith.mulf %get3A_1764, %get3A_1764 : vector<16xf32>
      %add3A_1770 = arith.addf %broadcast_in_dim3A_1744, %mul3A_1769 : vector<16xf32>
      %get3A_1771 = arith.constant 1 : i32
      %get3A_1772 = arith.index_cast %get3A_1771 : i32 to index
      %get3A_1773 = arith.index_cast %multiple_of3A_1756 : i32 to index
      %get3A_1774 = tpu.vector_load %arg13[%get3A_1772, %get3A_1773] {strides = array<i32>} : memref<10x512xf32, #tpu.memory_space<vmem>>, vector<16xf32>,
      %get3A_1775 = arith.constant 1 : i32
      %get3A_1776 = arith.index_cast %get3A_1775 : i32 to index
      %get3A_1777 = arith.index_cast %multiple_of3A_1756 : i32 to index
      %get3A_1778 = tpu.vector_load %arg14[%get3A_1776, %get3A_1777] {strides = array<i32>} : memref<10x512xf32, #tpu.memory_space<vmem>>, vector<16xf32>,
      %mul3A_1779 = arith.mulf %get3A_1774, %get3A_1778 : vector<16xf32>
      %add3A_1780 = arith.addf %add3A_1766, %mul3A_1779 : vector<16xf32>
      %mul3A_1781 = arith.mulf %get3A_1774, %get3A_1774 : vector<16xf32>
      %add3A_1782 = arith.addf %add3A_1768, %mul3A_1781 : vector<16xf32>
      %mul3A_1783 = arith.mulf %get3A_1778, %get3A_1778 : vector<16xf32>
      %add3A_1784 = arith.addf %add3A_1770, %mul3A_1783 : vector<16xf32>
      %get3A_1785 = arith.constant 2 : i32
      %get3A_1786 = arith.index_cast %get3A_1785 : i32 to index
      %get3A_1787 = arith.index_cast %multiple_of3A_1756 : i32 to index
      %get3A_1788 = tpu.vector_load %arg13[%get3A_1786, %get3A_1787] {strides = array<i32>} : memref<10x512xf32, #tpu.memory_space<vmem>>, vector<16xf32>,
      %get3A_1789 = arith.constant 2 : i32
      %get3A_1790 = arith.index_cast %get3A_1789 : i32 to index
      %get3A_1791 = arith.index_cast %multiple_of3A_1756 : i32 to index
      %get3A_1792 = tpu.vector_load %arg14[%get3A_1790, %get3A_1791] {strides = array<i32>} : memref<10x512xf32, #tpu.memory_space<vmem>>, vector<16xf32>,
      %mul3A_1793 = arith.mulf %get3A_1788, %get3A_1792 : vector<16xf32>
      %add3A_1794 = arith.addf %add3A_1780, %mul3A_1793 : vector<16xf32>
      %mul3A_1795 = arith.mulf %get3A_1788, %get3A_1788 : vector<16xf32>
      %add3A_1796 = arith.addf %add3A_1782, %mul3A_1795 : vector<16xf32>
      %mul3A_1797 = arith.mulf %get3A_1792, %get3A_1792 : vector<16xf32>
      %add3A_1798 = arith.addf %add3A_1784, %mul3A_1797 : vector<16xf32>
      %get3A_1799 = arith.constant 3 : i32
      %get3A_1800 = arith.index_cast %get3A_1799 : i32 to index
      %get3A_1801 = arith.index_cast %multiple_of3A_1756 : i32 to index
      %get3A_1802 = tpu.vector_load %arg13[%get3A_1800, %get3A_1801] {strides = array<i32>} : memref<10x512xf32, #tpu.memory_space<vmem>>, vector<16xf32>,
      %get3A_1803 = arith.constant 3 : i32
      %get3A_1804 = arith.index_cast %get3A_1803 : i32 to index
      %get3A_1805 = arith.index_cast %multiple_of3A_1756 : i32 to index
      %get3A_1806 = tpu.vector_load %arg14[%get3A_1804, %get3A_1805] {strides = array<i32>} : memref<10x512xf32, #tpu.memory_space<vmem>>, vector<16xf32>,
      %mul3A_1807 = arith.mulf %get3A_1802, %get3A_1806 : vector<16xf32>
      %add3A_1808 = arith.addf %add3A_1794, %mul3A_1807 : vector<16xf32>
      %mul3A_1809 = arith.mulf %get3A_1802, %get3A_1802 : vector<16xf32>
      %add3A_1810 = arith.addf %add3A_1796, %mul3A_1809 : vector<16xf32>
      %mul3A_1811 = arith.mulf %get3A_1806, %get3A_1806 : vector<16xf32>
      %add3A_1812 = arith.addf %add3A_1798, %mul3A_1811 : vector<16xf32>
      %get3A_1813 = arith.constant 4 : i32
      %get3A_1814 = arith.index_cast %get3A_1813 : i32 to index
      %get3A_1815 = arith.index_cast %multiple_of3A_1756 : i32 to index
      %get3A_1816 = tpu.vector_load %arg13[%get3A_1814, %get3A_1815] {strides = array<i32>} : memref<10x512xf32, #tpu.memory_space<vmem>>, vector<16xf32>,
      %get3A_1817 = arith.constant 4 : i32
      %get3A_1818 = arith.index_cast %get3A_1817 : i32 to index
      %get3A_1819 = arith.index_cast %multiple_of3A_1756 : i32 to index
      %get3A_1820 = tpu.vector_load %arg14[%get3A_1818, %get3A_1819] {strides = array<i32>} : memref<10x512xf32, #tpu.memory_space<vmem>>, vector<16xf32>,
      %mul3A_1821 = arith.mulf %get3A_1816, %get3A_1820 : vector<16xf32>
      %add3A_1822 = arith.addf %add3A_1808, %mul3A_1821 : vector<16xf32>
      %mul3A_1823 = arith.mulf %get3A_1816, %get3A_1816 : vector<16xf32>
      %add3A_1824 = arith.addf %add3A_1810, %mul3A_1823 : vector<16xf32>
      %mul3A_1825 = arith.mulf %get3A_1820, %get3A_1820 : vector<16xf32>
      %add3A_1826 = arith.addf %add3A_1812, %mul3A_1825 : vector<16xf32>
      %get3A_1827 = arith.constant 5 : i32
      %get3A_1828 = arith.index_cast %get3A_1827 : i32 to index
      %get3A_1829 = arith.index_cast %multiple_of3A_1756 : i32 to index
      %get3A_1830 = tpu.vector_load %arg13[%get3A_1828, %get3A_1829] {strides = array<i32>} : memref<10x512xf32, #tpu.memory_space<vmem>>, vector<16xf32>,
      %get3A_1831 = arith.constant 5 : i32
      %get3A_1832 = arith.index_cast %get3A_1831 : i32 to index
      %get3A_1833 = arith.index_cast %multiple_of3A_1756 : i32 to index
      %get3A_1834 = tpu.vector_load %arg14[%get3A_1832, %get3A_1833] {strides = array<i32>} : memref<10x512xf32, #tpu.memory_space<vmem>>, vector<16xf32>,
      %mul3A_1835 = arith.mulf %get3A_1830, %get3A_1834 : vector<16xf32>
      %add3A_1836 = arith.addf %add3A_1822, %mul3A_1835 : vector<16xf32>
      %mul3A_1837 = arith.mulf %get3A_1830, %get3A_1830 : vector<16xf32>
      %add3A_1838 = arith.addf %add3A_1824, %mul3A_1837 : vector<16xf32>
      %mul3A_1839 = arith.mulf %get3A_1834, %get3A_1834 : vector<16xf32>
      %add3A_1840 = arith.addf %add3A_1826, %mul3A_1839 : vector<16xf32>
      %get3A_1841 = arith.constant 6 : i32
      %get3A_1842 = arith.index_cast %get3A_1841 : i32 to index
      %get3A_1843 = arith.index_cast %multiple_of3A_1756 : i32 to index
      %get3A_1844 = tpu.vector_load %arg13[%get3A_1842, %get3A_1843] {strides = array<i32>} : memref<10x512xf32, #tpu.memory_space<vmem>>, vector<16xf32>,
      %get3A_1845 = arith.constant 6 : i32
      %get3A_1846 = arith.index_cast %get3A_1845 : i32 to index
      %get3A_1847 = arith.index_cast %multiple_of3A_1756 : i32 to index
      %get3A_1848 = tpu.vector_load %arg14[%get3A_1846, %get3A_1847] {strides = array<i32>} : memref<10x512xf32, #tpu.memory_space<vmem>>, vector<16xf32>,
      %mul3A_1849 = arith.mulf %get3A_1844, %get3A_1848 : vector<16xf32>
      %add3A_1850 = arith.addf %add3A_1836, %mul3A_1849 : vector<16xf32>
      %mul3A_1851 = arith.mulf %get3A_1844, %get3A_1844 : vector<16xf32>
      %add3A_1852 = arith.addf %add3A_1838, %mul3A_1851 : vector<16xf32>
      %mul3A_1853 = arith.mulf %get3A_1848, %get3A_1848 : vector<16xf32>
      %add3A_1854 = arith.addf %add3A_1840, %mul3A_1853 : vector<16xf32>
      %get3A_1855 = arith.constant 7 : i32
      %get3A_1856 = arith.index_cast %get3A_1855 : i32 to index
      %get3A_1857 = arith.index_cast %multiple_of3A_1756 : i32 to index
      %get3A_1858 = tpu.vector_load %arg13[%get3A_1856, %get3A_1857] {strides = array<i32>} : memref<10x512xf32, #tpu.memory_space<vmem>>, vector<16xf32>,
      %get3A_1859 = arith.constant 7 : i32
      %get3A_1860 = arith.index_cast %get3A_1859 : i32 to index
      %get3A_1861 = arith.index_cast %multiple_of3A_1756 : i32 to index
      %get3A_1862 = tpu.vector_load %arg14[%get3A_1860, %get3A_1861] {strides = array<i32>} : memref<10x512xf32, #tpu.memory_space<vmem>>, vector<16xf32>,
      %mul3A_1863 = arith.mulf %get3A_1858, %get3A_1862 : vector<16xf32>
      %add3A_1864 = arith.addf %add3A_1850, %mul3A_1863 : vector<16xf32>
      %mul3A_1865 = arith.mulf %get3A_1858, %get3A_1858 : vector<16xf32>
      %add3A_1866 = arith.addf %add3A_1852, %mul3A_1865 : vector<16xf32>
      %mul3A_1867 = arith.mulf %get3A_1862, %get3A_1862 : vector<16xf32>
      %add3A_1868 = arith.addf %add3A_1854, %mul3A_1867 : vector<16xf32>
      %get3A_1869 = arith.constant 8 : i32
      %get3A_1870 = arith.index_cast %get3A_1869 : i32 to index
      %get3A_1871 = arith.index_cast %multiple_of3A_1756 : i32 to index
      %get3A_1872 = tpu.vector_load %arg13[%get3A_1870, %get3A_1871] {strides = array<i32>} : memref<10x512xf32, #tpu.memory_space<vmem>>, vector<16xf32>,
      %get3A_1873 = arith.constant 8 : i32
      %get3A_1874 = arith.index_cast %get3A_1873 : i32 to index
      %get3A_1875 = arith.index_cast %multiple_of3A_1756 : i32 to index
      %get3A_1876 = tpu.vector_load %arg14[%get3A_1874, %get3A_1875] {strides = array<i32>} : memref<10x512xf32, #tpu.memory_space<vmem>>, vector<16xf32>,
      %mul3A_1877 = arith.mulf %get3A_1872, %get3A_1876 : vector<16xf32>
      %add3A_1878 = arith.addf %add3A_1864, %mul3A_1877 : vector<16xf32>
      %mul3A_1879 = arith.mulf %get3A_1872, %get3A_1872 : vector<16xf32>
      %add3A_1880 = arith.addf %add3A_1866, %mul3A_1879 : vector<16xf32>
      %mul3A_1881 = arith.mulf %get3A_1876, %get3A_1876 : vector<16xf32>
      %add3A_1882 = arith.addf %add3A_1868, %mul3A_1881 : vector<16xf32>
      %get3A_1883 = arith.constant 9 : i32
      %get3A_1884 = arith.index_cast %get3A_1883 : i32 to index
      %get3A_1885 = arith.index_cast %multiple_of3A_1756 : i32 to index
      %get3A_1886 = tpu.vector_load %arg13[%get3A_1884, %get3A_1885] {strides = array<i32>} : memref<10x512xf32, #tpu.memory_space<vmem>>, vector<16xf32>,
      %get3A_1887 = arith.constant 9 : i32
      %get3A_1888 = arith.index_cast %get3A_1887 : i32 to index
      %get3A_1889 = arith.index_cast %multiple_of3A_1756 : i32 to index
      %get3A_1890 = tpu.vector_load %arg14[%get3A_1888, %get3A_1889] {strides = array<i32>} : memref<10x512xf32, #tpu.memory_space<vmem>>, vector<16xf32>,
      %mul3A_1891 = arith.mulf %get3A_1886, %get3A_1890 : vector<16xf32>
      %add3A_1892 = arith.addf %add3A_1878, %mul3A_1891 : vector<16xf32>
      %mul3A_1893 = arith.mulf %get3A_1886, %get3A_1886 : vector<16xf32>
      %add3A_1894 = arith.addf %add3A_1880, %mul3A_1893 : vector<16xf32>
      %mul3A_1895 = arith.mulf %get3A_1890, %get3A_1890 : vector<16xf32>
      %add3A_1896 = arith.addf %add3A_1882, %mul3A_1895 : vector<16xf32>
      %mul3A_1897 = arith.mulf %add3A_1894, %add3A_1896 : vector<16xf32>
      %bitcast_convert_type3A = tpu.bitcast %mul3A_1897 : vector<16xf32> -> vector<16xi32>
      %shift_right_arithmetic3A = arith.constant 1 : i32
      %shift_right_arithmetic3A_1898 = vector.broadcast %shift_right_arithmetic3A : i32 to vector<16xi32>
      %shift_right_arithmetic3A_1899 = arith.shrsi %bitcast_convert_type3A, %shift_right_arithmetic3A_1898 : vector<16xi32>
      %sub3A = arith.constant 1597463007 : i32
      %sub3A_1900 = vector.broadcast %sub3A : i32 to vector<16xi32>
      %sub3A_1901 = arith.subi %sub3A_1900, %shift_right_arithmetic3A_1899 : vector<16xi32>
      %bitcast_convert_type3A_1902 = tpu.bitcast %sub3A_1901 : vector<16xi32> -> vector<16xf32>
      %mul3A_1903 = arith.constant 5.000000e-01 : f32
      %mul3A_1904 = vector.broadcast %mul3A_1903 : f32 to vector<16xf32>
      %mul3A_1905 = arith.mulf %mul3A_1904, %mul3A_1897 : vector<16xf32>
      %mul3A_1906 = arith.mulf %mul3A_1905, %bitcast_convert_type3A_1902 : vector<16xf32>
      %mul3A_1907 = arith.mulf %mul3A_1906, %bitcast_convert_type3A_1902 : vector<16xf32>
      %sub3A_1908 = arith.constant 1.500000e+00 : f32
      %sub3A_1909 = vector.broadcast %sub3A_1908 : f32 to vector<16xf32>
      %sub3A_1910 = arith.subf %sub3A_1909, %mul3A_1907 : vector<16xf32>
      %mul3A_1911 = arith.mulf %bitcast_convert_type3A_1902, %sub3A_1910 : vector<16xf32>
      %mul3A_1912 = arith.constant 5.000000e-01 : f32
      %mul3A_1913 = vector.broadcast %mul3A_1912 : f32 to vector<16xf32>
      %mul3A_1914 = arith.mulf %mul3A_1913, %mul3A_1897 : vector<16xf32>
      %mul3A_1915 = arith.mulf %mul3A_1914, %mul3A_1911 : vector<16xf32>
      %mul3A_1916 = arith.mulf %mul3A_1915, %mul3A_1911 : vector<16xf32>
      %sub3A_1917 = arith.constant 1.500000e+00 : f32
      %sub3A_1918 = vector.broadcast %sub3A_1917 : f32 to vector<16xf32>
      %sub3A_1919 = arith.subf %sub3A_1918, %mul3A_1916 : vector<16xf32>
      %mul3A_1920 = arith.mulf %mul3A_1911, %sub3A_1919 : vector<16xf32>
      %mul3A_1921 = arith.constant 5.000000e-01 : f32
      %mul3A_1922 = vector.broadcast %mul3A_1921 : f32 to vector<16xf32>
      %mul3A_1923 = arith.mulf %mul3A_1922, %mul3A_1897 : vector<16xf32>
      %mul3A_1924 = arith.mulf %mul3A_1923, %mul3A_1920 : vector<16xf32>
      %mul3A_1925 = arith.mulf %mul3A_1924, %mul3A_1920 : vector<16xf32>
      %sub3A_1926 = arith.constant 1.500000e+00 : f32
      %sub3A_1927 = vector.broadcast %sub3A_1926 : f32 to vector<16xf32>
      %sub3A_1928 = arith.subf %sub3A_1927, %mul3A_1925 : vector<16xf32>
      %mul3A_1929 = arith.mulf %mul3A_1920, %sub3A_1928 : vector<16xf32>
      %mul3A_1930 = arith.mulf %add3A_1892, %mul3A_1929 : vector<16xf32>
      %swap3A = arith.index_cast %multiple_of3A_1756 : i32 to index
      %swap3A_1931 = tpu.vector_load %arg15[%swap3A] {strides = array<i32>} : memref<512xf32, #tpu.memory_space<vmem>>, vector<16xf32>,
      tpu.vector_store %arg15[%swap3A], %mul3A_1930 {strides = array<i32>} : memref<512xf32, #tpu.memory_space<vmem>>, vector<16xf32>,
      %scan3A_1932 = arith.constant 0 : i32
      scf.yield %scan3A_1932 : i32
    }
    %scan3A_1751 = arith.constant 32 : i32
    "tpu.region"() ({
      %run_scoped3A = tpu.sem_alloc : memref<!tpu.dma_semaphore, #tpu.memory_space<semaphore_mem>>
      %dma_start3A_1752 = tpu.memref_slice %arg6[%mul3A_2] : memref<16384xf32, #tpu.memory_space<hbm>> -> memref<512xf32, #tpu.memory_space<hbm>>
      %dma_start3A_1753 = tpu.memref_slice %arg6[%mul3A_2] : memref<16384xf32, #tpu.memory_space<hbm>> -> memref<512xf32, #tpu.memory_space<hbm>>
      tpu.enqueue_dma source(%arg15 : memref<512xf32, #tpu.memory_space<vmem>>) target(%dma_start3A_1753 : memref<512xf32, #tpu.memory_space<hbm>>) target_semaphore(%run_scoped3A : memref<!tpu.dma_semaphore, #tpu.memory_space<semaphore_mem>>)
      %dma_wait3A = tpu.memref_slice %arg6[%mul3A_2] : memref<16384xf32, #tpu.memory_space<hbm>> -> memref<512xf32, #tpu.memory_space<hbm>>
      %dma_wait3A_1754 = tpu.memref_slice %arg6[%mul3A_2] : memref<16384xf32, #tpu.memory_space<hbm>> -> memref<512xf32, #tpu.memory_space<hbm>>
      tpu.wait_dma2 semaphore(%run_scoped3A : memref<!tpu.dma_semaphore, #tpu.memory_space<semaphore_mem>>) src(%arg15 : memref<512xf32, #tpu.memory_space<vmem>>) dst(%dma_wait3A_1754 : memref<512xf32, #tpu.memory_space<hbm>>)
      tpu.yield
    }) : () -> ()
    return
  }
}

</mosaic_0001>

<sc_bundles>
// kernel: kernel.3.cloned.1.call-start
scs
__scs_entry_jumppad:
0x0: {  	(pc) =	sbr.rel $0x88, $3  }
0x1: {  	(tag) =	ssettag $0x0;
	lr =	simm.s32 $0x1  }
0x2: {  	[smem:$0x3F9D] =	sst lr;
	_ =	strace $0xD0000000  }
0x3: {  	_ = 	snop  }
0x4: {  	_ = 	snop  }
0x5: {  	_ = 	snop  }
0x6: {  	_ = 	snop  }
0x7: {  	_ = 	snop  }
__scs_overlays_trampoline_lowered:
0x8: {  	[smem:$0x3FAC] =	sst s0  }
0x9: {  	[smem:$0x3FAD] =	sst s1  }
0xa: {  	[smem:$0x3FAE] =	sst s2  }
0xb: {  	[smem:$0x3FAF] =	sst s3  }
0xc: {  	[smem:$0x3FB0] =	sst s4  }
0xd: {  	[smem:$0x3FB1] =	sst s5  }
0xe: {  	[smem:$0x3FB2] =	sst s6  }
0xf: {  	[smem:$0x3FB3] =	sst s7  }
0x10: {  	[smem:$0x3FB4] =	sst s8  }
0x11: {  	[smem:$0x3FB5] =	sst s9;
	s0 =	simm.s32 @!p0 $0x0  }
0x12: {  	s1 =	sld [smem:$0x3F9B];
	s0 =	simm.s32 @p0 $0x1  }
0x13: {  	[smem:$0x3FB6] =	sst s0;
	s0 =	simm.s32 @!p1 $0x0  }
0x14: {  	s2 =	sld [smem:$0x3F9A];
	s0 =	simm.s32 @p1 $0x1  }
0x15: {  	[smem:$0x3FB7] =	sst s0;
	s0 =	simm.s32 @!p2 $0x0  }
0x16: {  	s3 =	sld [smem:$0x3FDB];
	s0 =	simm.s32 @p2 $0x1  }
0x17: {  	s4 =	simm.s32 $0x1BF5;
	[smem:$0x3FB9] =	sst s0  }
0x18: {  	s0 =	sld [smem:$0x3F9C];
	_ =	swait.ge [sflag:s4], $0x0  }
0x19: {  	s7 =	sld [smem:$0x3F9D]  }
0x1a: {  	s8 =	sadd.s32 $0xFFFFE003, lr  }
0x1b: {  	s9 =	sadd.s32 $0xFFFFFEF7, lr;
	s5 =	simm.s32 $0xFFFFFFFF;
	p2 =	slt.u32 s8, $0xFFFFF086  }
0x1c: {  	p1 =	slt.u32 s9, $0xF7A;
	s5 =	simm.s32 @!p2 $0x0  }
0x1d: {  	s5 =	simm.s32 @p1 $0x1;
	p0 =	seq.s32 s7, s2  }
0x1e: {  	s7 =	smul.u32 @!p0 $0xF7A, s2;
	p2 =	seq.s32 @!p0 s5, $0x0  }
0x1f: {  	s9 =	smul.u32 $0xF7A, s1;
	s8 =	simm.s32 @!p0 $0x1BF5;
	p2 =	por !p2, p0  }
0x20: {  	[sflag:s8] =	ssyncset.s32 @!p0 $0xFFFFF086;
	s6 =	sadd.s32 @!p0 s3, s7;
	s7 =	simm.s32 @!p0 $0x108  }
0x21: {  	s3 =	sadd.s32 s3, s9;
	s6 =	sadd.s32 @!p0 $0x88, s6;
	s7 =	simm.s32 @p2 $0x1082  }
0x22: {  	[simem:s7], [sflag:s8] =	dma.local @!p0 [hbm:s6], $0xF7A  }
0x23: {  	s9 =	sor.u32 $0xD0000000, s2;
	s6 =	simm.s32 $0x108;
	_ =	swait.ge @!p0 [sflag:s8], $0x0  }
0x24: {  	s3 =	sadd.s32 $0x88, s3;
	s6 =	simm.s32 @!p1 $0x1082;
	[sflag:s4] =	ssyncset.s32 $0xFFFFF086  }
0x25: {  	[simem:s6], [sflag:s4] =	dma.local [hbm:s3], $0xF7A  }
0x26: {  	[smem:$0x3F9D] =	sst s1;
	(tag) =	ssettag s2;
	_ =	strace s9  }
0x27: {  	s1 =	sld [smem:$0x3FAD]  }
0x28: {  	s2 =	sld [smem:$0x3FAE]  }
0x29: {  	s4 =	sld [smem:$0x3FB0]  }
0x2a: {  	p0 =	seq.s32 s5, $0x0;
	s5 =	sld [smem:$0x3FB1]  }
0x2b: {  	s6 =	sld [smem:$0x3FB2]  }
0x2c: {  	s7 =	sld [smem:$0x3FB3]  }
0x2d: {  	s3 =	simm.s32 $0x108;
	s8 =	sld [smem:$0x3FB4]  }
0x2e: {  	s3 =	simm.s32 @!p0 $0x1082;
	s9 =	sld [smem:$0x3FB5]  }
0x2f: {  	lr =	sadd.s32 s0, s3;
	s0 =	sld [smem:$0x3FAC]  }
0x30: {  	s3 =	sld [smem:$0x3FAF]  }
0x31: {  	[smem:$0x3FB8] =	sst s10  }
0x32: {  	s10 =	sld [smem:$0x3FB6];
	_ =	sdelay $0x3  }
0x33: {  	p0 =	seq.s32 s10, $0x1;
	s10 =	sld [smem:$0x3FB8];
	_ =	sdelay $0x3  }
0x34: {  	[smem:$0x3FB8] =	sst s10  }
0x35: {  	s10 =	sld [smem:$0x3FB7];
	_ =	sdelay $0x3  }
0x36: {  	p1 =	seq.s32 s10, $0x1;
	s10 =	sld [smem:$0x3FB8];
	_ =	sdelay $0x3  }
0x37: {  	[smem:$0x3FB8] =	sst s10  }
0x38: {  	s10 =	sld [smem:$0x3FB9]  }
0x39: {  	_ = 	snop;
	(pc) =	sbr.ind lr, $3  }
0x3a: {  	_ = 	snop  }
0x3b: {  	_ = 	snop  }
0x3c: {  	p2 =	seq.s32 s10, $0x1;
	s10 =	sld [smem:$0x3FB8]  }
0x3d: {  	_ =	shalt  }
0x3e: {  	_ =	shalt  }
0x3f: {  	_ =	shalt  }
0x40: {  	_ =	shalt  }
0x41: {  	_ =	shalt  }
0x42: {  	_ =	shalt  }
0x43: {  	_ =	shalt  }
0x44: {  	_ =	shalt  }
0x45: {  	_ =	shalt  }
0x46: {  	_ =	shalt  }
0x47: {  	_ =	shalt  }
0x48: {  	_ =	shalt  }
0x49: {  	_ =	shalt  }
0x4a: {  	_ =	shalt  }
0x4b: {  	_ =	shalt  }
0x4c: {  	_ =	shalt  }
0x4d: {  	_ =	shalt  }
0x4e: {  	_ =	shalt  }
0x4f: {  	_ =	shalt  }
0x50: {  	_ =	shalt  }
0x51: {  	_ =	shalt  }
0x52: {  	_ =	shalt  }
0x53: {  	_ =	shalt  }
0x54: {  	_ =	shalt  }
0x55: {  	_ =	shalt  }
0x56: {  	_ =	shalt  }
0x57: {  	_ =	shalt  }
0x58: {  	_ =	shalt  }
0x59: {  	_ =	shalt  }
0x5a: {  	_ =	shalt  }
0x5b: {  	_ =	shalt  }
0x5c: {  	_ =	shalt  }
0x5d: {  	_ =	shalt  }
0x5e: {  	_ =	shalt  }
0x5f: {  	_ =	shalt  }
0x60: {  	_ =	shalt  }
0x61: {  	_ =	shalt  }
0x62: {  	_ =	shalt  }
0x63: {  	_ =	shalt  }
0x64: {  	_ =	shalt  }
0x65: {  	_ =	shalt  }
0x66: {  	_ =	shalt  }
0x67: {  	_ =	shalt  }
0x68: {  	_ =	shalt  }
0x69: {  	_ =	shalt  }
0x6a: {  	_ =	shalt  }
0x6b: {  	_ =	shalt  }
0x6c: {  	_ =	shalt  }
0x6d: {  	_ =	shalt  }
0x6e: {  	_ =	shalt  }
0x6f: {  	_ =	shalt  }
0x70: {  	_ =	shalt  }
0x71: {  	_ =	shalt  }
0x72: {  	_ =	shalt  }
0x73: {  	_ =	shalt  }
0x74: {  	_ =	shalt  }
0x75: {  	_ =	shalt  }
0x76: {  	_ =	shalt  }
0x77: {  	_ =	shalt  }
0x78: {  	_ =	shalt  }
0x79: {  	_ =	shalt  }
0x7a: {  	_ =	shalt  }
0x7b: {  	_ =	shalt  }
0x7c: {  	_ =	shalt  }
0x7d: {  	_ =	shalt  }
0x7e: {  	_ =	shalt  }
0x7f: {  	_ =	shalt  }
0x80: {  	_ =	shalt  }
0x81: {  	_ =	shalt  }
0x82: {  	_ =	shalt  }
0x83: {  	_ =	shalt  }
0x84: {  	_ =	shalt  }
0x85: {  	_ =	shalt  }
0x86: {  	_ =	shalt  }
0x87: {  	_ =	shalt  }
.Lfunc_end0:
.L_simem_size_0:
called_computation_lowered:
.L_overlay_start_0:
0x88: {  	s2 =	sld [smem:$0x3FD9]  }
0x89: {  	s3 =	sld [smem:$0x3FFE];
	_ =	sdelay $0x1  }
0x8a: {  	s1 =	srdreg.scid  }
0x8b: {  	s0 =	sand.u32 $0x1, s1  }
0x8c: {  	s18 =	sshll.u32 s0, $0xA;
	s2 =	sadd.s32 s3, s2  }
0x8d: {  	s2 =	sadd.s32 s2, s18  }
0x8e: {  	[smem:$0x3FC4] =	sst s2  }
0x8f: {  	_ = 	snop  }
0x90: {  	s2 =	sld [smem:$0x3FC9]  }
0x91: {  	s19 =	sld [smem:$0x3FC8]  }
0x92: {  	s4 =	sld [smem:$0x3FC7]  }
0x93: {  	s5 =	sld [smem:$0x3FC6]  }
0x94: {  	s6 =	sld [smem:$0x3FD0];
	(tm) =	ssettm $0x1  }
0x95: {  	s7 =	sld [smem:$0x3FFB];
	_ =	sdelay $0x3  }
0x96: {  	_ =	strace s7  }
0x97: {  	s7 =	sld [smem:$0x3FFC];
	_ =	sdelay $0x3  }
0x98: {  	_ =	strace s7  }
0x99: {  	s7 =	sld [smem:$0x3FFD];
	_ =	sdelay $0x3  }
0x9a: {  	_ =	strace s7  }
0x9b: {  	_ =	strace $0x8FFFFFFF  }
0x9c: {  	s20 =	sld [smem:$0x3FDB];
	_ =	sdelay $0x1  }
0x9d: {  	s8 =	simm.s32 $_scs_section_size  }
0x9e: {  	s9 =	simm.s32 $_size__tile_overlayer_lowered;
	s10 =	simm.s32 $_tile_overlayer_lowered  }
0x9f: {  	s23 =	simm.s32 $0x1BFF;
	s22 =	sshll.u32 s10, $0x1;
	s7 =	sadd.s32 s8, s20  }
0xa0: {  	s11 =	simm.s32 $0x0;
	s21 =	sshll.u32 s9, $0x1;
	s9 =	sadd.s32 s22, s7  }
0xa1: {  	[timem:s11], [sflag:s23] =	dma.local [hbm:s9], s21  }
0xa2: {  	_ =	swait.ge [sflag:s23], s21  }
0xa3: {  	s8 =	ssub.s32 $0x0, s21;
	[sflag:s23] =	ssyncset.done $0x0  }
0xa4: {  	[sflag:s23] =	ssyncadd.s32 s8;
	_ =	sdelay $0x1  }
0xa5: {  	s24 =	simm.s32 $0x1B8B  }
0xa6: {  	_ =	swait.ge [sflag:s24], $0x1  }
0xa7: {  	[sflag:s24] =	ssyncset.done $0x0  }
0xa8: {  	s25 =	simm.s32 $0x1B8E;
	[sflag:s24] =	ssyncadd.s32 $0xFFFFFFFF  }
0xa9: {  	s26 =	simm.s32 $execute0_lowered;
	[smem:$0x3FD2] =	sst s25  }
0xaa: {  	s8 =	sshll.u32 s26, $0x1;
	_ =	strace $0x80000046;
	[dreg:$0x1] =	wrdreg $0xFFFFFFFF  }
0xab: {  	s28 =	simm.s32 $_size_execute0_lowered;
	s7 =	sadd.s32 s7, s8;
	[dreg:$0x0] =	wrdreg $0x0  }
0xac: {  	s8 =	sshll.u32 s28, $0x1;
	[dreg:$0x2] =	wrdreg s7  }
0xad: {  	[dreg:$0x3] =	wrdreg s8  }
0xae: {  	[dreg:$0x4] =	wrdreg $0xC0  }
0xaf: {  	_ =	task [dreg:s11], $0x5FFFF  }
0xb0: {  	[dreg:$0x1] =	wrdreg $0xFFFFFFFF  }
0xb1: {  	[dreg:$0x0] =	wrdreg $0x60  }
0xb2: {  	[dreg:$0x2] =	wrdreg s2  }
0xb3: {  	[dreg:$0x3] =	wrdreg s19  }
0xb4: {  	[dreg:$0x4] =	wrdreg s4  }
0xb5: {  	[dreg:$0x5] =	wrdreg s5  }
0xb6: {  	[dreg:$0x6] =	wrdreg s6  }
0xb7: {  	[dreg:$0x7] =	wrdreg $0x9  }
0xb8: {  	_ =	task.clear_ibuf [dreg:s11], $0x8FFFF;
	_ =	strace $0x90000046  }
0xb9: {  	s29 =	simm.s32 $0x9;
	_ =	strace $0x80000048  }
0xba: {  	_ =	swait.ge [sflag:s29], $0x1  }
0xbb: {  	[sflag:s29] =	ssyncadd.s32 $0xFFFFFFFF  }
0xbc: {  	_ =	strace $0x90000048  }
0xbd: {  	_ =	sfence  }
0xbe: {  	s30 =	sld [smem:$0x0];
	_ =	sdelay $0x2  }
0xbf: {  	s31 =	sshll.u32 s1, $0xD;
	s1 =	sshrl.u32 s1, $0x2  }
0xc0: {  	s3 =	sand.u32 $0x4000, s31;
	s1 =	sadd.s32 s1, s30  }
0xc1: {  	s0 =	sor.u32 s3, s0;
	s1 =	sshll.u32 s1, $0x11  }
0xc2: {  	s0 =	sor.u32 s1, s0  }
0xc3: {  	s0 =	sadd.s32 $0x8F2B, s0  }
0xc4: {  	[sflag:s0] =	ssyncadd.remote.s32 $0x1  }
0xc5: {  	_ =	sfence.sel $0xFFFF  }
0xc6: {  	[dreg:$0x0] =	wrdreg $0xFFFFFFFF;
	(pc) =	sbr.abs _section_cstart, $3  }
0xc7: {  	[dreg:$0x1] =	wrdreg $0xFFFFFFFF  }
0xc8: {  	_ =	task.clear_ibuf [dreg:s11], $0x2FFFF;
	_ =	strace $0x9FFFFFFF  }
0xc9: {  	(tm) =	ssettm $0x7FFFFFFF  }
tec
execute0_lowered:
.L_overlay_start_1:
0x0: {  	(tag) =	ssettag $0x1  }
0x1: {  	s0 =	rddreg [dreg:$0x0];
	v0 =	vimm.s32 $0x1380;
	vm2 =	vcmask $0x300  }
0x2: {  	s3 =	rddreg [dreg:$0x1];
	vm0 =	vmmov $0x1;
	vm3 =	vcmask $0x704;
	v0 =	vsel vm2, $0x0, v0  }
0x3: {  	s1 =	rddreg [dreg:$0x2];
	vm1 =	vcmask $0x308;
	vm4 =	vcmask $0xB08;
	v0 =	vsel vm3, $0x80, v0  }
0x4: {  	s2 =	rddreg [dreg:$0x3];
	vm5 =	vcmask $0xF0C;
	vm6 =	vcmask $0x1310;
	v0 =	vsel vm4, $0x100, v0  }
0x5: {  	s7 =	rddreg [dreg:$0x4];
	s5 =	srdreg.scid;
	vm7 =	vcmask $0x1714;
	vm8 =	vcmask $0x1B18;
	v0 =	vsel vm5, $0x180, v0  }
0x6: {  	s4 =	simm.s32 $0x0;
	s9 =	stileid.u32;
	vm9 =	vcmask $0x1F1C;
	vm10 =	vcmask $0x2320;
	s28 =	simm.s32 $0xB400;
	v0 =	vsel vm6, $0x200, v0  }
0x7: {  	vm11 =	vcmask $0x2724;
	vm12 =	vcmask $0x2B28;
	s29 =	simm.s32 $0x17000;
	s30 =	simm.s32 $0x17400;
	s31 =	simm.s32 $0xB800;
	v0 =	vsel vm7, $0x280, v0  }
0x8: {  	vm13 =	vcmask $0x2F2C;
	vm14 =	vcmask $0x3330;
	s10 =	simm.s32 $0x17C00;
	s11 =	simm.s32 $0xC000;
	s12 =	simm.s32 $0xC400;
	v0 =	vsel vm8, $0x300, v0  }
0x9: {  	vm15 =	vcmask $0x3734;
	s13 =	simm.s32 $0x18000;
	s14 =	simm.s32 $0x18400;
	s15 =	simm.s32 $0x1;
	v1 =	vlaneseq.u32;
	v0 =	vsel vm9, $0x380, v0  }
0xa: {  	s16 =	simm.s32 $0x2;
	s17 =	simm.s32 $0x18800;
	s18 =	simm.s32 $0x1A800;
	vm2 =	vcmask $0x70C;
	vm3 =	vcmask $0xB10;
	v0 =	vsel vm10, $0x1000, v0  }
0xb: {  	s19 =	simm.s32 $0x1C800;
	s20 =	simm.s32 $0x0;
	s5 =	sand.u32 $0x1, s5;
	vm4 =	vcmask $0xF14;
	vm5 =	vcmask $0x1318;
	v0 =	vsel vm11, $0x1080, v0  }
0xc: {  	s9 =	sshll.u32 s9, $0x7;
	s6 =	ssub.s32 $0x2, s5;
	s5 =	sshll.u32 s5, $0x6;
	vm6 =	vcmask $0x171C;
	vm7 =	vcmask $0x1B20;
	v0 =	vsel vm12, $0x1100, v0  }
0xd: {  	[smem:$0x7FF] =	sst s4;
	s8 =	sshrl.u32 s6, $0x1;
	s9 =	sor.u32 s5, s9;
	vm9 =	vcmask $0x2328;
	vm10 =	vcmask $0x272C;
	v0 =	vsel vm13, $0x1180, v0  }
0xe: {  	_ =	strace $0x80000047;
	s8 =	ssub.s32 s6, s8;
	s5 =	sadd.s32 s0, s9;
	vm11 =	vcmask $0x2B30;
	vm12 =	vcmask $0x2F34;
	v0 =	vsel vm14, $0x1200, v0  }
0xf: {  	s6 =	sadd.s32 s3, s9;
	s7 =	sadd.s32 s7, s9;
	s9 =	simm.s32 $0x3;
	vm13 =	vcmask $0x3338;
	v0 =	vsel vm15, $0x1280, v0;
	vm15 =	vcmask $0x3B38  }
0x10: {  	s0 =	simm.s32 $0xBC00;
	s3 =	simm.s32 $0x17800;
	s8 =	smax.u32 s8, $0x1;
	vm14 =	vcmask $0x373C;
	v0 =	vsel vm15, $0x1300, v0;
	vm15 =	vmmov $0x7fff  }
.LBB2_1:
0x11: {  	[tilespmem:s4], [sflag:$0x3] =	stream.linear.gather [hbm4b:s5+s4], $0x200, $0x38;
	[tilespmem:$0x1CA00] =	vst v63  }
0x12: {  	_ =	swait.ge [sflag:s9], $0x200  }
0x13: {  	[sflag:s9] =	ssyncset.done $0x0  }
0x14: {  	s21 =	simm.s32 $0x200;
	[sflag:s9] =	ssyncadd.s32 $0xFFFFFE00  }
0x15: {  	[tilespmem:s21], [sflag:$0x3] =	stream.linear.gather [hbm4b:s6+s4], $0x200, $0x38;
	[tilespmem:$0x1CA00] =	vst v63  }
0x16: {  	_ =	swait.ge [sflag:s9], $0x200  }
0x17: {  	[sflag:s9] =	ssyncset.done $0x0  }
0x18: {  	s21 =	simm.s32 $0x0;
	[sflag:s9] =	ssyncadd.s32 $0xFFFFFE00  }
0x19: {  	v2 =	vld [tilespmem:s21+$0x200]  }
0x1a: {  	s22 =	simm.s32 $0x40;
	v3 =	vld [tilespmem:s21+$0x0]  }
.LBB2_2:
0x1b: {  	p0 =	sne.s32 s22, $0x7C0  }
.Ltmp0:
0x1c: {  	_ = 	snop;
	(pc) =	sbr.rel @p0 .LBB2_2-.Ltmp0, $4  }
0x1d: {  	_ = 	snop  }
0x1e: {  	s23 =	sshra.s32 s22, $0x2;
	s22 =	sadd.s32 $0x40, s22;
	v4 =	vand.u32 $0x7F, v2  }
0x1f: {  	v2 =	vld [tilespmem:s23+$0x200];
	v5 =	vand.u32 $0x7F, v3;
	[tilespmem:s21+$0x600] =	vst v4  }
0x20: {  	v3 =	vld [tilespmem:s23+$0x0];
	[tilespmem:s21+$0x400] =	vst v5;
	s21 =	smov.u32 s23  }
0x21: {  	_ =	sdelay $0x2  }
0x22: {  	v2 =	vand.u32 $0x7F, v2  }
0x23: {  	v3 =	vand.u32 $0x7F, v3;
	[tilespmem:s21+$0x600] =	vst v2  }
0x24: {  	[tilespmem:s21+$0x400] =	vst v3  }
0x25: {  	v2 =	vld [tilespmem:$0x0];
	_ =	sdelay $0x4  }
0x26: {  	v2 =	vnsel vm0, $0x0, v2  }
0x27: {  	(xrf0) =	vadd.scan.msk.s32 $0xffff, v2;
	v2 =	vld [tilespmem:$0x200];
	_ =	sdelay $0x4  }
0x28: {  	v2 =	vnsel vm0, $0x0, v2  }
0x29: {  	v3, _, _ =	vpop (xrf0);
	(xrf0) =	vadd.scan.msk.s32 $0xffff, v2  }
0x2a: {  	(v2sf) =	vpush v3, $0xF;
	_ =	sdelay $0x4  }
0x2b: {  	v2, _, _ =	vpop (xrf0)  }
0x2c: {  	(v2sf) =	vpush v2, $0xF;
	_ =	sdelay $0x8  }
0x2d: {  	s22 =	spop (v2sf)  }
0x2e: {  	s21 =	sand.u32 $0xFFFFF80, s22  }
0x2f: {  	s22 =	simm.s32 $0x800;
	s21 =	sadd.s32 s1, s21  }
0x30: {  	[tilespmem:s22], [sflag:$0x1] =	stream.linear.gather [hbm4b:s21+s4], $0x400, $0x38;
	[tilespmem:$0x1CA00] =	vst v63  }
0x31: {  	s23 =	simm.s32 $0xC00;
	s21 =	sadd.s32 $0xF4280, s21  }
0x32: {  	[tilespmem:s23], [sflag:$0x1] =	stream.linear.gather [hbm4b:s21+s4], $0x100, $0x38;
	[tilespmem:$0x1CA00] =	vst v63  }
0x33: {  	s24 =	spop (v2sf)  }
0x34: {  	s21 =	sand.u32 $0xFFFFF80, s24  }
0x35: {  	s25 =	simm.s32 $0xC800;
	s21 =	sadd.s32 s2, s21  }
0x36: {  	[tilespmem:s25], [sflag:$0x2] =	stream.linear.gather [hbm4b:s21+s4], $0x400, $0x38;
	[tilespmem:$0x1CA00] =	vst v63  }
0x37: {  	s26 =	simm.s32 $0xCC00;
	s21 =	sadd.s32 $0xF4280, s21  }
0x38: {  	[tilespmem:s26], [sflag:$0x2] =	stream.linear.gather [hbm4b:s21+s4], $0x100, $0x38;
	[tilespmem:$0x1CA00] =	vst v63  }
0x39: {  	v2 =	vld [tilespmem:$0x0];
	_ =	sdelay $0x4  }
0x3a: {  	v2 =	vsel vm1, $0x0, v2  }
0x3b: {  	(xrf0) =	vadd.scan.msk.s32 $0xffff, v2;
	v2 =	vld [tilespmem:$0x200];
	_ =	sdelay $0x4  }
0x3c: {  	v2 =	vsel vm1, $0x0, v2  }
0x3d: {  	v3, _, _ =	vpop (xrf0);
	(xrf0) =	vadd.scan.msk.s32 $0xffff, v2  }
0x3e: {  	(v2sf) =	vpush v3, $0xF;
	_ =	sdelay $0x4  }
0x3f: {  	v2, _, _ =	vpop (xrf0)  }
0x40: {  	(v2sf) =	vpush v2, $0xF;
	_ =	sdelay $0x8  }
0x41: {  	s22 =	spop (v2sf)  }
0x42: {  	s21 =	sand.u32 $0xFFFFF80, s22  }
0x43: {  	s23 =	simm.s32 $0x1000;
	s21 =	sadd.s32 s1, s21  }
0x44: {  	[tilespmem:s23], [sflag:$0x1] =	stream.linear.gather [hbm4b:s21+s4], $0x400, $0x38;
	[tilespmem:$0x1CA00] =	vst v63  }
0x45: {  	s24 =	simm.s32 $0x1400;
	s21 =	sadd.s32 $0xF4280, s21  }
0x46: {  	[tilespmem:s24], [sflag:$0x1] =	stream.linear.gather [hbm4b:s21+s4], $0x100, $0x38;
	[tilespmem:$0x1CA00] =	vst v63  }
0x47: {  	s25 =	spop (v2sf)  }
0x48: {  	s21 =	sand.u32 $0xFFFFF80, s25  }
0x49: {  	s26 =	simm.s32 $0xD000;
	s21 =	sadd.s32 s2, s21  }
0x4a: {  	[tilespmem:s26], [sflag:$0x2] =	stream.linear.gather [hbm4b:s21+s4], $0x400, $0x38;
	[tilespmem:$0x1CA00] =	vst v63  }
0x4b: {  	s23 =	simm.s32 $0xD400;
	s21 =	sadd.s32 $0xF4280, s21  }
0x4c: {  	[tilespmem:s23], [sflag:$0x2] =	stream.linear.gather [hbm4b:s21+s4], $0x100, $0x38;
	[tilespmem:$0x1CA00] =	vst v63  }
0x4d: {  	v2 =	vld [tilespmem:$0x0];
	_ =	sdelay $0x4  }
0x4e: {  	v2 =	vsel vm2, $0x0, v2  }
0x4f: {  	(xrf0) =	vadd.scan.msk.s32 $0xffff, v2;
	v2 =	vld [tilespmem:$0x200];
	_ =	sdelay $0x4  }
0x50: {  	v2 =	vsel vm2, $0x0, v2  }
0x51: {  	v3, _, _ =	vpop (xrf0);
	(xrf0) =	vadd.scan.msk.s32 $0xffff, v2  }
0x52: {  	(v2sf) =	vpush v3, $0xF;
	_ =	sdelay $0x4  }
0x53: {  	v2, _, _ =	vpop (xrf0)  }
0x54: {  	(v2sf) =	vpush v2, $0xF;
	_ =	sdelay $0x8  }
0x55: {  	s24 =	spop (v2sf)  }
0x56: {  	s21 =	sand.u32 $0xFFFFF80, s24  }
0x57: {  	s25 =	simm.s32 $0x1800;
	s21 =	sadd.s32 s1, s21  }
0x58: {  	[tilespmem:s25], [sflag:$0x1] =	stream.linear.gather [hbm4b:s21+s4], $0x400, $0x38;
	[tilespmem:$0x1CA00] =	vst v63  }
0x59: {  	s26 =	simm.s32 $0x1C00;
	s21 =	sadd.s32 $0xF4280, s21  }
0x5a: {  	[tilespmem:s26], [sflag:$0x1] =	stream.linear.gather [hbm4b:s21+s4], $0x100, $0x38;
	[tilespmem:$0x1CA00] =	vst v63  }
0x5b: {  	s22 =	spop (v2sf)  }
0x5c: {  	s21 =	sand.u32 $0xFFFFF80, s22  }
0x5d: {  	s23 =	simm.s32 $0xD800;
	s21 =	sadd.s32 s2, s21  }
0x5e: {  	[tilespmem:s23], [sflag:$0x2] =	stream.linear.gather [hbm4b:s21+s4], $0x400, $0x38;
	[tilespmem:$0x1CA00] =	vst v63  }
0x5f: {  	s24 =	simm.s32 $0xDC00;
	s21 =	sadd.s32 $0xF4280, s21  }
0x60: {  	[tilespmem:s24], [sflag:$0x2] =	stream.linear.gather [hbm4b:s21+s4], $0x100, $0x38;
	[tilespmem:$0x1CA00] =	vst v63  }
0x61: {  	v2 =	vld [tilespmem:$0x0];
	_ =	sdelay $0x4  }
0x62: {  	v2 =	vsel vm3, $0x0, v2  }
0x63: {  	(xrf0) =	vadd.scan.msk.s32 $0xffff, v2;
	v2 =	vld [tilespmem:$0x200];
	_ =	sdelay $0x4  }
0x64: {  	v2 =	vsel vm3, $0x0, v2  }
0x65: {  	v3, _, _ =	vpop (xrf0);
	(xrf0) =	vadd.scan.msk.s32 $0xffff, v2  }
0x66: {  	(v2sf) =	vpush v3, $0xF;
	_ =	sdelay $0x4  }
0x67: {  	v2, _, _ =	vpop (xrf0)  }
0x68: {  	(v2sf) =	vpush v2, $0xF;
	_ =	sdelay $0x8  }
0x69: {  	s25 =	spop (v2sf)  }
0x6a: {  	s21 =	sand.u32 $0xFFFFF80, s25  }
0x6b: {  	s26 =	simm.s32 $0x2000;
	s21 =	sadd.s32 s1, s21  }
0x6c: {  	[tilespmem:s26], [sflag:$0x1] =	stream.linear.gather [hbm4b:s21+s4], $0x400, $0x38;
	[tilespmem:$0x1CA00] =	vst v63  }
0x6d: {  	s23 =	simm.s32 $0x2400;
	s21 =	sadd.s32 $0xF4280, s21  }
0x6e: {  	[tilespmem:s23], [sflag:$0x1] =	stream.linear.gather [hbm4b:s21+s4], $0x100, $0x38;
	[tilespmem:$0x1CA00] =	vst v63  }
0x6f: {  	s24 =	spop (v2sf)  }
0x70: {  	s21 =	sand.u32 $0xFFFFF80, s24  }
0x71: {  	s25 =	simm.s32 $0xE000;
	s21 =	sadd.s32 s2, s21  }
0x72: {  	[tilespmem:s25], [sflag:$0x2] =	stream.linear.gather [hbm4b:s21+s4], $0x400, $0x38;
	[tilespmem:$0x1CA00] =	vst v63  }
0x73: {  	s26 =	simm.s32 $0xE400;
	s21 =	sadd.s32 $0xF4280, s21  }
0x74: {  	[tilespmem:s26], [sflag:$0x2] =	stream.linear.gather [hbm4b:s21+s4], $0x100, $0x38;
	[tilespmem:$0x1CA00] =	vst v63  }
0x75: {  	v2 =	vld [tilespmem:$0x0];
	_ =	sdelay $0x4  }
0x76: {  	v2 =	vsel vm4, $0x0, v2  }
0x77: {  	(xrf0) =	vadd.scan.msk.s32 $0xffff, v2;
	v2 =	vld [tilespmem:$0x200];
	_ =	sdelay $0x4  }
0x78: {  	v2 =	vsel vm4, $0x0, v2  }
0x79: {  	v3, _, _ =	vpop (xrf0);
	(xrf0) =	vadd.scan.msk.s32 $0xffff, v2  }
0x7a: {  	(v2sf) =	vpush v3, $0xF;
	_ =	sdelay $0x4  }
0x7b: {  	v2, _, _ =	vpop (xrf0)  }
0x7c: {  	(v2sf) =	vpush v2, $0xF;
	_ =	sdelay $0x8  }
0x7d: {  	s22 =	spop (v2sf)  }
0x7e: {  	s21 =	sand.u32 $0xFFFFF80, s22  }
0x7f: {  	s23 =	simm.s32 $0x2800;
	s21 =	sadd.s32 s1, s21  }
0x80: {  	[tilespmem:s23], [sflag:$0x1] =	stream.linear.gather [hbm4b:s21+s4], $0x400, $0x38;
	[tilespmem:$0x1CA00] =	vst v63  }
0x81: {  	s24 =	simm.s32 $0x2C00;
	s21 =	sadd.s32 $0xF4280, s21  }
0x82: {  	[tilespmem:s24], [sflag:$0x1] =	stream.linear.gather [hbm4b:s21+s4], $0x100, $0x38;
	[tilespmem:$0x1CA00] =	vst v63  }
0x83: {  	s25 =	spop (v2sf)  }
0x84: {  	s21 =	sand.u32 $0xFFFFF80, s25  }
0x85: {  	s26 =	simm.s32 $0xE800;
	s21 =	sadd.s32 s2, s21  }
0x86: {  	[tilespmem:s26], [sflag:$0x2] =	stream.linear.gather [hbm4b:s21+s4], $0x400, $0x38;
	[tilespmem:$0x1CA00] =	vst v63  }
0x87: {  	s23 =	simm.s32 $0xEC00;
	s21 =	sadd.s32 $0xF4280, s21  }
0x88: {  	[tilespmem:s23], [sflag:$0x2] =	stream.linear.gather [hbm4b:s21+s4], $0x100, $0x38;
	[tilespmem:$0x1CA00] =	vst v63  }
0x89: {  	v2 =	vld [tilespmem:$0x0];
	_ =	sdelay $0x4  }
0x8a: {  	v2 =	vsel vm5, $0x0, v2  }
0x8b: {  	(xrf0) =	vadd.scan.msk.s32 $0xffff, v2;
	v2 =	vld [tilespmem:$0x200];
	_ =	sdelay $0x4  }
0x8c: {  	v2 =	vsel vm5, $0x0, v2  }
0x8d: {  	v3, _, _ =	vpop (xrf0);
	(xrf0) =	vadd.scan.msk.s32 $0xffff, v2  }
0x8e: {  	(v2sf) =	vpush v3, $0xF;
	_ =	sdelay $0x4  }
0x8f: {  	v2, _, _ =	vpop (xrf0)  }
0x90: {  	(v2sf) =	vpush v2, $0xF;
	_ =	sdelay $0x8  }
0x91: {  	s24 =	spop (v2sf)  }
0x92: {  	s21 =	sand.u32 $0xFFFFF80, s24  }
0x93: {  	s25 =	simm.s32 $0x3000;
	s21 =	sadd.s32 s1, s21  }
0x94: {  	[tilespmem:s25], [sflag:$0x1] =	stream.linear.gather [hbm4b:s21+s4], $0x400, $0x38;
	[tilespmem:$0x1CA00] =	vst v63  }
0x95: {  	s26 =	simm.s32 $0x3400;
	s21 =	sadd.s32 $0xF4280, s21  }
0x96: {  	[tilespmem:s26], [sflag:$0x1] =	stream.linear.gather [hbm4b:s21+s4], $0x100, $0x38;
	[tilespmem:$0x1CA00] =	vst v63  }
0x97: {  	s22 =	spop (v2sf)  }
0x98: {  	s21 =	sand.u32 $0xFFFFF80, s22  }
0x99: {  	s23 =	simm.s32 $0xF000;
	s21 =	sadd.s32 s2, s21  }
0x9a: {  	[tilespmem:s23], [sflag:$0x2] =	stream.linear.gather [hbm4b:s21+s4], $0x400, $0x38;
	[tilespmem:$0x1CA00] =	vst v63  }
0x9b: {  	s24 =	simm.s32 $0xF400;
	s21 =	sadd.s32 $0xF4280, s21  }
0x9c: {  	[tilespmem:s24], [sflag:$0x2] =	stream.linear.gather [hbm4b:s21+s4], $0x100, $0x38;
	[tilespmem:$0x1CA00] =	vst v63  }
0x9d: {  	v2 =	vld [tilespmem:$0x0];
	_ =	sdelay $0x4  }
0x9e: {  	v2 =	vsel vm6, $0x0, v2  }
0x9f: {  	(xrf0) =	vadd.scan.msk.s32 $0xffff, v2;
	v2 =	vld [tilespmem:$0x200];
	_ =	sdelay $0x4  }
0xa0: {  	v2 =	vsel vm6, $0x0, v2  }
0xa1: {  	v3, _, _ =	vpop (xrf0);
	(xrf0) =	vadd.scan.msk.s32 $0xffff, v2  }
0xa2: {  	(v2sf) =	vpush v3, $0xF;
	_ =	sdelay $0x4  }
0xa3: {  	v2, _, _ =	vpop (xrf0)  }
0xa4: {  	(v2sf) =	vpush v2, $0xF;
	_ =	sdelay $0x8  }
0xa5: {  	s25 =	spop (v2sf)  }
0xa6: {  	s21 =	sand.u32 $0xFFFFF80, s25  }
0xa7: {  	s26 =	simm.s32 $0x3800;
	s21 =	sadd.s32 s1, s21  }
0xa8: {  	[tilespmem:s26], [sflag:$0x1] =	stream.linear.gather [hbm4b:s21+s4], $0x400, $0x38;
	[tilespmem:$0x1CA00] =	vst v63  }
0xa9: {  	s23 =	simm.s32 $0x3C00;
	s21 =	sadd.s32 $0xF4280, s21  }
0xaa: {  	[tilespmem:s23], [sflag:$0x1] =	stream.linear.gather [hbm4b:s21+s4], $0x100, $0x38;
	[tilespmem:$0x1CA00] =	vst v63  }
0xab: {  	s24 =	spop (v2sf)  }
0xac: {  	s21 =	sand.u32 $0xFFFFF80, s24  }
0xad: {  	s25 =	simm.s32 $0xF800;
	s21 =	sadd.s32 s2, s21  }
0xae: {  	[tilespmem:s25], [sflag:$0x2] =	stream.linear.gather [hbm4b:s21+s4], $0x400, $0x38;
	[tilespmem:$0x1CA00] =	vst v63  }
0xaf: {  	s26 =	simm.s32 $0xFC00;
	s21 =	sadd.s32 $0xF4280, s21  }
0xb0: {  	[tilespmem:s26], [sflag:$0x2] =	stream.linear.gather [hbm4b:s21+s4], $0x100, $0x38;
	[tilespmem:$0x1CA00] =	vst v63  }
0xb1: {  	v2 =	vld [tilespmem:$0x0];
	_ =	sdelay $0x4  }
0xb2: {  	v2 =	vsel vm7, $0x0, v2  }
0xb3: {  	(xrf0) =	vadd.scan.msk.s32 $0xffff, v2;
	v2 =	vld [tilespmem:$0x200];
	_ =	sdelay $0x4  }
0xb4: {  	v2 =	vsel vm7, $0x0, v2  }
0xb5: {  	v3, _, _ =	vpop (xrf0);
	(xrf0) =	vadd.scan.msk.s32 $0xffff, v2  }
0xb6: {  	(v2sf) =	vpush v3, $0xF;
	_ =	sdelay $0x4  }
0xb7: {  	v2, _, _ =	vpop (xrf0)  }
0xb8: {  	(v2sf) =	vpush v2, $0xF;
	_ =	sdelay $0x8  }
0xb9: {  	s22 =	spop (v2sf)  }
0xba: {  	s21 =	sand.u32 $0xFFFFF80, s22  }
0xbb: {  	s23 =	simm.s32 $0x4000;
	s21 =	sadd.s32 s1, s21  }
0xbc: {  	[tilespmem:s23], [sflag:$0x1] =	stream.linear.gather [hbm4b:s21+s4], $0x400, $0x38;
	[tilespmem:$0x1CA00] =	vst v63  }
0xbd: {  	s24 =	simm.s32 $0x4400;
	s21 =	sadd.s32 $0xF4280, s21  }
0xbe: {  	[tilespmem:s24], [sflag:$0x1] =	stream.linear.gather [hbm4b:s21+s4], $0x100, $0x38;
	[tilespmem:$0x1CA00] =	vst v63  }
0xbf: {  	s25 =	spop (v2sf)  }
0xc0: {  	s21 =	sand.u32 $0xFFFFF80, s25  }
0xc1: {  	s26 =	simm.s32 $0x10000;
	s21 =	sadd.s32 s2, s21  }
0xc2: {  	[tilespmem:s26], [sflag:$0x2] =	stream.linear.gather [hbm4b:s21+s4], $0x400, $0x38;
	[tilespmem:$0x1CA00] =	vst v63  }
0xc3: {  	s23 =	simm.s32 $0x10400;
	s21 =	sadd.s32 $0xF4280, s21  }
0xc4: {  	[tilespmem:s23], [sflag:$0x2] =	stream.linear.gather [hbm4b:s21+s4], $0x100, $0x38;
	[tilespmem:$0x1CA00] =	vst v63  }
0xc5: {  	v2 =	vld [tilespmem:$0x0];
	_ =	sdelay $0x3  }
0xc6: {  	vm8 =	vcmask $0x1F24  }
0xc7: {  	v2 =	vsel vm8, $0x0, v2  }
0xc8: {  	(xrf0) =	vadd.scan.msk.s32 $0xffff, v2;
	v2 =	vld [tilespmem:$0x200];
	_ =	sdelay $0x4  }
0xc9: {  	v2 =	vsel vm8, $0x0, v2  }
0xca: {  	v3, _, _ =	vpop (xrf0);
	(xrf0) =	vadd.scan.msk.s32 $0xffff, v2  }
0xcb: {  	(v2sf) =	vpush v3, $0xF;
	_ =	sdelay $0x4  }
0xcc: {  	v2, _, _ =	vpop (xrf0)  }
0xcd: {  	(v2sf) =	vpush v2, $0xF;
	_ =	sdelay $0x8  }
0xce: {  	s24 =	spop (v2sf)  }
0xcf: {  	s21 =	sand.u32 $0xFFFFF80, s24  }
0xd0: {  	s25 =	simm.s32 $0x4800;
	s21 =	sadd.s32 s1, s21  }
0xd1: {  	[tilespmem:s25], [sflag:$0x1] =	stream.linear.gather [hbm4b:s21+s4], $0x400, $0x38;
	[tilespmem:$0x1CA00] =	vst v63  }
0xd2: {  	s26 =	simm.s32 $0x4C00;
	s21 =	sadd.s32 $0xF4280, s21  }
0xd3: {  	[tilespmem:s26], [sflag:$0x1] =	stream.linear.gather [hbm4b:s21+s4], $0x100, $0x38;
	[tilespmem:$0x1CA00] =	vst v63  }
0xd4: {  	s22 =	spop (v2sf)  }
0xd5: {  	s21 =	sand.u32 $0xFFFFF80, s22  }
0xd6: {  	s23 =	simm.s32 $0x10800;
	s21 =	sadd.s32 s2, s21  }
0xd7: {  	[tilespmem:s23], [sflag:$0x2] =	stream.linear.gather [hbm4b:s21+s4], $0x400, $0x38;
	[tilespmem:$0x1CA00] =	vst v63  }
0xd8: {  	s24 =	simm.s32 $0x10C00;
	s21 =	sadd.s32 $0xF4280, s21  }
0xd9: {  	[tilespmem:s24], [sflag:$0x2] =	stream.linear.gather [hbm4b:s21+s4], $0x100, $0x38;
	[tilespmem:$0x1CA00] =	vst v63  }
0xda: {  	v2 =	vld [tilespmem:$0x0];
	_ =	sdelay $0x4  }
0xdb: {  	v2 =	vsel vm9, $0x0, v2  }
0xdc: {  	(xrf0) =	vadd.scan.msk.s32 $0xffff, v2;
	v2 =	vld [tilespmem:$0x200];
	_ =	sdelay $0x4  }
0xdd: {  	v2 =	vsel vm9, $0x0, v2  }
0xde: {  	v3, _, _ =	vpop (xrf0);
	(xrf0) =	vadd.scan.msk.s32 $0xffff, v2  }
0xdf: {  	(v2sf) =	vpush v3, $0xF;
	_ =	sdelay $0x4  }
0xe0: {  	v2, _, _ =	vpop (xrf0)  }
0xe1: {  	(v2sf) =	vpush v2, $0xF;
	_ =	sdelay $0x8  }
0xe2: {  	s25 =	spop (v2sf)  }
0xe3: {  	s21 =	sand.u32 $0xFFFFF80, s25  }
0xe4: {  	s26 =	simm.s32 $0x5000;
	s21 =	sadd.s32 s1, s21  }
0xe5: {  	[tilespmem:s26], [sflag:$0x1] =	stream.linear.gather [hbm4b:s21+s4], $0x400, $0x38;
	[tilespmem:$0x1CA00] =	vst v63  }
0xe6: {  	s23 =	simm.s32 $0x5400;
	s21 =	sadd.s32 $0xF4280, s21  }
0xe7: {  	[tilespmem:s23], [sflag:$0x1] =	stream.linear.gather [hbm4b:s21+s4], $0x100, $0x38;
	[tilespmem:$0x1CA00] =	vst v63  }
0xe8: {  	s24 =	spop (v2sf)  }
0xe9: {  	s21 =	sand.u32 $0xFFFFF80, s24  }
0xea: {  	s25 =	simm.s32 $0x11000;
	s21 =	sadd.s32 s2, s21  }
0xeb: {  	[tilespmem:s25], [sflag:$0x2] =	stream.linear.gather [hbm4b:s21+s4], $0x400, $0x38;
	[tilespmem:$0x1CA00] =	vst v63  }
0xec: {  	s26 =	simm.s32 $0x11400;
	s21 =	sadd.s32 $0xF4280, s21  }
0xed: {  	[tilespmem:s26], [sflag:$0x2] =	stream.linear.gather [hbm4b:s21+s4], $0x100, $0x38;
	[tilespmem:$0x1CA00] =	vst v63  }
0xee: {  	v2 =	vld [tilespmem:$0x0];
	_ =	sdelay $0x4  }
0xef: {  	v2 =	vsel vm10, $0x0, v2  }
0xf0: {  	(xrf0) =	vadd.scan.msk.s32 $0xffff, v2;
	v2 =	vld [tilespmem:$0x200];
	_ =	sdelay $0x4  }
0xf1: {  	v2 =	vsel vm10, $0x0, v2  }
0xf2: {  	v3, _, _ =	vpop (xrf0);
	(xrf0) =	vadd.scan.msk.s32 $0xffff, v2  }
0xf3: {  	(v2sf) =	vpush v3, $0xF;
	_ =	sdelay $0x4  }
0xf4: {  	v2, _, _ =	vpop (xrf0)  }
0xf5: {  	(v2sf) =	vpush v2, $0xF;
	_ =	sdelay $0x8  }
0xf6: {  	s22 =	spop (v2sf)  }
0xf7: {  	s21 =	sand.u32 $0xFFFFF80, s22  }
0xf8: {  	s23 =	simm.s32 $0x5800;
	s21 =	sadd.s32 s1, s21  }
0xf9: {  	[tilespmem:s23], [sflag:$0x1] =	stream.linear.gather [hbm4b:s21+s4], $0x400, $0x38;
	[tilespmem:$0x1CA00] =	vst v63  }
0xfa: {  	s24 =	simm.s32 $0x5C00;
	s21 =	sadd.s32 $0xF4280, s21  }
0xfb: {  	[tilespmem:s24], [sflag:$0x1] =	stream.linear.gather [hbm4b:s21+s4], $0x100, $0x38;
	[tilespmem:$0x1CA00] =	vst v63  }
0xfc: {  	s25 =	spop (v2sf)  }
0xfd: {  	s21 =	sand.u32 $0xFFFFF80, s25  }
0xfe: {  	s26 =	simm.s32 $0x11800;
	s21 =	sadd.s32 s2, s21  }
0xff: {  	[tilespmem:s26], [sflag:$0x2] =	stream.linear.gather [hbm4b:s21+s4], $0x400, $0x38;
	[tilespmem:$0x1CA00] =	vst v63  }
0x100: {  	s23 =	simm.s32 $0x11C00;
	s21 =	sadd.s32 $0xF4280, s21  }
0x101: {  	[tilespmem:s23], [sflag:$0x2] =	stream.linear.gather [hbm4b:s21+s4], $0x100, $0x38;
	[tilespmem:$0x1CA00] =	vst v63  }
0x102: {  	v2 =	vld [tilespmem:$0x0];
	_ =	sdelay $0x4  }
0x103: {  	v2 =	vsel vm11, $0x0, v2  }
0x104: {  	(xrf0) =	vadd.scan.msk.s32 $0xffff, v2;
	v2 =	vld [tilespmem:$0x200];
	_ =	sdelay $0x4  }
0x105: {  	v2 =	vsel vm11, $0x0, v2  }
0x106: {  	v3, _, _ =	vpop (xrf0);
	(xrf0) =	vadd.scan.msk.s32 $0xffff, v2  }
0x107: {  	(v2sf) =	vpush v3, $0xF;
	_ =	sdelay $0x4  }
0x108: {  	v2, _, _ =	vpop (xrf0)  }
0x109: {  	(v2sf) =	vpush v2, $0xF;
	_ =	sdelay $0x8  }
0x10a: {  	s24 =	spop (v2sf)  }
0x10b: {  	s21 =	sand.u32 $0xFFFFF80, s24  }
0x10c: {  	s25 =	simm.s32 $0x6000;
	s21 =	sadd.s32 s1, s21  }
0x10d: {  	[tilespmem:s25], [sflag:$0x1] =	stream.linear.gather [hbm4b:s21+s4], $0x400, $0x38;
	[tilespmem:$0x1CA00] =	vst v63  }
0x10e: {  	s26 =	simm.s32 $0x6400;
	s21 =	sadd.s32 $0xF4280, s21  }
0x10f: {  	[tilespmem:s26], [sflag:$0x1] =	stream.linear.gather [hbm4b:s21+s4], $0x100, $0x38;
	[tilespmem:$0x1CA00] =	vst v63  }
0x110: {  	s22 =	spop (v2sf)  }
0x111: {  	s21 =	sand.u32 $0xFFFFF80, s22  }
0x112: {  	s23 =	simm.s32 $0x12000;
	s21 =	sadd.s32 s2, s21  }
0x113: {  	[tilespmem:s23], [sflag:$0x2] =	stream.linear.gather [hbm4b:s21+s4], $0x400, $0x38;
	[tilespmem:$0x1CA00] =	vst v63  }
0x114: {  	s24 =	simm.s32 $0x12400;
	s21 =	sadd.s32 $0xF4280, s21  }
0x115: {  	[tilespmem:s24], [sflag:$0x2] =	stream.linear.gather [hbm4b:s21+s4], $0x100, $0x38;
	[tilespmem:$0x1CA00] =	vst v63  }
0x116: {  	v2 =	vld [tilespmem:$0x0];
	_ =	sdelay $0x4  }
0x117: {  	v2 =	vsel vm12, $0x0, v2  }
0x118: {  	(xrf0) =	vadd.scan.msk.s32 $0xffff, v2;
	v2 =	vld [tilespmem:$0x200];
	_ =	sdelay $0x4  }
0x119: {  	v2 =	vsel vm12, $0x0, v2  }
0x11a: {  	v3, _, _ =	vpop (xrf0);
	(xrf0) =	vadd.scan.msk.s32 $0xffff, v2  }
0x11b: {  	(v2sf) =	vpush v3, $0xF;
	_ =	sdelay $0x4  }
0x11c: {  	v2, _, _ =	vpop (xrf0)  }
0x11d: {  	(v2sf) =	vpush v2, $0xF;
	_ =	sdelay $0x8  }
0x11e: {  	s25 =	spop (v2sf)  }
0x11f: {  	s21 =	sand.u32 $0xFFFFF80, s25  }
0x120: {  	s26 =	simm.s32 $0x6800;
	s21 =	sadd.s32 s1, s21  }
0x121: {  	[tilespmem:s26], [sflag:$0x1] =	stream.linear.gather [hbm4b:s21+s4], $0x400, $0x38;
	[tilespmem:$0x1CA00] =	vst v63  }
0x122: {  	s23 =	simm.s32 $0x6C00;
	s21 =	sadd.s32 $0xF4280, s21  }
0x123: {  	[tilespmem:s23], [sflag:$0x1] =	stream.linear.gather [hbm4b:s21+s4], $0x100, $0x38;
	[tilespmem:$0x1CA00] =	vst v63  }
0x124: {  	s24 =	spop (v2sf)  }
0x125: {  	s21 =	sand.u32 $0xFFFFF80, s24  }
0x126: {  	s25 =	simm.s32 $0x12800;
	s21 =	sadd.s32 s2, s21  }
0x127: {  	[tilespmem:s25], [sflag:$0x2] =	stream.linear.gather [hbm4b:s21+s4], $0x400, $0x38;
	[tilespmem:$0x1CA00] =	vst v63  }
0x128: {  	s26 =	simm.s32 $0x12C00;
	s21 =	sadd.s32 $0xF4280, s21  }
0x129: {  	[tilespmem:s26], [sflag:$0x2] =	stream.linear.gather [hbm4b:s21+s4], $0x100, $0x38;
	[tilespmem:$0x1CA00] =	vst v63  }
0x12a: {  	v2 =	vld [tilespmem:$0x0];
	_ =	sdelay $0x4  }
0x12b: {  	v2 =	vsel vm13, $0x0, v2  }
0x12c: {  	(xrf0) =	vadd.scan.msk.s32 $0xffff, v2;
	v2 =	vld [tilespmem:$0x200];
	_ =	sdelay $0x4  }
0x12d: {  	v2 =	vsel vm13, $0x0, v2  }
0x12e: {  	v3, _, _ =	vpop (xrf0);
	(xrf0) =	vadd.scan.msk.s32 $0xffff, v2  }
0x12f: {  	(v2sf) =	vpush v3, $0xF;
	_ =	sdelay $0x4  }
0x130: {  	v2, _, _ =	vpop (xrf0)  }
0x131: {  	(v2sf) =	vpush v2, $0xF;
	_ =	sdelay $0x8  }
0x132: {  	s22 =	spop (v2sf)  }
0x133: {  	s21 =	sand.u32 $0xFFFFF80, s22  }
0x134: {  	s23 =	simm.s32 $0x7000;
	s21 =	sadd.s32 s1, s21  }
0x135: {  	[tilespmem:s23], [sflag:$0x1] =	stream.linear.gather [hbm4b:s21+s4], $0x400, $0x38;
	[tilespmem:$0x1CA00] =	vst v63  }
0x136: {  	s24 =	simm.s32 $0x7400;
	s21 =	sadd.s32 $0xF4280, s21  }
0x137: {  	[tilespmem:s24], [sflag:$0x1] =	stream.linear.gather [hbm4b:s21+s4], $0x100, $0x38;
	[tilespmem:$0x1CA00] =	vst v63  }
0x138: {  	s25 =	spop (v2sf)  }
0x139: {  	s21 =	sand.u32 $0xFFFFF80, s25  }
0x13a: {  	s26 =	simm.s32 $0x13000;
	s21 =	sadd.s32 s2, s21  }
0x13b: {  	[tilespmem:s26], [sflag:$0x2] =	stream.linear.gather [hbm4b:s21+s4], $0x400, $0x38;
	[tilespmem:$0x1CA00] =	vst v63  }
0x13c: {  	s23 =	simm.s32 $0x13400;
	s21 =	sadd.s32 $0xF4280, s21  }
0x13d: {  	[tilespmem:s23], [sflag:$0x2] =	stream.linear.gather [hbm4b:s21+s4], $0x100, $0x38;
	[tilespmem:$0x1CA00] =	vst v63  }
0x13e: {  	v2 =	vld [tilespmem:$0x0];
	_ =	sdelay $0x4  }
0x13f: {  	v2 =	vsel vm14, $0x0, v2  }
0x140: {  	(xrf0) =	vadd.scan.msk.s32 $0xffff, v2;
	v2 =	vld [tilespmem:$0x200];
	_ =	sdelay $0x4  }
0x141: {  	v2 =	vsel vm14, $0x0, v2  }
0x142: {  	v3, _, _ =	vpop (xrf0);
	(xrf0) =	vadd.scan.msk.s32 $0xffff, v2  }
0x143: {  	(v2sf) =	vpush v3, $0xF;
	_ =	sdelay $0x4  }
0x144: {  	v2, _, _ =	vpop (xrf0)  }
0x145: {  	(v2sf) =	vpush v2, $0xF;
	_ =	sdelay $0x8  }
0x146: {  	s24 =	spop (v2sf)  }
0x147: {  	s21 =	sand.u32 $0xFFFFF80, s24  }
0x148: {  	s25 =	simm.s32 $0x7800;
	s21 =	sadd.s32 s1, s21  }
0x149: {  	[tilespmem:s25], [sflag:$0x1] =	stream.linear.gather [hbm4b:s21+s4], $0x400, $0x38;
	[tilespmem:$0x1CA00] =	vst v63  }
0x14a: {  	s26 =	simm.s32 $0x7C00;
	s21 =	sadd.s32 $0xF4280, s21  }
0x14b: {  	[tilespmem:s26], [sflag:$0x1] =	stream.linear.gather [hbm4b:s21+s4], $0x100, $0x38;
	[tilespmem:$0x1CA00] =	vst v63  }
0x14c: {  	s22 =	spop (v2sf)  }
0x14d: {  	s21 =	sand.u32 $0xFFFFF80, s22  }
0x14e: {  	s23 =	simm.s32 $0x13800;
	s21 =	sadd.s32 s2, s21  }
0x14f: {  	[tilespmem:s23], [sflag:$0x2] =	stream.linear.gather [hbm4b:s21+s4], $0x400, $0x38;
	[tilespmem:$0x1CA00] =	vst v63  }
0x150: {  	s24 =	simm.s32 $0x13C00;
	s21 =	sadd.s32 $0xF4280, s21  }
0x151: {  	[tilespmem:s24], [sflag:$0x2] =	stream.linear.gather [hbm4b:s21+s4], $0x100, $0x38;
	[tilespmem:$0x1CA00] =	vst v63  }
0x152: {  	v2 =	vld [tilespmem:$0x0];
	_ =	sdelay $0x4  }
0x153: {  	v2 =	vsel vm15, $0x0, v2  }
0x154: {  	(xrf0) =	vadd.scan.msk.s32 $0xffff, v2;
	v2 =	vld [tilespmem:$0x200];
	_ =	sdelay $0x4  }
0x155: {  	v2 =	vsel vm15, $0x0, v2  }
0x156: {  	v3, _, _ =	vpop (xrf0);
	(xrf0) =	vadd.scan.msk.s32 $0xffff, v2  }
0x157: {  	(v2sf) =	vpush v3, $0xF;
	_ =	sdelay $0x4  }
0x158: {  	v2, _, _ =	vpop (xrf0)  }
0x159: {  	(v2sf) =	vpush v2, $0xF;
	_ =	sdelay $0x8  }
0x15a: {  	s25 =	spop (v2sf)  }
0x15b: {  	s21 =	sand.u32 $0xFFFFF80, s25  }
0x15c: {  	s26 =	simm.s32 $0x8000;
	s21 =	sadd.s32 s1, s21  }
0x15d: {  	[tilespmem:s26], [sflag:$0x1] =	stream.linear.gather [hbm4b:s21+s4], $0x400, $0x38;
	[tilespmem:$0x1CA00] =	vst v63  }
0x15e: {  	s23 =	simm.s32 $0x8400;
	s21 =	sadd.s32 $0xF4280, s21  }
0x15f: {  	[tilespmem:s23], [sflag:$0x1] =	stream.linear.gather [hbm4b:s21+s4], $0x100, $0x38;
	[tilespmem:$0x1CA00] =	vst v63  }
0x160: {  	s24 =	spop (v2sf)  }
0x161: {  	s21 =	sand.u32 $0xFFFFF80, s24  }
0x162: {  	s25 =	simm.s32 $0x14000;
	s21 =	sadd.s32 s2, s21  }
0x163: {  	[tilespmem:s25], [sflag:$0x2] =	stream.linear.gather [hbm4b:s21+s4], $0x400, $0x38;
	[tilespmem:$0x1CA00] =	vst v63  }
0x164: {  	s26 =	simm.s32 $0x14400;
	s21 =	sadd.s32 $0xF4280, s21  }
0x165: {  	[tilespmem:s26], [sflag:$0x2] =	stream.linear.gather [hbm4b:s21+s4], $0x100, $0x38;
	[tilespmem:$0x1CA00] =	vst v63  }
0x166: {  	v2 =	vld [tilespmem:$0x10];
	_ =	sdelay $0x4  }
0x167: {  	v2 =	vnsel vm0, $0x0, v2  }
0x168: {  	(xrf0) =	vadd.scan.msk.s32 $0xffff, v2;
	v2 =	vld [tilespmem:$0x210];
	_ =	sdelay $0x4  }
0x169: {  	v2 =	vnsel vm0, $0x0, v2  }
0x16a: {  	v3, _, _ =	vpop (xrf0);
	(xrf0) =	vadd.scan.msk.s32 $0xffff, v2  }
0x16b: {  	(v2sf) =	vpush v3, $0xF;
	_ =	sdelay $0x4  }
0x16c: {  	v2, _, _ =	vpop (xrf0)  }
0x16d: {  	(v2sf) =	vpush v2, $0xF;
	_ =	sdelay $0x8  }
0x16e: {  	s22 =	spop (v2sf)  }
0x16f: {  	s21 =	sand.u32 $0xFFFFF80, s22  }
0x170: {  	s23 =	simm.s32 $0x8800;
	s21 =	sadd.s32 s1, s21  }
0x171: {  	[tilespmem:s23], [sflag:$0x1] =	stream.linear.gather [hbm4b:s21+s4], $0x400, $0x38;
	[tilespmem:$0x1CA00] =	vst v63  }
0x172: {  	s24 =	simm.s32 $0x8C00;
	s21 =	sadd.s32 $0xF4280, s21  }
0x173: {  	[tilespmem:s24], [sflag:$0x1] =	stream.linear.gather [hbm4b:s21+s4], $0x100, $0x38;
	[tilespmem:$0x1CA00] =	vst v63  }
0x174: {  	s25 =	spop (v2sf)  }
0x175: {  	s21 =	sand.u32 $0xFFFFF80, s25  }
0x176: {  	s26 =	simm.s32 $0x14800;
	s21 =	sadd.s32 s2, s21  }
0x177: {  	[tilespmem:s26], [sflag:$0x2] =	stream.linear.gather [hbm4b:s21+s4], $0x400, $0x38;
	[tilespmem:$0x1CA00] =	vst v63  }
0x178: {  	s23 =	simm.s32 $0x14C00;
	s21 =	sadd.s32 $0xF4280, s21  }
0x179: {  	[tilespmem:s23], [sflag:$0x2] =	stream.linear.gather [hbm4b:s21+s4], $0x100, $0x38;
	[tilespmem:$0x1CA00] =	vst v63  }
0x17a: {  	v2 =	vld [tilespmem:$0x10];
	_ =	sdelay $0x4  }
0x17b: {  	v2 =	vsel vm1, $0x0, v2  }
0x17c: {  	(xrf0) =	vadd.scan.msk.s32 $0xffff, v2;
	v2 =	vld [tilespmem:$0x210];
	_ =	sdelay $0x4  }
0x17d: {  	v2 =	vsel vm1, $0x0, v2  }
0x17e: {  	v3, _, _ =	vpop (xrf0);
	(xrf0) =	vadd.scan.msk.s32 $0xffff, v2  }
0x17f: {  	(v2sf) =	vpush v3, $0xF;
	_ =	sdelay $0x4  }
0x180: {  	v2, _, _ =	vpop (xrf0)  }
0x181: {  	(v2sf) =	vpush v2, $0xF;
	_ =	sdelay $0x8  }
0x182: {  	s24 =	spop (v2sf)  }
0x183: {  	s21 =	sand.u32 $0xFFFFF80, s24  }
0x184: {  	s25 =	simm.s32 $0x9000;
	s21 =	sadd.s32 s1, s21  }
0x185: {  	[tilespmem:s25], [sflag:$0x1] =	stream.linear.gather [hbm4b:s21+s4], $0x400, $0x38;
	[tilespmem:$0x1CA00] =	vst v63  }
0x186: {  	s26 =	simm.s32 $0x9400;
	s21 =	sadd.s32 $0xF4280, s21  }
0x187: {  	[tilespmem:s26], [sflag:$0x1] =	stream.linear.gather [hbm4b:s21+s4], $0x100, $0x38;
	[tilespmem:$0x1CA00] =	vst v63  }
0x188: {  	s22 =	spop (v2sf)  }
0x189: {  	s21 =	sand.u32 $0xFFFFF80, s22  }
0x18a: {  	s23 =	simm.s32 $0x15000;
	s21 =	sadd.s32 s2, s21  }
0x18b: {  	[tilespmem:s23], [sflag:$0x2] =	stream.linear.gather [hbm4b:s21+s4], $0x400, $0x38;
	[tilespmem:$0x1CA00] =	vst v63  }
0x18c: {  	s24 =	simm.s32 $0x15400;
	s21 =	sadd.s32 $0xF4280, s21  }
0x18d: {  	[tilespmem:s24], [sflag:$0x2] =	stream.linear.gather [hbm4b:s21+s4], $0x100, $0x38;
	[tilespmem:$0x1CA00] =	vst v63  }
0x18e: {  	v2 =	vld [tilespmem:$0x10];
	_ =	sdelay $0x4  }
0x18f: {  	v2 =	vsel vm2, $0x0, v2  }
0x190: {  	(xrf0) =	vadd.scan.msk.s32 $0xffff, v2;
	v2 =	vld [tilespmem:$0x210];
	_ =	sdelay $0x4  }
0x191: {  	v2 =	vsel vm2, $0x0, v2  }
0x192: {  	v3, _, _ =	vpop (xrf0);
	(xrf0) =	vadd.scan.msk.s32 $0xffff, v2  }
0x193: {  	(v2sf) =	vpush v3, $0xF;
	_ =	sdelay $0x4  }
0x194: {  	v2, _, _ =	vpop (xrf0)  }
0x195: {  	(v2sf) =	vpush v2, $0xF;
	_ =	sdelay $0x8  }
0x196: {  	s25 =	spop (v2sf)  }
0x197: {  	s21 =	sand.u32 $0xFFFFF80, s25  }
0x198: {  	s26 =	simm.s32 $0x9800;
	s21 =	sadd.s32 s1, s21  }
0x199: {  	[tilespmem:s26], [sflag:$0x1] =	stream.linear.gather [hbm4b:s21+s4], $0x400, $0x38;
	[tilespmem:$0x1CA00] =	vst v63  }
0x19a: {  	s23 =	simm.s32 $0x9C00;
	s21 =	sadd.s32 $0xF4280, s21  }
0x19b: {  	[tilespmem:s23], [sflag:$0x1] =	stream.linear.gather [hbm4b:s21+s4], $0x100, $0x38;
	[tilespmem:$0x1CA00] =	vst v63  }
0x19c: {  	s24 =	spop (v2sf)  }
0x19d: {  	s21 =	sand.u32 $0xFFFFF80, s24  }
0x19e: {  	s25 =	simm.s32 $0x15800;
	s21 =	sadd.s32 s2, s21  }
0x19f: {  	[tilespmem:s25], [sflag:$0x2] =	stream.linear.gather [hbm4b:s21+s4], $0x400, $0x38;
	[tilespmem:$0x1CA00] =	vst v63  }
0x1a0: {  	s26 =	simm.s32 $0x15C00;
	s21 =	sadd.s32 $0xF4280, s21  }
0x1a1: {  	[tilespmem:s26], [sflag:$0x2] =	stream.linear.gather [hbm4b:s21+s4], $0x100, $0x38;
	[tilespmem:$0x1CA00] =	vst v63  }
0x1a2: {  	v2 =	vld [tilespmem:$0x10];
	_ =	sdelay $0x4  }
0x1a3: {  	v2 =	vsel vm3, $0x0, v2  }
0x1a4: {  	(xrf0) =	vadd.scan.msk.s32 $0xffff, v2;
	v2 =	vld [tilespmem:$0x210];
	_ =	sdelay $0x4  }
0x1a5: {  	v2 =	vsel vm3, $0x0, v2  }
0x1a6: {  	v3, _, _ =	vpop (xrf0);
	(xrf0) =	vadd.scan.msk.s32 $0xffff, v2  }
0x1a7: {  	(v2sf) =	vpush v3, $0xF;
	_ =	sdelay $0x4  }
0x1a8: {  	v2, _, _ =	vpop (xrf0)  }
0x1a9: {  	(v2sf) =	vpush v2, $0xF;
	_ =	sdelay $0x8  }
0x1aa: {  	s22 =	spop (v2sf)  }
0x1ab: {  	s21 =	sand.u32 $0xFFFFF80, s22  }
0x1ac: {  	s23 =	simm.s32 $0xA000;
	s21 =	sadd.s32 s1, s21  }
0x1ad: {  	[tilespmem:s23], [sflag:$0x1] =	stream.linear.gather [hbm4b:s21+s4], $0x400, $0x38;
	[tilespmem:$0x1CA00] =	vst v63  }
0x1ae: {  	s24 =	simm.s32 $0xA400;
	s21 =	sadd.s32 $0xF4280, s21  }
0x1af: {  	[tilespmem:s24], [sflag:$0x1] =	stream.linear.gather [hbm4b:s21+s4], $0x100, $0x38;
	[tilespmem:$0x1CA00] =	vst v63  }
0x1b0: {  	s25 =	spop (v2sf)  }
0x1b1: {  	s21 =	sand.u32 $0xFFFFF80, s25  }
0x1b2: {  	s26 =	simm.s32 $0x16000;
	s21 =	sadd.s32 s2, s21  }
0x1b3: {  	[tilespmem:s26], [sflag:$0x2] =	stream.linear.gather [hbm4b:s21+s4], $0x400, $0x38;
	[tilespmem:$0x1CA00] =	vst v63  }
0x1b4: {  	s23 =	simm.s32 $0x16400;
	s21 =	sadd.s32 $0xF4280, s21  }
0x1b5: {  	[tilespmem:s23], [sflag:$0x2] =	stream.linear.gather [hbm4b:s21+s4], $0x100, $0x38;
	[tilespmem:$0x1CA00] =	vst v63  }
0x1b6: {  	v2 =	vld [tilespmem:$0x10];
	_ =	sdelay $0x4  }
0x1b7: {  	v2 =	vsel vm4, $0x0, v2  }
0x1b8: {  	(xrf0) =	vadd.scan.msk.s32 $0xffff, v2;
	v2 =	vld [tilespmem:$0x210];
	_ =	sdelay $0x4  }
0x1b9: {  	v2 =	vsel vm4, $0x0, v2  }
0x1ba: {  	v3, _, _ =	vpop (xrf0);
	(xrf0) =	vadd.scan.msk.s32 $0xffff, v2  }
0x1bb: {  	(v2sf) =	vpush v3, $0xF;
	_ =	sdelay $0x4  }
0x1bc: {  	v2, _, _ =	vpop (xrf0)  }
0x1bd: {  	(v2sf) =	vpush v2, $0xF;
	_ =	sdelay $0x8  }
0x1be: {  	s24 =	spop (v2sf)  }
0x1bf: {  	s21 =	sand.u32 $0xFFFFF80, s24  }
0x1c0: {  	s25 =	simm.s32 $0xA800;
	s21 =	sadd.s32 s1, s21  }
0x1c1: {  	[tilespmem:s25], [sflag:$0x1] =	stream.linear.gather [hbm4b:s21+s4], $0x400, $0x38;
	[tilespmem:$0x1CA00] =	vst v63  }
0x1c2: {  	s26 =	simm.s32 $0xAC00;
	s21 =	sadd.s32 $0xF4280, s21  }
0x1c3: {  	[tilespmem:s26], [sflag:$0x1] =	stream.linear.gather [hbm4b:s21+s4], $0x100, $0x38;
	[tilespmem:$0x1CA00] =	vst v63  }
0x1c4: {  	s22 =	spop (v2sf)  }
0x1c5: {  	s21 =	sand.u32 $0xFFFFF80, s22  }
0x1c6: {  	s23 =	simm.s32 $0x16800;
	s21 =	sadd.s32 s2, s21  }
0x1c7: {  	[tilespmem:s23], [sflag:$0x2] =	stream.linear.gather [hbm4b:s21+s4], $0x400, $0x38;
	[tilespmem:$0x1CA00] =	vst v63  }
0x1c8: {  	s24 =	simm.s32 $0x16C00;
	s21 =	sadd.s32 $0xF4280, s21  }
0x1c9: {  	[tilespmem:s24], [sflag:$0x2] =	stream.linear.gather [hbm4b:s21+s4], $0x100, $0x38;
	[tilespmem:$0x1CA00] =	vst v63  }
0x1ca: {  	v2 =	vld [tilespmem:$0x10];
	_ =	sdelay $0x4  }
0x1cb: {  	v2 =	vsel vm5, $0x0, v2  }
0x1cc: {  	(xrf0) =	vadd.scan.msk.s32 $0xffff, v2;
	v2 =	vld [tilespmem:$0x210];
	_ =	sdelay $0x4  }
0x1cd: {  	v2 =	vsel vm5, $0x0, v2  }
0x1ce: {  	v3, _, _ =	vpop (xrf0);
	(xrf0) =	vadd.scan.msk.s32 $0xffff, v2  }
0x1cf: {  	(v2sf) =	vpush v3, $0xF;
	_ =	sdelay $0x4  }
0x1d0: {  	v2, _, _ =	vpop (xrf0)  }
0x1d1: {  	(v2sf) =	vpush v2, $0xF;
	_ =	sdelay $0x8  }
0x1d2: {  	s25 =	spop (v2sf)  }
0x1d3: {  	s21 =	sand.u32 $0xFFFFF80, s25  }
0x1d4: {  	s26 =	simm.s32 $0xB000;
	s21 =	sadd.s32 s1, s21  }
0x1d5: {  	[tilespmem:s26], [sflag:$0x1] =	stream.linear.gather [hbm4b:s21+s4], $0x400, $0x38;
	[tilespmem:$0x1CA00] =	vst v63  }
0x1d6: {  	s21 =	sadd.s32 $0xF4280, s21  }
0x1d7: {  	[tilespmem:s28], [sflag:$0x1] =	stream.linear.gather [hbm4b:s21+s4], $0x100, $0x38;
	[tilespmem:$0x1CA00] =	vst v63  }
0x1d8: {  	s22 =	spop (v2sf)  }
0x1d9: {  	s21 =	sand.u32 $0xFFFFF80, s22  }
0x1da: {  	s21 =	sadd.s32 s2, s21  }
0x1db: {  	[tilespmem:s29], [sflag:$0x2] =	stream.linear.gather [hbm4b:s21+s4], $0x400, $0x38;
	[tilespmem:$0x1CA00] =	vst v63  }
0x1dc: {  	s21 =	sadd.s32 $0xF4280, s21  }
0x1dd: {  	[tilespmem:s30], [sflag:$0x2] =	stream.linear.gather [hbm4b:s21+s4], $0x100, $0x38;
	[tilespmem:$0x1CA00] =	vst v63  }
0x1de: {  	v2 =	vld [tilespmem:$0x10];
	_ =	sdelay $0x4  }
0x1df: {  	v2 =	vsel vm6, $0x0, v2  }
0x1e0: {  	(xrf0) =	vadd.scan.msk.s32 $0xffff, v2;
	v2 =	vld [tilespmem:$0x210];
	_ =	sdelay $0x4  }
0x1e1: {  	v2 =	vsel vm6, $0x0, v2  }
0x1e2: {  	v3, _, _ =	vpop (xrf0);
	(xrf0) =	vadd.scan.msk.s32 $0xffff, v2  }
0x1e3: {  	(v2sf) =	vpush v3, $0xF;
	_ =	sdelay $0x4  }
0x1e4: {  	v2, _, _ =	vpop (xrf0)  }
0x1e5: {  	(v2sf) =	vpush v2, $0xF;
	_ =	sdelay $0x8  }
0x1e6: {  	s23 =	spop (v2sf)  }
0x1e7: {  	s21 =	sand.u32 $0xFFFFF80, s23  }
0x1e8: {  	s21 =	sadd.s32 s1, s21  }
0x1e9: {  	[tilespmem:s31], [sflag:$0x1] =	stream.linear.gather [hbm4b:s21+s4], $0x400, $0x38;
	[tilespmem:$0x1CA00] =	vst v63  }
0x1ea: {  	s21 =	sadd.s32 $0xF4280, s21  }
0x1eb: {  	[tilespmem:s0], [sflag:$0x1] =	stream.linear.gather [hbm4b:s21+s4], $0x100, $0x38;
	[tilespmem:$0x1CA00] =	vst v63  }
0x1ec: {  	s24 =	spop (v2sf)  }
0x1ed: {  	s21 =	sand.u32 $0xFFFFF80, s24  }
0x1ee: {  	s21 =	sadd.s32 s2, s21  }
0x1ef: {  	[tilespmem:s3], [sflag:$0x2] =	stream.linear.gather [hbm4b:s21+s4], $0x400, $0x38;
	[tilespmem:$0x1CA00] =	vst v63  }
0x1f0: {  	s21 =	sadd.s32 $0xF4280, s21  }
0x1f1: {  	[tilespmem:s10], [sflag:$0x2] =	stream.linear.gather [hbm4b:s21+s4], $0x100, $0x38;
	[tilespmem:$0x1CA00] =	vst v63  }
0x1f2: {  	v2 =	vld [tilespmem:$0x10];
	_ =	sdelay $0x4  }
0x1f3: {  	v2 =	vsel vm7, $0x0, v2  }
0x1f4: {  	(xrf0) =	vadd.scan.msk.s32 $0xffff, v2;
	v2 =	vld [tilespmem:$0x210];
	_ =	sdelay $0x4  }
0x1f5: {  	v2 =	vsel vm7, $0x0, v2  }
0x1f6: {  	v3, _, _ =	vpop (xrf0);
	(xrf0) =	vadd.scan.msk.s32 $0xffff, v2  }
0x1f7: {  	(v2sf) =	vpush v3, $0xF;
	_ =	sdelay $0x4  }
0x1f8: {  	v2, _, _ =	vpop (xrf0)  }
0x1f9: {  	(v2sf) =	vpush v2, $0xF;
	_ =	sdelay $0x8  }
0x1fa: {  	s25 =	spop (v2sf)  }
0x1fb: {  	s21 =	sand.u32 $0xFFFFF80, s25  }
0x1fc: {  	s21 =	sadd.s32 s1, s21  }
0x1fd: {  	[tilespmem:s11], [sflag:$0x1] =	stream.linear.gather [hbm4b:s21+s4], $0x400, $0x38;
	[tilespmem:$0x1CA00] =	vst v63  }
0x1fe: {  	s21 =	sadd.s32 $0xF4280, s21  }
0x1ff: {  	[tilespmem:s12], [sflag:$0x1] =	stream.linear.gather [hbm4b:s21+s4], $0x100, $0x38;
	[tilespmem:$0x1CA00] =	vst v63  }
0x200: {  	s26 =	spop (v2sf)  }
0x201: {  	s21 =	sand.u32 $0xFFFFF80, s26  }
0x202: {  	s21 =	sadd.s32 s2, s21  }
0x203: {  	[tilespmem:s13], [sflag:$0x2] =	stream.linear.gather [hbm4b:s21+s4], $0x400, $0x38;
	[tilespmem:$0x1CA00] =	vst v63  }
0x204: {  	s21 =	sadd.s32 $0xF4280, s21  }
0x205: {  	[tilespmem:s14], [sflag:$0x2] =	stream.linear.gather [hbm4b:s21+s4], $0x100, $0x38;
	[tilespmem:$0x1CA00] =	vst v63  }
0x206: {  	s21 =	simm.s32 $0x18  }
.LBB2_4:
0x207: {  	_ =	swait.ge [sflag:s15], $0x500  }
0x208: {  	[sflag:s15] =	ssyncset.done $0x0  }
0x209: {  	[sflag:s15] =	ssyncadd.s32 $0xFFFFFB00  }
0x20a: {  	_ =	swait.ge [sflag:s16], $0x500  }
0x20b: {  	s22 =	sadd.s32 $0xFFFFFFE8, s21;
	[sflag:s16] =	ssyncset.done $0x0  }
0x20c: {  	s23 =	sand.u32 $0x1F0, s22;
	[sflag:s16] =	ssyncadd.s32 $0xFFFFFB00  }
0x20d: {  	v2 =	vld [tilespmem:s23+$0x400]  }
0x20e: {  	v3 =	vld [tilespmem:s23+$0x600];
	_ =	sdelay $0x1  }
0x20f: {  	s24 =	sand.u32 $0xF, s22  }
0x210: {  	v4 =	vmov s24  }
0x211: {  	s25 =	smul.u32 $0xAAAB, s22;
	v5 =	vperm.xlane v2, v4;
	v2 =	vmul.u32 $0x80, v1  }
0x212: {  	v3 =	vperm.xlane v3, v4  }
0x213: {  	s23 =	sshrl.u32 s25, $0x11;
	v60 =	vadd.s32 v2, v5  }
0x214: {  	v61 =	vmov s22;
	s23 =	sand.u32 $0x18, s23;
	v3 =	vadd.s32 v2, v3  }
0x215: {  	v6 =	vshll.u32 v61, $0x3;
	s22 =	sadd.s32 s23, s22  }
0x216: {  	v6 =	vand.u32 $0xC00, v6;
	s22 =	sshll.u32 s22, $0xB;
	v5 =	vand.u32 $0x7F, v61  }
0x217: {  	s22 =	sand.u32 $0xF800, s22;
	v5 =	vor.u32 v6, v5  }
0x218: {  	v5 =	vor.u32 v0, v5;
	v4 =	vld.idx.msk [tilespmem:v60+s22+$0x800], $0x3ff  }
0x219: {  	v3 =	vld.idx.msk [tilespmem:v3+s22+$0xC800], $0x3ff;
	_ =	sdelay $0x3  }
0x21a: {  	[tilespmem:v5+s17+$0x0] =	vst.idx.msk $0x3ff, v4  }
0x21b: {  	s26 =	sand.u32 $0x3F0, s21;
	[tilespmem:v5+s18+$0x0] =	vst.idx.msk $0x3ff, v3  }
0x21c: {  	v3 =	vld [tilespmem:s26+$0x0];
	_ =	sdelay $0x1  }
0x21d: {  	s24 =	sand.u32 $0xF, s21  }
0x21e: {  	v62 =	vmov s24  }
0x21f: {  	vm8 =	veq.s32 v62, v1  }
0x220: {  	v3 =	vnsel vm8, $0x0, v3  }
0x221: {  	(xrf0) =	vadd.scan.msk.s32 $0xffff, v3;
	v3 =	vld [tilespmem:s26+$0x200];
	_ =	sdelay $0x4  }
0x222: {  	v3 =	vnsel vm8, $0x0, v3  }
0x223: {  	v63, _, _ =	vpop (xrf0);
	(xrf0) =	vadd.scan.msk.s32 $0xffff, v3  }
0x224: {  	(v2sf) =	vpush v63, $0xF;
	_ =	sdelay $0x4  }
0x225: {  	v3, _, _ =	vpop (xrf0)  }
0x226: {  	(v2sf) =	vpush v3, $0xF;
	_ =	sdelay $0x8  }
0x227: {  	s24 =	spop (v2sf)  }
0x228: {  	s23 =	sand.u32 $0xFFFFF80, s24  }
0x229: {  	s25 =	sadd.s32 $0x800, s22;
	s23 =	sadd.s32 s1, s23  }
0x22a: {  	[tilespmem:s25], [sflag:$0x1] =	stream.linear.gather [hbm4b:s23+s4], $0x400, $0x38;
	[tilespmem:$0x1CA00] =	vst v63  }
0x22b: {  	s26 =	sadd.s32 $0xC00, s22;
	s23 =	sadd.s32 $0xF4280, s23  }
0x22c: {  	[tilespmem:s26], [sflag:$0x1] =	stream.linear.gather [hbm4b:s23+s4], $0x100, $0x38;
	[tilespmem:$0x1CA00] =	vst v63  }
0x22d: {  	p0 =	sne.s32 s21, $0x1FF;
	s25 =	spop (v2sf)  }
.Ltmp1:
0x22e: {  	s23 =	sand.u32 $0xFFFFF80, s25;
	(pc) =	sbr.rel @p0 .LBB2_4-.Ltmp1, $4  }
0x22f: {  	s26 =	sadd.s32 $0xC800, s22;
	s23 =	sadd.s32 s2, s23  }
0x230: {  	[tilespmem:s26], [sflag:$0x2] =	stream.linear.gather [hbm4b:s23+s4], $0x400, $0x38;
	[tilespmem:$0x1CA00] =	vst v63  }
0x231: {  	s21 =	sadd.s32 $0x1, s21;
	s22 =	sadd.s32 $0xCC00, s22;
	s23 =	sadd.s32 $0xF4280, s23  }
0x232: {  	[tilespmem:s22], [sflag:$0x2] =	stream.linear.gather [hbm4b:s23+s4], $0x100, $0x38;
	[tilespmem:$0x1CA00] =	vst v63  }
0x233: {  	s21 =	simm.s32 $0x1E8  }
.LBB2_6:
0x234: {  	_ =	swait.ge [sflag:s15], $0x500  }
0x235: {  	[sflag:s15] =	ssyncset.done $0x0  }
0x236: {  	[sflag:s15] =	ssyncadd.s32 $0xFFFFFB00  }
0x237: {  	_ =	swait.ge [sflag:s16], $0x500  }
0x238: {  	[sflag:s16] =	ssyncset.done $0x0  }
0x239: {  	s22 =	sand.u32 $0x1F0, s21;
	[sflag:s16] =	ssyncadd.s32 $0xFFFFFB00  }
0x23a: {  	v3 =	vld [tilespmem:s22+$0x400]  }
0x23b: {  	v4 =	vld [tilespmem:s22+$0x600];
	_ =	sdelay $0x1  }
0x23c: {  	s25 =	sand.u32 $0xF, s21  }
0x23d: {  	v5 =	vmov s25  }
0x23e: {  	s26 =	smul.u32 $0xAAAB, s21;
	v3 =	vperm.xlane v3, v5  }
0x23f: {  	v4 =	vperm.xlane v4, v5  }
0x240: {  	s22 =	sshrl.u32 s26, $0x11;
	v3 =	vadd.s32 v2, v3  }
0x241: {  	v63 =	vmov s21;
	s22 =	sand.u32 $0x18, s22;
	v4 =	vadd.s32 v2, v4  }
0x242: {  	v6 =	vshll.u32 v63, $0x3;
	s22 =	sadd.s32 s22, s21  }
0x243: {  	v6 =	vand.u32 $0xC00, v6;
	s22 =	sshll.u32 s22, $0xB;
	v5 =	vand.u32 $0x7F, v63  }
0x244: {  	s22 =	sand.u32 $0xF800, s22;
	v5 =	vor.u32 v6, v5  }
0x245: {  	v5 =	vor.u32 v0, v5;
	v3 =	vld.idx.msk [tilespmem:v3+s22+$0x800], $0x3ff  }
0x246: {  	p0 =	sne.s32 s21, $0x1FF;
	v4 =	vld.idx.msk [tilespmem:v4+s22+$0xC800], $0x3ff  }
.Ltmp2:
0x247: {  	_ = 	snop;
	(pc) =	sbr.rel @p0 .LBB2_6-.Ltmp2, $3  }
0x248: {  	_ =	sdelay $0x1  }
0x249: {  	[tilespmem:v5+s17+$0x0] =	vst.idx.msk $0x3ff, v3  }
0x24a: {  	s21 =	sadd.s32 $0x1, s21;
	[tilespmem:v5+s18+$0x0] =	vst.idx.msk $0x3ff, v4  }
0x24b: {  	s21 =	simm.s32 $0x0  }
0x24c: {  	s22 =	sand.u32 $0x70, s21;
	s23 =	sand.u32 $0xC00, s21  }
0x24d: {  	s22 =	sor.u32 s22, s23  }
0x24e: {  	v2 =	vld [tilespmem:s22+$0x1A880]  }
0x24f: {  	v3 =	vld [tilespmem:s22+$0x18880]  }
0x250: {  	v4 =	vld [tilespmem:s22+$0x1A800]  }
0x251: {  	v5 =	vld [tilespmem:s22+$0x18800]  }
0x252: {  	s23 =	sor.u32 s23, s21;
	v6 =	vld [tilespmem:s22+$0x1A900]  }
0x253: {  	v7 =	vld [tilespmem:s22+$0x18900];
	s23 =	sor.u32 $0x180, s23  }
0x254: {  	v8 =	vld [tilespmem:s23+$0x1A800]  }
0x255: {  	v11 =	vld [tilespmem:s23+$0x18800];
	v9 =	vmul.f32 v3, v3;
	v10 =	vmul.f32 v2, v2  }
0x256: {  	v14 =	vld [tilespmem:s22+$0x1AA00];
	v12 =	vmul.f32 v5, v5;
	v13 =	vmul.f32 v4, v4  }
0x257: {  	v16 =	vld [tilespmem:s22+$0x18A00];
	v15 =	vmul.f32 v6, v6  }
0x258: {  	v49 =	vld [tilespmem:s22+$0x1AA80];
	v48 =	vmul.f32 v7, v7;
	v9 =	vadd.f32 v9, v12;
	v10 =	vadd.f32 v10, v13  }
0x259: {  	v18 =	vld [tilespmem:s22+$0x18A80];
	v17 =	vmul.f32 v8, v8  }
0x25a: {  	s21 =	sor.u32 s21, s21;
	v51 =	vld [tilespmem:s22+$0x1AB00];
	v50 =	vmul.f32 v11, v11;
	v9 =	vadd.f32 v48, v9;
	v10 =	vadd.f32 v15, v10  }
0x25b: {  	v20 =	vld [tilespmem:s22+$0x18B00];
	s21 =	sor.u32 $0x380, s21;
	v19 =	vmul.f32 v14, v14  }
0x25c: {  	v53 =	vld [tilespmem:s21+$0x1A800];
	v52 =	vmul.f32 v16, v16;
	v9 =	vadd.f32 v50, v9;
	v10 =	vadd.f32 v17, v10  }
0x25d: {  	v22 =	vld [tilespmem:s21+$0x18800];
	v21 =	vmul.f32 v49, v49  }
0x25e: {  	v55 =	vld [tilespmem:s22+$0x1B800];
	v54 =	vmul.f32 v18, v18;
	v9 =	vadd.f32 v52, v9;
	v10 =	vadd.f32 v19, v10  }
0x25f: {  	v24 =	vld [tilespmem:s22+$0x19800];
	v23 =	vmul.f32 v51, v51  }
0x260: {  	v57 =	vld [tilespmem:s22+$0x1B880];
	v56 =	vmul.f32 v20, v20;
	v9 =	vadd.f32 v54, v9;
	v10 =	vadd.f32 v21, v10  }
0x261: {  	v26 =	vld [tilespmem:s22+$0x19880];
	v25 =	vmul.f32 v53, v53  }
0x262: {  	v58 =	vmul.f32 v22, v22;
	v9 =	vadd.f32 v56, v9;
	v10 =	vadd.f32 v23, v10  }
0x263: {  	v59 =	vmul.f32 v55, v55  }
0x264: {  	v60 =	vmul.f32 v24, v24;
	v9 =	vadd.f32 v58, v9;
	v10 =	vadd.f32 v25, v10  }
0x265: {  	v61 =	vmul.f32 v57, v57  }
0x266: {  	v62 =	vmul.f32 v26, v26;
	v9 =	vadd.f32 v60, v9;
	v10 =	vadd.f32 v59, v10;
	_ =	sdelay $0x1  }
0x267: {  	v9 =	vadd.f32 v62, v9;
	v10 =	vadd.f32 v61, v10;
	_ =	sdelay $0x1  }
0x268: {  	v9 =	vmul.f32 v10, v9;
	_ =	sdelay $0x1  }
0x269: {  	v10 =	vshra.s32 v9, $0x1;
	v9 =	vmul.f32 $5.000000000e-01, v9  }
0x26a: {  	v10 =	vsub.s32 $0x5F3759DF, v10  }
0x26b: {  	v63 =	vmul.f32 v10, v9;
	_ =	sdelay $0x1  }
0x26c: {  	v4 =	vmul.f32 v4, v5;
	v5 =	vmul.f32 v10, v63;
	_ =	sdelay $0x1  }
0x26d: {  	v2 =	vmul.f32 v2, v3;
	v4 =	vadd.f32 $0.0e+00, v4;
	v3 =	vsub.f32 $1.500000000e+00, v5;
	_ =	sdelay $0x1  }
0x26e: {  	v2 =	vadd.f32 v2, v4;
	v4 =	vmul.f32 v6, v7;
	v3 =	vmul.f32 v10, v3;
	_ =	sdelay $0x1  }
0x26f: {  	v2 =	vadd.f32 v4, v2;
	v4 =	vmul.f32 v8, v11;
	v5 =	vmul.f32 v3, v9;
	_ =	sdelay $0x1  }
0x270: {  	v2 =	vadd.f32 v4, v2;
	v4 =	vmul.f32 v14, v16;
	v5 =	vmul.f32 v5, v3;
	_ =	sdelay $0x1  }
0x271: {  	v2 =	vadd.f32 v4, v2;
	v4 =	vmul.f32 v49, v18;
	v5 =	vsub.f32 $1.500000000e+00, v5;
	_ =	sdelay $0x1  }
0x272: {  	v2 =	vadd.f32 v4, v2;
	v4 =	vmul.f32 v51, v20;
	v3 =	vmul.f32 v5, v3;
	_ =	sdelay $0x1  }
0x273: {  	v2 =	vadd.f32 v4, v2;
	v4 =	vmul.f32 v53, v22;
	v5 =	vmul.f32 v3, v9;
	_ =	sdelay $0x1  }
0x274: {  	v2 =	vadd.f32 v4, v2;
	v4 =	vmul.f32 v55, v24;
	v5 =	vmul.f32 v5, v3;
	_ =	sdelay $0x1  }
0x275: {  	v2 =	vadd.f32 v4, v2;
	v4 =	vmul.f32 v57, v26;
	v5 =	vsub.f32 $1.500000000e+00, v5;
	_ =	sdelay $0x1  }
0x276: {  	v2 =	vadd.f32 v4, v2;
	v3 =	vmul.f32 v5, v3;
	_ =	sdelay $0x1  }
0x277: {  	s22 =	simm.s32 $0x10;
	s23 =	simm.s32 $0x80;
	v2 =	vmul.f32 v3, v2  }
0x278: {  	s21 =	simm.s32 $0x1C800;
	s24 =	sand.u32 $0x70, s22;
	s26 =	sand.u32 $0xC00, s23  }
0x279: {  	s25 =	sor.u32 s24, s26;
	[tilespmem:s21+$0x0] =	vst v2  }
0x27a: {  	v2 =	vld [tilespmem:s25+$0x1A880]  }
0x27b: {  	s24 =	simm.s32 $0x20;
	v3 =	vld [tilespmem:s25+$0x18880]  }
.LBB2_8:
0x27c: {  	p0 =	sne.s32 s24, $0x1F0;
	v4 =	vld [tilespmem:s25+$0x1A800]  }
0x27d: {  	v5 =	vld [tilespmem:s25+$0x18800]  }
0x27e: {  	s26 =	sor.u32 s26, s22;
	v6 =	vld [tilespmem:s25+$0x1A900]  }
0x27f: {  	s26 =	sor.u32 $0x180, s26;
	v7 =	vld [tilespmem:s25+$0x18900]  }
0x280: {  	v8 =	vld [tilespmem:s26+$0x1A800]  }
0x281: {  	v10 =	vmul.f32 v2, v2;
	v9 =	vmul.f32 v3, v3;
	v11 =	vld [tilespmem:s26+$0x18800]  }
0x282: {  	v13 =	vmul.f32 v4, v4;
	v12 =	vmul.f32 v5, v5;
	v14 =	vld [tilespmem:s25+$0x1AA00]  }
0x283: {  	v15 =	vmul.f32 v6, v6;
	v16 =	vld [tilespmem:s25+$0x18A00]  }
0x284: {  	v10 =	vadd.f32 v10, v13;
	v9 =	vadd.f32 v9, v12;
	v12 =	vmul.f32 v7, v7;
	v13 =	vld [tilespmem:s25+$0x1AA80]  }
0x285: {  	v17 =	vmul.f32 v8, v8;
	v18 =	vld [tilespmem:s25+$0x18A80]  }
0x286: {  	s26 =	sor.u32 s23, s22;
	s22 =	smov.u32 s24;
	v10 =	vadd.f32 v15, v10;
	v9 =	vadd.f32 v12, v9;
	v12 =	vmul.f32 v11, v11;
	v15 =	vld [tilespmem:s25+$0x1AB00]  }
0x287: {  	s26 =	sor.u32 $0x380, s26;
	v19 =	vmul.f32 v14, v14;
	v20 =	vld [tilespmem:s25+$0x18B00]  }
0x288: {  	v10 =	vadd.f32 v17, v10;
	v9 =	vadd.f32 v12, v9;
	v12 =	vmul.f32 v16, v16;
	v17 =	vld [tilespmem:s26+$0x1A800]  }
0x289: {  	v21 =	vmul.f32 v13, v13;
	v22 =	vld [tilespmem:s26+$0x18800]  }
0x28a: {  	v10 =	vadd.f32 v19, v10;
	v9 =	vadd.f32 v12, v9;
	v12 =	vmul.f32 v18, v18;
	v19 =	vld [tilespmem:s25+$0x1B800]  }
0x28b: {  	v23 =	vmul.f32 v15, v15;
	v24 =	vld [tilespmem:s25+$0x19800]  }
0x28c: {  	v10 =	vadd.f32 v21, v10;
	v9 =	vadd.f32 v12, v9;
	v12 =	vmul.f32 v20, v20;
	v21 =	vld [tilespmem:s25+$0x1B880]  }
0x28d: {  	v25 =	vmul.f32 v17, v17;
	v26 =	vld [tilespmem:s25+$0x19880]  }
0x28e: {  	v10 =	vadd.f32 v23, v10;
	v9 =	vadd.f32 v12, v9;
	v12 =	vmul.f32 v22, v22  }
0x28f: {  	v23 =	vmul.f32 v19, v19  }
0x290: {  	v10 =	vadd.f32 v25, v10;
	v9 =	vadd.f32 v12, v9;
	v12 =	vmul.f32 v24, v24  }
0x291: {  	v25 =	vmul.f32 v21, v21  }
0x292: {  	v10 =	vadd.f32 v23, v10;
	v9 =	vadd.f32 v12, v9;
	v12 =	vmul.f32 v26, v26;
	_ =	sdelay $0x1  }
0x293: {  	v10 =	vadd.f32 v25, v10;
	v9 =	vadd.f32 v12, v9;
	_ =	sdelay $0x1  }
0x294: {  	v9 =	vmul.f32 v10, v9;
	_ =	sdelay $0x1  }
0x295: {  	v10 =	vshra.s32 v9, $0x1;
	v9 =	vmul.f32 $5.000000000e-01, v9  }
0x296: {  	v10 =	vsub.s32 $0x5F3759DF, v10  }
0x297: {  	v12 =	vmul.f32 v10, v9;
	_ =	sdelay $0x1  }
0x298: {  	v4 =	vmul.f32 v4, v5;
	v5 =	vmul.f32 v10, v12;
	_ =	sdelay $0x1  }
0x299: {  	v2 =	vmul.f32 v2, v3;
	v4 =	vadd.f32 $0.0e+00, v4;
	v3 =	vsub.f32 $1.500000000e+00, v5;
	_ =	sdelay $0x1  }
0x29a: {  	v2 =	vadd.f32 v2, v4;
	v4 =	vmul.f32 v6, v7;
	v3 =	vmul.f32 v10, v3;
	_ =	sdelay $0x1  }
0x29b: {  	v2 =	vadd.f32 v4, v2;
	v4 =	vmul.f32 v8, v11;
	v5 =	vmul.f32 v3, v9;
	_ =	sdelay $0x1  }
0x29c: {  	v2 =	vadd.f32 v4, v2;
	v4 =	vmul.f32 v14, v16;
	v5 =	vmul.f32 v5, v3;
	_ =	sdelay $0x1  }
0x29d: {  	v2 =	vadd.f32 v4, v2;
	v4 =	vmul.f32 v13, v18;
	v5 =	vsub.f32 $1.500000000e+00, v5;
	_ =	sdelay $0x1  }
0x29e: {  	v2 =	vadd.f32 v4, v2;
	v4 =	vmul.f32 v15, v20;
	v3 =	vmul.f32 v5, v3;
	_ =	sdelay $0x1  }
0x29f: {  	v2 =	vadd.f32 v4, v2;
	v4 =	vmul.f32 v17, v22;
	v5 =	vmul.f32 v3, v9;
	_ =	sdelay $0x1  }
0x2a0: {  	v2 =	vadd.f32 v4, v2;
	v4 =	vmul.f32 v19, v24;
	v5 =	vmul.f32 v5, v3;
	_ =	sdelay $0x1  }
0x2a1: {  	v2 =	vadd.f32 v4, v2;
	v4 =	vmul.f32 v21, v26;
	v5 =	vsub.f32 $1.500000000e+00, v5;
	_ =	sdelay $0x1  }
0x2a2: {  	v2 =	vadd.f32 v4, v2;
	v3 =	vmul.f32 v5, v3;
	_ =	sdelay $0x1  }
.Ltmp3:
0x2a3: {  	s23 =	sadd.s32 $0x80, s23;
	v2 =	vmul.f32 v3, v2;
	(pc) =	sbr.rel @p0 .LBB2_8-.Ltmp3, $4  }
0x2a4: {  	s21 =	sadd.s32 $0x10, s21;
	s26 =	sand.u32 $0xC00, s23;
	s25 =	sand.u32 $0x70, s24  }
0x2a5: {  	s25 =	sor.u32 s25, s26;
	[tilespmem:s21+$0x0] =	vst v2  }
0x2a6: {  	v2 =	vld [tilespmem:s25+$0x1A880]  }
0x2a7: {  	s24 =	sadd.s32 $0x10, s24;
	v3 =	vld [tilespmem:s25+$0x18880]  }
0x2a8: {  	v4 =	vld [tilespmem:s25+$0x1A800]  }
0x2a9: {  	v5 =	vld [tilespmem:s25+$0x18800]  }
0x2aa: {  	v6 =	vld [tilespmem:s25+$0x1A900];
	s24 =	sor.u32 s26, s22  }
0x2ab: {  	v7 =	vld [tilespmem:s25+$0x18900];
	s24 =	sor.u32 $0x180, s24  }
0x2ac: {  	v8 =	vld [tilespmem:s24+$0x1A800]  }
0x2ad: {  	v11 =	vld [tilespmem:s24+$0x18800];
	v10 =	vmul.f32 v2, v2;
	v9 =	vmul.f32 v3, v3  }
0x2ae: {  	v14 =	vld [tilespmem:s25+$0x1AA00];
	v12 =	vmul.f32 v5, v5;
	v13 =	vmul.f32 v4, v4  }
0x2af: {  	v16 =	vld [tilespmem:s25+$0x18A00];
	v15 =	vmul.f32 v6, v6  }
0x2b0: {  	v39 =	vld [tilespmem:s25+$0x1AA80];
	v38 =	vmul.f32 v7, v7;
	v9 =	vadd.f32 v9, v12;
	v10 =	vadd.f32 v10, v13  }
0x2b1: {  	v18 =	vld [tilespmem:s25+$0x18A80];
	v17 =	vmul.f32 v8, v8  }
0x2b2: {  	v41 =	vld [tilespmem:s25+$0x1AB00];
	s26 =	sor.u32 s23, s22;
	v40 =	vmul.f32 v11, v11;
	v9 =	vadd.f32 v38, v9;
	v10 =	vadd.f32 v15, v10  }
0x2b3: {  	v20 =	vld [tilespmem:s25+$0x18B00];
	s22 =	sor.u32 $0x380, s26;
	v19 =	vmul.f32 v14, v14  }
0x2b4: {  	v43 =	vld [tilespmem:s22+$0x1A800];
	v42 =	vmul.f32 v16, v16;
	v9 =	vadd.f32 v40, v9;
	v10 =	vadd.f32 v17, v10  }
0x2b5: {  	v22 =	vld [tilespmem:s22+$0x18800];
	v21 =	vmul.f32 v39, v39  }
0x2b6: {  	v45 =	vld [tilespmem:s25+$0x1B800];
	v44 =	vmul.f32 v18, v18;
	v9 =	vadd.f32 v42, v9;
	v10 =	vadd.f32 v19, v10  }
0x2b7: {  	v24 =	vld [tilespmem:s25+$0x19800];
	v23 =	vmul.f32 v41, v41  }
0x2b8: {  	v47 =	vld [tilespmem:s25+$0x1B880];
	v46 =	vmul.f32 v20, v20;
	v9 =	vadd.f32 v44, v9;
	v10 =	vadd.f32 v21, v10  }
0x2b9: {  	v26 =	vld [tilespmem:s25+$0x19880];
	v25 =	vmul.f32 v43, v43  }
0x2ba: {  	v48 =	vmul.f32 v22, v22;
	v9 =	vadd.f32 v46, v9;
	v10 =	vadd.f32 v23, v10  }
0x2bb: {  	v49 =	vmul.f32 v45, v45  }
0x2bc: {  	v50 =	vmul.f32 v24, v24;
	v9 =	vadd.f32 v48, v9;
	v10 =	vadd.f32 v25, v10  }
0x2bd: {  	v51 =	vmul.f32 v47, v47  }
0x2be: {  	v52 =	vmul.f32 v26, v26;
	v9 =	vadd.f32 v50, v9;
	v10 =	vadd.f32 v49, v10;
	_ =	sdelay $0x1  }
0x2bf: {  	v9 =	vadd.f32 v52, v9;
	v10 =	vadd.f32 v51, v10;
	_ =	sdelay $0x1  }
0x2c0: {  	v9 =	vmul.f32 v10, v9;
	_ =	sdelay $0x1  }
0x2c1: {  	v10 =	vshra.s32 v9, $0x1;
	v9 =	vmul.f32 $5.000000000e-01, v9  }
0x2c2: {  	v10 =	vsub.s32 $0x5F3759DF, v10  }
0x2c3: {  	v53 =	vmul.f32 v10, v9;
	_ =	sdelay $0x1  }
0x2c4: {  	v4 =	vmul.f32 v4, v5;
	v54 =	vmul.f32 v10, v53;
	_ =	sdelay $0x1  }
0x2c5: {  	v2 =	vmul.f32 v2, v3;
	v4 =	vadd.f32 $0.0e+00, v4;
	v3 =	vsub.f32 $1.500000000e+00, v54;
	_ =	sdelay $0x1  }
0x2c6: {  	v55 =	vmul.f32 v6, v7;
	v2 =	vadd.f32 v2, v4;
	v3 =	vmul.f32 v10, v3;
	_ =	sdelay $0x1  }
0x2c7: {  	v56 =	vmul.f32 v8, v11;
	v2 =	vadd.f32 v55, v2;
	v57 =	vmul.f32 v3, v9;
	_ =	sdelay $0x1  }
0x2c8: {  	v58 =	vmul.f32 v14, v16;
	v2 =	vadd.f32 v56, v2;
	v5 =	vmul.f32 v57, v3;
	_ =	sdelay $0x1  }
0x2c9: {  	v59 =	vmul.f32 v39, v18;
	v2 =	vadd.f32 v58, v2;
	v5 =	vsub.f32 $1.500000000e+00, v5;
	_ =	sdelay $0x1  }
0x2ca: {  	v60 =	vmul.f32 v41, v20;
	v2 =	vadd.f32 v59, v2;
	v3 =	vmul.f32 v5, v3;
	_ =	sdelay $0x1  }
0x2cb: {  	v61 =	vmul.f32 v43, v22;
	v2 =	vadd.f32 v60, v2;
	v5 =	vmul.f32 v3, v9;
	_ =	sdelay $0x1  }
0x2cc: {  	v62 =	vmul.f32 v45, v24;
	v2 =	vadd.f32 v61, v2;
	v5 =	vmul.f32 v5, v3;
	_ =	sdelay $0x1  }
0x2cd: {  	v63 =	vmul.f32 v47, v26;
	v2 =	vadd.f32 v62, v2;
	v5 =	vsub.f32 $1.500000000e+00, v5;
	_ =	sdelay $0x1  }
0x2ce: {  	v2 =	vadd.f32 v63, v2;
	v3 =	vmul.f32 v5, v3;
	_ =	sdelay $0x1  }
0x2cf: {  	s20 =	sadd.s32 $0x1, s20;
	v2 =	vmul.f32 v3, v2  }
0x2d0: {  	s21 =	sadd.s32 $0x10, s21;
	p0 =	sne.s32 s20, s8  }
.Ltmp4:
0x2d1: {  	[tilespmem:s21+$0x0] =	vst v2;
	(pc) =	sbr.rel @p0 .LBB2_1-.Ltmp4, $4  }
0x2d2: {  	[hbm4b:s7+s4] =	stream.linear.scatter [tilespmem:s19], [sflag:$0x3], $0x200, $0x38;
	[tilespmem:$0x1CA00] =	vst v63  }
0x2d3: {  	_ =	swait.ge [sflag:s9], $0x200  }
0x2d4: {  	[sflag:s9] =	ssyncset.done $0x0  }
0x2d5: {  	[sflag:s9] =	ssyncadd.s32 $0xFFFFFE00  }
0x2d6: {  	_ =	sfence.sel $0x180000  }
0x2d7: {  	[bflag:$0x0] =	sbarrier.arrive $0xFFFF  }
0x2d8: {  	_ =	strace $0x90000047  }
0x2d9: {  	s0 =	stileid.u32;
	[bflag:$0x2] =	sbarrier.arrive $0xFFFF  }
0x2da: {  	p0 =	sne.s32 s0, $0x0;
	s0 =	rddreg [dreg:$0x5]  }
0x2db: {  	s0 =	sadd.s32 @!p0 $0x100000, s0  }
0x2dc: {  	[sflag:s0] =	ssyncadd.tile.s32 @!p0 $0x1;
	_ =	shalt  }
.Lfunc_end2:
_tile_overlayer_lowered:
.L_overlay_start_2:
0x2dd: {  	(tag) =	ssettag $0x2  }
0x2de: {  	s0 =	rddreg [dreg:$0x0];
	s2 =	stileid.u32  }
0x2df: {  	s1 =	rddreg [dreg:$0x1];
	p0 =	sne.s32 s2, $0x0  }
0x2e0: {  	s3 =	rddreg [dreg:$0x2];
	[bflag:$0x3] =	sbarrier.arrive $0xFFFF;
	s2 =	simm.s32 @!p0 $0x1C03  }
0x2e1: {  	[timem:s3], [sflag:s2] =	dma.local @!p0 [hbm:s0], s1  }
0x2e2: {  	s0 =	simm.s32 @!p0 $0x3  }
0x2e3: {  	_ =	swait.ge @!p0 [sflag:s0], s1  }
0x2e4: {  	s1 =	ssub.s32 @!p0 $0x0, s1;
	[sflag:s0] =	ssyncset.done @!p0 $0x0  }
0x2e5: {  	[sflag:s0] =	ssyncadd.s32 @!p0 s1  }
0x2e6: {  	[bflag:$0x3] =	sbarrier.arrive $0xFFFF  }
0x2e7: {  	_ =	shalt  }

</sc_bundles>
